<compile_context>
chip_gen: v7x
topology: tpu7x:2x2x1
jax: 0.10.2.dev20260603
libtpu: 0.0.44.dev20260713+nightly
codegen_flags: <defaults>
</compile_context>

<pallas_src>
import jax
import jax.numpy as jnp
from jax.experimental import pallas as pl
from jax.experimental.pallas import tpu as pltpu

_EMBED = 16
_H = 96
_N = 64
_E = 1088
_STEPS = 4
_NEG = -1e9
_BB = 16
_INTERPRET = False


def _relu(v):
    return jnp.maximum(v, 0.0)


_DN = (((1,), (0,)), ((), ()))


def _mx(a, b):
    return jax.lax.dot_general(a, b, _DN, preferred_element_type=jnp.float32)


def _iota(shape, dim):
    return jax.lax.broadcasted_iota(jnp.int32, shape, dim)


def _rrn_kernel(inp_ref, y_ref, edges_ref, edgest_ref, rc_ref,
                exw1i_ref, exw1rc_ref, w6_ref, w2a_ref, wlstm_ref,
                bias6_ref, bg_ref, lb1_ref, outw_ref, outb_ref,
                o_ref, loss_ref, scr_ref, fin_ref):
    R = _BB * _N
    f32 = jnp.float32

    eo = (inp_ref[...] == _iota((R, _EMBED), 1)).astype(f32)
    y1h = (y_ref[...] == _iota((R, _EMBED), 1)).astype(f32)
    erc = jnp.concatenate(
        [(rc_ref[:, 0:1] == _iota((_N, _EMBED), 1)).astype(f32),
         (rc_ref[:, 1:2] == _iota((_N, _EMBED), 1)).astype(f32)], axis=1)
    gcat = jnp.concatenate(
        [(edges_ref[:, 0:1] == _iota((_E, _N), 1)).astype(f32),
         (edges_ref[:, 1:2] == _iota((_E, _N), 1)).astype(f32)], axis=1)
    gdt = (edgest_ref[1:2, :] == _iota((_N, _E), 0)).astype(f32)

    exw1i = exw1i_ref[...]
    exw1rc = exw1rc_ref[...]
    exw2 = w6_ref[0]
    exw3 = w6_ref[1]
    mm2w = w6_ref[2]
    mm3w = w6_ref[3]
    li2w = w6_ref[4]
    li3w = w6_ref[5]
    mm1a = w2a_ref[0, 0:_H]
    mm1b = w2a_ref[0, _H:2 * _H]
    li1f = w2a_ref[1, 0:_H]
    li1x = w2a_ref[1, _H:2 * _H]
    wih = wlstm_ref[0]
    whh = wlstm_ref[1]
    exb2 = bias6_ref[0:1]
    exb3 = bias6_ref[1:2]
    mmb1 = bias6_ref[2:3]
    mmb2 = bias6_ref[3:4]
    lib2 = bias6_ref[4:5]
    lib3 = bias6_ref[5:6]
    bg = bg_ref[...]
    outw = outw_ref[...]
    outb = outb_ref[...]

    xrc1 = _mx(erc, exw1rc)
    x = _relu(_mx(eo, exw1i) + jnp.concatenate([xrc1] * _BB, axis=0))
    x = _relu(_mx(x, exw2) + exb2)
    x = _mx(x, exw3) + exb3
    lb1 = jnp.concatenate([lb1_ref[...]] * _BB, axis=0)
    xli = _mx(x, li1x) + lb1

    hm = x
    h = None
    c = None
    acc = jnp.zeros((), f32)
    B = range(_BB)
    for t in range(_STEPS):
        av = _mx(hm, mm1a) + mmb1
        bv = _mx(hm, mm1b)
        for j in B:
            abj = jnp.concatenate(
                [av[j * _N:(j + 1) * _N], bv[j * _N:(j + 1) * _N]], axis=0)
            scr_ref[pl.ds(j * _E, _E), :] = _mx(gcat, abj)
        m1 = _relu(scr_ref[...])
        m2 = _relu(_mx(m1, mm2w) + mmb2)
        msgs = _mx(m2, mm3w)
        for j in B:
            fin_ref[pl.ds(j * _N, _N), :] = _mx(
                gdt, msgs[j * _E:(j + 1) * _E])
        fin = fin_ref[...]
        li1 = _relu(_mx(fin, li1f) + xli)
        li2 = _relu(_mx(li1, li2w) + lib2)
        il = _mx(li2, li3w) + lib3
        gates = _mx(il, wih) + bg
        if t > 0:
            gates = gates + _mx(h, whh)
        ig = gates[:, 0:_H]
        fg = gates[:, _H:2 * _H]
        gg = gates[:, 2 * _H:3 * _H]
        og = gates[:, 3 * _H:4 * _H]
        newc = jax.nn.sigmoid(ig) * jnp.tanh(gg)
        if t > 0:
            newc = newc + jax.nn.sigmoid(fg) * c
        c = newc
        h = jax.nn.sigmoid(og) * jnp.tanh(newc)
        hm = h
        o16 = _mx(c, outw) + outb
        mmax = jnp.max(o16, axis=1, keepdims=True)
        lse = jnp.log(jnp.sum(jnp.exp(o16 - mmax), axis=1,
                              keepdims=True)) + mmax
        acc = acc + jnp.sum((o16 - lse) * y1h)

    o_ref[...] = o16.reshape(_BB, _N, _EMBED)
    loss_ref[...] = jnp.broadcast_to(acc, (1, 1, 128)).astype(f32)


def kernel(inp, y_true, edges, row_col,
           ex_w1, ex_b1, ex_w2, ex_b2, ex_w3, ex_b3,
           mm_w1, mm_b1, mm_w2, mm_b2, mm_w3, mm_b3,
           li_w1, li_b1, li_w2, li_b2, li_w3, li_b3,
           out_w, out_b, lstm_wih, lstm_whh, lstm_bih, lstm_bhh):
    f32 = jnp.float32
    bs = inp.shape[0]
    e = edges.shape[0]
    inp2 = inp.astype(jnp.int32).reshape(bs * _N, 1)
    y2 = y_true.astype(jnp.int32).reshape(bs * _N, 1)
    edges = edges.astype(jnp.int32)
    edges_t = edges.T
    row_col = row_col.astype(jnp.int32)

    exw1i = ex_w1[:, :_EMBED].T + ex_b1[None, :]
    exw1rc = ex_w1[:, _EMBED:].T
    w6 = jnp.stack([ex_w2, ex_w3, mm_w2, mm_w3, li_w2, li_w3]
                   ).transpose(0, 2, 1)
    w2a = jnp.stack([mm_w1, li_w1]).transpose(0, 2, 1)
    wlstm = jnp.stack([lstm_wih, lstm_whh]).transpose(0, 2, 1)
    bias6 = jnp.stack([ex_b2, ex_b3, mm_b1, mm_b2, li_b2, li_b3])
    bg = (lstm_bih + lstm_bhh).reshape(1, 4 * _H)
    indeg = jnp.zeros((_N,), f32).at[edges[:, 1]].add(1.0)
    lb1 = li_b1[None, :] + indeg[:, None] * (mm_b3[None, :] @ li_w1[:, :_H].T)
    outw = jnp.zeros((_H, _EMBED), f32).at[:, :9].set(out_w.T)
    outb = jnp.full((1, _EMBED), _NEG, f32).at[0, :9].set(out_b)

    full = lambda shape: pl.BlockSpec(shape, lambda i: (0,) * len(shape))
    R = _BB * _N

    o_out, loss_out = pl.pallas_call(
        _rrn_kernel,
        grid=(bs // _BB,),
        in_specs=[
            pl.BlockSpec((R, 1), lambda i: (i, 0)),
            pl.BlockSpec((R, 1), lambda i: (i, 0)),
            full((e, 2)), full((2, e)), full((_N, 2)),
            full((_EMBED, _H)), full((32, _H)),
            full((6, _H, _H)), full((2, 2 * _H, _H)), full((2, _H, 4 * _H)),
            full((6, _H)), full((1, 4 * _H)), full((_N, _H)),
            full((_H, _EMBED)), full((1, _EMBED)),
        ],
        out_specs=[
            pl.BlockSpec((_BB, _N, _EMBED), lambda i: (i, 0, 0)),
            pl.BlockSpec((1, 1, 128), lambda i: (i, 0, 0)),
        ],
        out_shape=[
            jax.ShapeDtypeStruct((bs, _N, _EMBED), f32),
            jax.ShapeDtypeStruct((bs // _BB, 1, 128), f32),
        ],
        scratch_shapes=[
            pltpu.VMEM((_BB * _E, _H), f32),
            pltpu.VMEM((R, _H), f32),
        ],
        compiler_params=pltpu.CompilerParams(
            dimension_semantics=("parallel",)),
        interpret=_INTERPRET,
    )(inp2, y2, edges, edges_t, row_col,
      exw1i, exw1rc, w6, w2a, wlstm, bias6, bg, lb1, outw, outb)

    o = o_out.reshape(bs * _N, _EMBED)[:, :9]
    l = -jnp.sum(loss_out[:, 0, 0]) / (bs * _N)
    return (o, l)

# --- scband reference (transcript-rebuilt; emitter-appended) ---
"""Pipeline reference for scband-rrn-5729486372990 (READ-ONLY COPY).

The authoritative reference and input builder live on the scoring server;
editing this copy changes nothing except your own understanding.
"""

import jax, jax.numpy as jnp
import numpy as np

EMBED_DIM = 16
HIDDEN = 96
NUM_STEPS = 4
BS = 128

PARAM_NAMES = ["ex_w1","ex_b1","ex_w2","ex_b2","ex_w3","ex_b3","mm_w1","mm_b1","mm_w2","mm_b2","mm_w3","mm_b3","li_w1","li_b1","li_w2","li_b2","li_w3","li_b3","out_w","out_b","lstm_wih","lstm_whh","lstm_bih","lstm_bhh"]

PARAM_SHAPES = {
    "ex_w1": (HIDDEN, 3 * EMBED_DIM), "ex_b1": (HIDDEN,),
    "ex_w2": (HIDDEN, HIDDEN), "ex_b2": (HIDDEN,),
    "ex_w3": (HIDDEN, HIDDEN), "ex_b3": (HIDDEN,),
    "mm_w1": (HIDDEN, 2 * HIDDEN), "mm_b1": (HIDDEN,),
    "mm_w2": (HIDDEN, HIDDEN), "mm_b2": (HIDDEN,),
    "mm_w3": (HIDDEN, HIDDEN), "mm_b3": (HIDDEN,),
    "li_w1": (HIDDEN, 2 * HIDDEN), "li_b1": (HIDDEN,),
    "li_w2": (HIDDEN, HIDDEN), "li_b2": (HIDDEN,),
    "li_w3": (HIDDEN, HIDDEN), "li_b3": (HIDDEN,),
    "out_w": (9, HIDDEN), "out_b": (9,),
    "lstm_wih": (4 * HIDDEN, HIDDEN), "lstm_whh": (4 * HIDDEN, HIDDEN),
    "lstm_bih": (4 * HIDDEN,), "lstm_bhh": (4 * HIDDEN,),
}


def _build_edges():
    idx = np.arange(64).reshape(8, 8)
    er, ec, eb = [], [], []
    for i in range(8):
        v = idx[i, :]
        er += [(int(a), int(b)) for a in v for b in v if a != b]
        v = idx[:, i]
        ec += [(int(a), int(b)) for a in v for b in v if a != b]
    for i in range(4):
        for j in range(2):
            v = idx[2 * i:2 * (i + 1), 4 * j:4 * (j + 1)].reshape(-1)
            eb += [(int(a), int(b)) for a in v for b in v if a != b]
    return np.array(sorted(set(er + ec + eb)), dtype=np.int32)


def setup_inputs(seed: int = 0):
    key = jax.random.key(seed)
    ks = jax.random.split(key, 40)
    d = {}
    d["inp"] = jax.random.randint(ks[0], (BS, 64), 0, 9)
    d["y_true"] = jax.random.randint(ks[1], (BS * 64,), 0, 9)
    d["edges"] = jnp.asarray(_build_edges())
    d["row_col"] = jnp.asarray(np.array([(i, j) for i in range(8) for j in range(8)], dtype=np.int32))
    for i, name in enumerate(PARAM_NAMES):
        d[name] = jax.random.normal(ks[i + 2], PARAM_SHAPES[name], dtype=jnp.float32) * 0.05
    return d


def _mlp(x, w1, b1, w2, b2, w3, b3):
    x = jax.nn.relu(x @ w1.T + b1)
    x = jax.nn.relu(x @ w2.T + b2)
    return x @ w3.T + b3


def _forward(params, inp, y_true, edges, row_col):
    (ex_w1, ex_b1, ex_w2, ex_b2, ex_w3, ex_b3,
     mm_w1, mm_b1, mm_w2, mm_b2, mm_w3, mm_b3,
     li_w1, li_b1, li_w2, li_b2, li_w3, li_b3,
     out_w, out_b, lstm_wih, lstm_whh, lstm_bih, lstm_bhh) = params
    bs = inp.shape[0]
    flat = inp.reshape(-1)
    emb_inp = jax.nn.one_hot(flat, EMBED_DIM, dtype=jnp.float32)
    rc = jnp.tile(row_col, (bs, 1))
    emb_row = jax.nn.one_hot(rc[:, 0], EMBED_DIM, dtype=jnp.float32)
    emb_col = jax.nn.one_hot(rc[:, 1], EMBED_DIM, dtype=jnp.float32)
    x = _mlp(jnp.concatenate([emb_inp, emb_row, emb_col], axis=1), ex_w1, ex_b1, ex_w2, ex_b2, ex_w3, ex_b3)
    h_for_msgs = jax.lax.stop_gradient(x)
    h = jnp.zeros_like(x)
    c = jnp.zeros_like(x)
    dst = edges[:, 1]
    l = jnp.float32(0.0)
    o = None
    for t in range(NUM_STEPS):
        hm = h_for_msgs.reshape(bs, 64, HIDDEN)
        gathered = hm[:, edges]
        msgs = _mlp(gathered.reshape(-1, 2 * HIDDEN), mm_w1, mm_b1, mm_w2, mm_b2, mm_w3, mm_b3)
        msgs = msgs.reshape(bs, -1, HIDDEN)
        final = jnp.zeros((bs, 64, HIDDEN), dtype=jnp.float32).at[:, dst].add(msgs)
        final = final.reshape(-1, HIDDEN)
        inp_lstm = _mlp(jnp.concatenate([final, x], axis=1), li_w1, li_b1, li_w2, li_b2, li_w3, li_b3)
        gates = inp_lstm @ lstm_wih.T + lstm_bih + h @ lstm_whh.T + lstm_bhh
        i_g, f_g, g_g, o_g = jnp.split(gates, 4, axis=1)
        c = jax.nn.sigmoid(f_g) * c + jax.nn.sigmoid(i_g) * jnp.tanh(g_g)
        h = jax.nn.sigmoid(o_g) * jnp.tanh(c)
        h_for_msgs = h
        o = c @ out_w.T + out_b
        logp = jax.nn.log_softmax(o, axis=-1)
        l = l - jnp.mean(jnp.take_along_axis(logp, y_true[:, None], axis=1))
    return (o, l)


def reference(inp, y_true, edges, row_col,
              ex_w1, ex_b1, ex_w2, ex_b2, ex_w3, ex_b3,
              mm_w1, mm_b1, mm_w2, mm_b2, mm_w3, mm_b3,
              li_w1, li_b1, li_w2, li_b2, li_w3, li_b3,
              out_w, out_b, lstm_wih, lstm_whh, lstm_bih, lstm_bhh):
    params = (ex_w1, ex_b1, ex_w2, ex_b2, ex_w3, ex_b3,
              mm_w1, mm_b1, mm_w2, mm_b2, mm_w3, mm_b3,
              li_w1, li_b1, li_w2, li_b2, li_w3, li_b3,
              out_w, out_b, lstm_wih, lstm_whh, lstm_bih, lstm_bhh)
    return _forward(params, inp, y_true, edges, row_col)

if __name__ == "__main__":
    import jax
    _d = setup_inputs()
    print(jax.jit(kernel)(*tuple(_d.values())))

</pallas_src>

<mosaic_0001>
module attributes {stable_mosaic.version = 14 : i64} {
  func.func @_rrn_kernel(%arg0: i32, %arg1: memref<1024x1xi32, #tpu.memory_space<vmem>>, %arg2: memref<1024x1xi32, #tpu.memory_space<vmem>>, %arg3: memref<1088x2xi32, #tpu.memory_space<vmem>>, %arg4: memref<2x1088xi32, #tpu.memory_space<vmem>>, %arg5: memref<64x2xi32, #tpu.memory_space<vmem>>, %arg6: memref<16x96xf32, #tpu.memory_space<vmem>>, %arg7: memref<32x96xf32, #tpu.memory_space<vmem>>, %arg8: memref<6x96x96xf32, #tpu.memory_space<vmem>>, %arg9: memref<2x192x96xf32, #tpu.memory_space<vmem>>, %arg10: memref<2x96x384xf32, #tpu.memory_space<vmem>>, %arg11: memref<6x96xf32, #tpu.memory_space<vmem>>, %arg12: memref<1x384xf32, #tpu.memory_space<vmem>>, %arg13: memref<64x96xf32, #tpu.memory_space<vmem>>, %arg14: memref<96x16xf32, #tpu.memory_space<vmem>>, %arg15: memref<1x16xf32, #tpu.memory_space<vmem>>, %arg16: memref<16x64x16xf32, #tpu.memory_space<vmem>>, %arg17: memref<1x1x128xf32, #tpu.memory_space<vmem>>, %arg18: memref<17408x96xf32, #tpu.memory_space<vmem>>, %arg19: memref<1024x96xf32, #tpu.memory_space<vmem>>) attributes {dimension_semantics = [#tpu.dimension_semantics<parallel>], iteration_bounds = array<i64: 8>, scalar_prefetch = 0 : i64, scratch_operands = 2 : i64, tpu.core_type = #tpu.core_type<tc>, window_params = [{transform_indices = @transform_0, window_bounds = array<i64: 1024, 1>}, {transform_indices = @transform_1, window_bounds = array<i64: 1024, 1>}, {pipeline_mode = #tpu.pipeline_mode<synchronous>, transform_indices = @transform_2, window_bounds = array<i64: 1088, 2>}, {pipeline_mode = #tpu.pipeline_mode<synchronous>, transform_indices = @transform_3, window_bounds = array<i64: 2, 1088>}, {pipeline_mode = #tpu.pipeline_mode<synchronous>, transform_indices = @transform_4, window_bounds = array<i64: 64, 2>}, {pipeline_mode = #tpu.pipeline_mode<synchronous>, transform_indices = @transform_5, window_bounds = array<i64: 16, 96>}, {pipeline_mode = #tpu.pipeline_mode<synchronous>, transform_indices = @transform_6, window_bounds = array<i64: 32, 96>}, {pipeline_mode = #tpu.pipeline_mode<synchronous>, transform_indices = @transform_7, window_bounds = array<i64: 6, 96, 96>}, {pipeline_mode = #tpu.pipeline_mode<synchronous>, transform_indices = @transform_8, window_bounds = array<i64: 2, 192, 96>}, {pipeline_mode = #tpu.pipeline_mode<synchronous>, transform_indices = @transform_9, window_bounds = array<i64: 2, 96, 384>}, {pipeline_mode = #tpu.pipeline_mode<synchronous>, transform_indices = @transform_10, window_bounds = array<i64: 6, 96>}, {pipeline_mode = #tpu.pipeline_mode<synchronous>, transform_indices = @transform_11, window_bounds = array<i64: 1, 384>}, {pipeline_mode = #tpu.pipeline_mode<synchronous>, transform_indices = @transform_12, window_bounds = array<i64: 64, 96>}, {pipeline_mode = #tpu.pipeline_mode<synchronous>, transform_indices = @transform_13, window_bounds = array<i64: 96, 16>}, {pipeline_mode = #tpu.pipeline_mode<synchronous>, transform_indices = @transform_14, window_bounds = array<i64: 1, 16>}, {transform_indices = @transform_15, window_bounds = array<i64: 16, 64, 16>}, {transform_indices = @transform_16, window_bounds = array<i64: 1, 1, 128>}]} {
    %get3A = arith.constant 0 : index
    %get3A_0 = arith.constant 0 : index
    %get3A_1 = vector.load %arg1[%get3A, %get3A_0] : memref<1024x1xi32, #tpu.memory_space<vmem>>, vector<1024x1xi32>
    %iota3A = tpu.iota {dimensions = array<i32: 1>} : vector<1024x16xi32>
    %eq3A = vector.broadcast %get3A_1 : vector<1024x1xi32> to vector<1024x16xi32>
    %eq3A_2 = arith.cmpi eq, %eq3A, %iota3A : vector<1024x16xi32>
    %convert_element_type3A = arith.extui %eq3A_2 : vector<1024x16xi1> to vector<1024x16xi32>
    %convert_element_type3A_3 = arith.sitofp %convert_element_type3A : vector<1024x16xi32> to vector<1024x16xf32>
    %get3A_4 = arith.constant 0 : index
    %get3A_5 = arith.constant 0 : index
    %get3A_6 = vector.load %arg2[%get3A_4, %get3A_5] : memref<1024x1xi32, #tpu.memory_space<vmem>>, vector<1024x1xi32>
    %iota3A_7 = tpu.iota {dimensions = array<i32: 1>} : vector<1024x16xi32>
    %eq3A_8 = vector.broadcast %get3A_6 : vector<1024x1xi32> to vector<1024x16xi32>
    %eq3A_9 = arith.cmpi eq, %eq3A_8, %iota3A_7 : vector<1024x16xi32>
    %convert_element_type3A_10 = arith.extui %eq3A_9 : vector<1024x16xi1> to vector<1024x16xi32>
    %convert_element_type3A_11 = arith.sitofp %convert_element_type3A_10 : vector<1024x16xi32> to vector<1024x16xf32>
    %get3A_12 = arith.constant 0 : index
    %get3A_13 = arith.constant 0 : index
    %get3A_14 = vector.load %arg5[%get3A_12, %get3A_13] : memref<64x2xi32, #tpu.memory_space<vmem>>, vector<64x1xi32>
    %iota3A_15 = tpu.iota {dimensions = array<i32: 1>} : vector<64x16xi32>
    %eq3A_16 = vector.broadcast %get3A_14 : vector<64x1xi32> to vector<64x16xi32>
    %eq3A_17 = arith.cmpi eq, %eq3A_16, %iota3A_15 : vector<64x16xi32>
    %convert_element_type3A_18 = arith.extui %eq3A_17 : vector<64x16xi1> to vector<64x16xi32>
    %convert_element_type3A_19 = arith.sitofp %convert_element_type3A_18 : vector<64x16xi32> to vector<64x16xf32>
    %get3A_20 = arith.constant 0 : index
    %get3A_21 = arith.constant 1 : index
    %get3A_22 = vector.load %arg5[%get3A_20, %get3A_21] : memref<64x2xi32, #tpu.memory_space<vmem>>, vector<64x1xi32>
    %iota3A_23 = tpu.iota {dimensions = array<i32: 1>} : vector<64x16xi32>
    %eq3A_24 = vector.broadcast %get3A_22 : vector<64x1xi32> to vector<64x16xi32>
    %eq3A_25 = arith.cmpi eq, %eq3A_24, %iota3A_23 : vector<64x16xi32>
    %convert_element_type3A_26 = arith.extui %eq3A_25 : vector<64x16xi1> to vector<64x16xi32>
    %convert_element_type3A_27 = arith.sitofp %convert_element_type3A_26 : vector<64x16xi32> to vector<64x16xf32>
    %concatenate3A = tpu.concatenate %convert_element_type3A_19, %convert_element_type3A_27 in 1 : vector<64x16xf32>, vector<64x16xf32> -> vector<64x32xf32>
    %get3A_28 = arith.constant 0 : index
    %get3A_29 = arith.constant 0 : index
    %get3A_30 = vector.load %arg3[%get3A_28, %get3A_29] : memref<1088x2xi32, #tpu.memory_space<vmem>>, vector<1088x1xi32>
    %iota3A_31 = tpu.iota {dimensions = array<i32: 1>} : vector<1088x64xi32>
    %eq3A_32 = vector.broadcast %get3A_30 : vector<1088x1xi32> to vector<1088x64xi32>
    %eq3A_33 = arith.cmpi eq, %eq3A_32, %iota3A_31 : vector<1088x64xi32>
    %convert_element_type3A_34 = arith.extui %eq3A_33 : vector<1088x64xi1> to vector<1088x64xi32>
    %convert_element_type3A_35 = arith.sitofp %convert_element_type3A_34 : vector<1088x64xi32> to vector<1088x64xf32>
    %get3A_36 = arith.constant 0 : index
    %get3A_37 = arith.constant 1 : index
    %get3A_38 = vector.load %arg3[%get3A_36, %get3A_37] : memref<1088x2xi32, #tpu.memory_space<vmem>>, vector<1088x1xi32>
    %iota3A_39 = tpu.iota {dimensions = array<i32: 1>} : vector<1088x64xi32>
    %eq3A_40 = vector.broadcast %get3A_38 : vector<1088x1xi32> to vector<1088x64xi32>
    %eq3A_41 = arith.cmpi eq, %eq3A_40, %iota3A_39 : vector<1088x64xi32>
    %convert_element_type3A_42 = arith.extui %eq3A_41 : vector<1088x64xi1> to vector<1088x64xi32>
    %convert_element_type3A_43 = arith.sitofp %convert_element_type3A_42 : vector<1088x64xi32> to vector<1088x64xf32>
    %concatenate3A_44 = tpu.concatenate %convert_element_type3A_35, %convert_element_type3A_43 in 1 : vector<1088x64xf32>, vector<1088x64xf32> -> vector<1088x128xf32>
    %get3A_45 = arith.constant 1 : index
    %get3A_46 = arith.constant 0 : index
    %get3A_47 = vector.load %arg4[%get3A_45, %get3A_46] : memref<2x1088xi32, #tpu.memory_space<vmem>>, vector<1x1088xi32>
    %iota3A_48 = tpu.iota {dimensions = array<i32: 0>} : vector<64x1088xi32>
    %eq3A_49 = vector.broadcast %get3A_47 : vector<1x1088xi32> to vector<64x1088xi32>
    %eq3A_50 = arith.cmpi eq, %eq3A_49, %iota3A_48 : vector<64x1088xi32>
    %convert_element_type3A_51 = arith.extui %eq3A_50 : vector<64x1088xi1> to vector<64x1088xi32>
    %convert_element_type3A_52 = arith.sitofp %convert_element_type3A_51 : vector<64x1088xi32> to vector<64x1088xf32>
    %get3A_53 = arith.constant 0 : index
    %get3A_54 = arith.constant 0 : index
    %get3A_55 = vector.load %arg6[%get3A_53, %get3A_54] : memref<16x96xf32, #tpu.memory_space<vmem>>, vector<16x96xf32>
    %get3A_56 = arith.constant 0 : index
    %get3A_57 = arith.constant 0 : index
    %get3A_58 = vector.load %arg7[%get3A_56, %get3A_57] : memref<32x96xf32, #tpu.memory_space<vmem>>, vector<32x96xf32>
    %get3A_59 = arith.constant 0 : index
    %get3A_60 = arith.constant 0 : index
    %get3A_61 = arith.constant 0 : index
    %get3A_62 = vector.load %arg8[%get3A_59, %get3A_60, %get3A_61] : memref<6x96x96xf32, #tpu.memory_space<vmem>>, vector<1x96x96xf32>
    %get3A_63 = vector.shape_cast %get3A_62 : vector<1x96x96xf32> to vector<96x96xf32>
    %get3A_64 = arith.constant 1 : index
    %get3A_65 = arith.constant 0 : index
    %get3A_66 = arith.constant 0 : index
    %get3A_67 = vector.load %arg8[%get3A_64, %get3A_65, %get3A_66] : memref<6x96x96xf32, #tpu.memory_space<vmem>>, vector<1x96x96xf32>
    %get3A_68 = vector.shape_cast %get3A_67 : vector<1x96x96xf32> to vector<96x96xf32>
    %get3A_69 = arith.constant 2 : index
    %get3A_70 = arith.constant 0 : index
    %get3A_71 = arith.constant 0 : index
    %get3A_72 = vector.load %arg8[%get3A_69, %get3A_70, %get3A_71] : memref<6x96x96xf32, #tpu.memory_space<vmem>>, vector<1x96x96xf32>
    %get3A_73 = vector.shape_cast %get3A_72 : vector<1x96x96xf32> to vector<96x96xf32>
    %get3A_74 = arith.constant 3 : index
    %get3A_75 = arith.constant 0 : index
    %get3A_76 = arith.constant 0 : index
    %get3A_77 = vector.load %arg8[%get3A_74, %get3A_75, %get3A_76] : memref<6x96x96xf32, #tpu.memory_space<vmem>>, vector<1x96x96xf32>
    %get3A_78 = vector.shape_cast %get3A_77 : vector<1x96x96xf32> to vector<96x96xf32>
    %get3A_79 = arith.constant 4 : index
    %get3A_80 = arith.constant 0 : index
    %get3A_81 = arith.constant 0 : index
    %get3A_82 = vector.load %arg8[%get3A_79, %get3A_80, %get3A_81] : memref<6x96x96xf32, #tpu.memory_space<vmem>>, vector<1x96x96xf32>
    %get3A_83 = vector.shape_cast %get3A_82 : vector<1x96x96xf32> to vector<96x96xf32>
    %get3A_84 = arith.constant 5 : index
    %get3A_85 = arith.constant 0 : index
    %get3A_86 = arith.constant 0 : index
    %get3A_87 = vector.load %arg8[%get3A_84, %get3A_85, %get3A_86] : memref<6x96x96xf32, #tpu.memory_space<vmem>>, vector<1x96x96xf32>
    %get3A_88 = vector.shape_cast %get3A_87 : vector<1x96x96xf32> to vector<96x96xf32>
    %get3A_89 = arith.constant 0 : index
    %get3A_90 = arith.constant 0 : index
    %get3A_91 = arith.constant 0 : index
    %get3A_92 = vector.load %arg9[%get3A_89, %get3A_90, %get3A_91] : memref<2x192x96xf32, #tpu.memory_space<vmem>>, vector<1x96x96xf32>
    %get3A_93 = vector.shape_cast %get3A_92 : vector<1x96x96xf32> to vector<96x96xf32>
    %get3A_94 = arith.constant 0 : index
    %get3A_95 = arith.constant 96 : index
    %get3A_96 = arith.constant 0 : index
    %get3A_97 = vector.load %arg9[%get3A_94, %get3A_95, %get3A_96] : memref<2x192x96xf32, #tpu.memory_space<vmem>>, vector<1x96x96xf32>
    %get3A_98 = vector.shape_cast %get3A_97 : vector<1x96x96xf32> to vector<96x96xf32>
    %get3A_99 = arith.constant 1 : index
    %get3A_100 = arith.constant 0 : index
    %get3A_101 = arith.constant 0 : index
    %get3A_102 = vector.load %arg9[%get3A_99, %get3A_100, %get3A_101] : memref<2x192x96xf32, #tpu.memory_space<vmem>>, vector<1x96x96xf32>
    %get3A_103 = vector.shape_cast %get3A_102 : vector<1x96x96xf32> to vector<96x96xf32>
    %get3A_104 = arith.constant 1 : index
    %get3A_105 = arith.constant 96 : index
    %get3A_106 = arith.constant 0 : index
    %get3A_107 = vector.load %arg9[%get3A_104, %get3A_105, %get3A_106] : memref<2x192x96xf32, #tpu.memory_space<vmem>>, vector<1x96x96xf32>
    %get3A_108 = vector.shape_cast %get3A_107 : vector<1x96x96xf32> to vector<96x96xf32>
    %get3A_109 = arith.constant 0 : index
    %get3A_110 = arith.constant 0 : index
    %get3A_111 = arith.constant 0 : index
    %get3A_112 = vector.load %arg10[%get3A_109, %get3A_110, %get3A_111] : memref<2x96x384xf32, #tpu.memory_space<vmem>>, vector<1x96x384xf32>
    %get3A_113 = vector.shape_cast %get3A_112 : vector<1x96x384xf32> to vector<96x384xf32>
    %get3A_114 = arith.constant 1 : index
    %get3A_115 = arith.constant 0 : index
    %get3A_116 = arith.constant 0 : index
    %get3A_117 = vector.load %arg10[%get3A_114, %get3A_115, %get3A_116] : memref<2x96x384xf32, #tpu.memory_space<vmem>>, vector<1x96x384xf32>
    %get3A_118 = vector.shape_cast %get3A_117 : vector<1x96x384xf32> to vector<96x384xf32>
    %get3A_119 = arith.constant 0 : index
    %get3A_120 = arith.constant 0 : index
    %get3A_121 = vector.load %arg11[%get3A_119, %get3A_120] : memref<6x96xf32, #tpu.memory_space<vmem>>, vector<1x96xf32>
    %get3A_122 = arith.constant 1 : index
    %get3A_123 = arith.constant 0 : index
    %get3A_124 = vector.load %arg11[%get3A_122, %get3A_123] : memref<6x96xf32, #tpu.memory_space<vmem>>, vector<1x96xf32>
    %get3A_125 = arith.constant 2 : index
    %get3A_126 = arith.constant 0 : index
    %get3A_127 = vector.load %arg11[%get3A_125, %get3A_126] : memref<6x96xf32, #tpu.memory_space<vmem>>, vector<1x96xf32>
    %get3A_128 = arith.constant 3 : index
    %get3A_129 = arith.constant 0 : index
    %get3A_130 = vector.load %arg11[%get3A_128, %get3A_129] : memref<6x96xf32, #tpu.memory_space<vmem>>, vector<1x96xf32>
    %get3A_131 = arith.constant 4 : index
    %get3A_132 = arith.constant 0 : index
    %get3A_133 = vector.load %arg11[%get3A_131, %get3A_132] : memref<6x96xf32, #tpu.memory_space<vmem>>, vector<1x96xf32>
    %get3A_134 = arith.constant 5 : index
    %get3A_135 = arith.constant 0 : index
    %get3A_136 = vector.load %arg11[%get3A_134, %get3A_135] : memref<6x96xf32, #tpu.memory_space<vmem>>, vector<1x96xf32>
    %get3A_137 = arith.constant 0 : index
    %get3A_138 = arith.constant 0 : index
    %get3A_139 = vector.load %arg12[%get3A_137, %get3A_138] : memref<1x384xf32, #tpu.memory_space<vmem>>, vector<1x384xf32>
    %get3A_140 = arith.constant 0 : index
    %get3A_141 = arith.constant 0 : index
    %get3A_142 = vector.load %arg14[%get3A_140, %get3A_141] : memref<96x16xf32, #tpu.memory_space<vmem>>, vector<96x16xf32>
    %get3A_143 = arith.constant 0 : index
    %get3A_144 = arith.constant 0 : index
    %get3A_145 = vector.load %arg15[%get3A_143, %get3A_144] : memref<1x16xf32, #tpu.memory_space<vmem>>, vector<1x16xf32>
    %dot_general3A = arith.constant dense<0.000000e+00> : vector<64x96xf32>
    %dot_general3A_146 = tpu.matmul %concatenate3A, %get3A_58, %dot_general3A {dimension_numbers = #tpu.dot_dimension_numbers<[1], [0], [0], [1], [0, 0, 1, 1], [], []>, transpose_lhs_hint = false} : vector<64x32xf32>, vector<32x96xf32>, vector<64x96xf32> -> vector<64x96xf32>
    %dot_general3A_147 = arith.constant dense<0.000000e+00> : vector<1024x96xf32>
    %dot_general3A_148 = tpu.matmul %convert_element_type3A_3, %get3A_55, %dot_general3A_147 {dimension_numbers = #tpu.dot_dimension_numbers<[1], [0], [0], [1], [0, 0, 1, 1], [], []>, transpose_lhs_hint = false} : vector<1024x16xf32>, vector<16x96xf32>, vector<1024x96xf32> -> vector<1024x96xf32>
    %concatenate3A_149 = tpu.concatenate %dot_general3A_146, %dot_general3A_146, %dot_general3A_146, %dot_general3A_146, %dot_general3A_146, %dot_general3A_146, %dot_general3A_146, %dot_general3A_146, %dot_general3A_146, %dot_general3A_146, %dot_general3A_146, %dot_general3A_146, %dot_general3A_146, %dot_general3A_146, %dot_general3A_146, %dot_general3A_146 in 0 : vector<64x96xf32>, vector<64x96xf32>, vector<64x96xf32>, vector<64x96xf32>, vector<64x96xf32>, vector<64x96xf32>, vector<64x96xf32>, vector<64x96xf32>, vector<64x96xf32>, vector<64x96xf32>, vector<64x96xf32>, vector<64x96xf32>, vector<64x96xf32>, vector<64x96xf32>, vector<64x96xf32>, vector<64x96xf32> -> vector<1024x96xf32>
    %add3A = arith.addf %dot_general3A_148, %concatenate3A_149 : vector<1024x96xf32>
    %max3A = arith.constant 0.000000e+00 : f32
    %max3A_150 = vector.broadcast %max3A : f32 to vector<1024x96xf32>
    %max3A_151 = arith.maximumf %add3A, %max3A_150 : vector<1024x96xf32>
    %dot_general3A_152 = arith.constant dense<0.000000e+00> : vector<1024x96xf32>
    %dot_general3A_153 = tpu.matmul %max3A_151, %get3A_63, %dot_general3A_152 {dimension_numbers = #tpu.dot_dimension_numbers<[1], [0], [0], [1], [0, 0, 1, 1], [], []>, transpose_lhs_hint = false} : vector<1024x96xf32>, vector<96x96xf32>, vector<1024x96xf32> -> vector<1024x96xf32>
    %add3A_154 = vector.broadcast %get3A_121 : vector<1x96xf32> to vector<1024x96xf32>
    %add3A_155 = arith.addf %dot_general3A_153, %add3A_154 : vector<1024x96xf32>
    %max3A_156 = arith.constant 0.000000e+00 : f32
    %max3A_157 = vector.broadcast %max3A_156 : f32 to vector<1024x96xf32>
    %max3A_158 = arith.maximumf %add3A_155, %max3A_157 : vector<1024x96xf32>
    %dot_general3A_159 = arith.constant dense<0.000000e+00> : vector<1024x96xf32>
    %dot_general3A_160 = tpu.matmul %max3A_158, %get3A_68, %dot_general3A_159 {dimension_numbers = #tpu.dot_dimension_numbers<[1], [0], [0], [1], [0, 0, 1, 1], [], []>, transpose_lhs_hint = false} : vector<1024x96xf32>, vector<96x96xf32>, vector<1024x96xf32> -> vector<1024x96xf32>
    %add3A_161 = vector.broadcast %get3A_124 : vector<1x96xf32> to vector<1024x96xf32>
    %add3A_162 = arith.addf %dot_general3A_160, %add3A_161 : vector<1024x96xf32>
    %get3A_163 = arith.constant 0 : index
    %get3A_164 = arith.constant 0 : index
    %get3A_165 = vector.load %arg13[%get3A_163, %get3A_164] : memref<64x96xf32, #tpu.memory_space<vmem>>, vector<64x96xf32>
    %concatenate3A_166 = tpu.concatenate %get3A_165, %get3A_165, %get3A_165, %get3A_165, %get3A_165, %get3A_165, %get3A_165, %get3A_165, %get3A_165, %get3A_165, %get3A_165, %get3A_165, %get3A_165, %get3A_165, %get3A_165, %get3A_165 in 0 : vector<64x96xf32>, vector<64x96xf32>, vector<64x96xf32>, vector<64x96xf32>, vector<64x96xf32>, vector<64x96xf32>, vector<64x96xf32>, vector<64x96xf32>, vector<64x96xf32>, vector<64x96xf32>, vector<64x96xf32>, vector<64x96xf32>, vector<64x96xf32>, vector<64x96xf32>, vector<64x96xf32>, vector<64x96xf32> -> vector<1024x96xf32>
    %dot_general3A_167 = arith.constant dense<0.000000e+00> : vector<1024x96xf32>
    %dot_general3A_168 = tpu.matmul %add3A_162, %get3A_108, %dot_general3A_167 {dimension_numbers = #tpu.dot_dimension_numbers<[1], [0], [0], [1], [0, 0, 1, 1], [], []>, transpose_lhs_hint = false} : vector<1024x96xf32>, vector<96x96xf32>, vector<1024x96xf32> -> vector<1024x96xf32>
    %add3A_169 = arith.addf %dot_general3A_168, %concatenate3A_166 : vector<1024x96xf32>
    %dot_general3A_170 = arith.constant dense<0.000000e+00> : vector<1024x96xf32>
    %dot_general3A_171 = tpu.matmul %add3A_162, %get3A_93, %dot_general3A_170 {dimension_numbers = #tpu.dot_dimension_numbers<[1], [0], [0], [1], [0, 0, 1, 1], [], []>, transpose_lhs_hint = false} : vector<1024x96xf32>, vector<96x96xf32>, vector<1024x96xf32> -> vector<1024x96xf32>
    %add3A_172 = vector.broadcast %get3A_127 : vector<1x96xf32> to vector<1024x96xf32>
    %add3A_173 = arith.addf %dot_general3A_171, %add3A_172 : vector<1024x96xf32>
    %dot_general3A_174 = arith.constant dense<0.000000e+00> : vector<1024x96xf32>
    %dot_general3A_175 = tpu.matmul %add3A_162, %get3A_98, %dot_general3A_174 {dimension_numbers = #tpu.dot_dimension_numbers<[1], [0], [0], [1], [0, 0, 1, 1], [], []>, transpose_lhs_hint = false} : vector<1024x96xf32>, vector<96x96xf32>, vector<1024x96xf32> -> vector<1024x96xf32>
    %slice3A = vector.extract_strided_slice %add3A_173 {offsets = [0, 0], sizes = [64, 96], strides = [1, 1]} : vector<1024x96xf32> to vector<64x96xf32>
    %slice3A_176 = vector.extract_strided_slice %dot_general3A_175 {offsets = [0, 0], sizes = [64, 96], strides = [1, 1]} : vector<1024x96xf32> to vector<64x96xf32>
    %concatenate3A_177 = tpu.concatenate %slice3A, %slice3A_176 in 0 : vector<64x96xf32>, vector<64x96xf32> -> vector<128x96xf32>
    %dot_general3A_178 = arith.constant dense<0.000000e+00> : vector<1088x96xf32>
    %dot_general3A_179 = tpu.matmul %concatenate3A_44, %concatenate3A_177, %dot_general3A_178 {dimension_numbers = #tpu.dot_dimension_numbers<[1], [0], [0], [1], [0, 0, 1, 1], [], []>, transpose_lhs_hint = false} : vector<1088x128xf32>, vector<128x96xf32>, vector<1088x96xf32> -> vector<1088x96xf32>
    %swap3A = arith.constant 0 : index
    %swap3A_180 = arith.constant 0 : index
    %swap3A_181 = vector.load %arg18[%swap3A, %swap3A_180] : memref<17408x96xf32, #tpu.memory_space<vmem>>, vector<1088x96xf32>
    tpu.vector_store %arg18[%swap3A, %swap3A_180], %dot_general3A_179 {strides = array<i32>} : memref<17408x96xf32, #tpu.memory_space<vmem>>, vector<1088x96xf32>,
    %slice3A_182 = vector.extract_strided_slice %add3A_173 {offsets = [64, 0], sizes = [64, 96], strides = [1, 1]} : vector<1024x96xf32> to vector<64x96xf32>
    %slice3A_183 = vector.extract_strided_slice %dot_general3A_175 {offsets = [64, 0], sizes = [64, 96], strides = [1, 1]} : vector<1024x96xf32> to vector<64x96xf32>
    %concatenate3A_184 = tpu.concatenate %slice3A_182, %slice3A_183 in 0 : vector<64x96xf32>, vector<64x96xf32> -> vector<128x96xf32>
    %dot_general3A_185 = arith.constant dense<0.000000e+00> : vector<1088x96xf32>
    %dot_general3A_186 = tpu.matmul %concatenate3A_44, %concatenate3A_184, %dot_general3A_185 {dimension_numbers = #tpu.dot_dimension_numbers<[1], [0], [0], [1], [0, 0, 1, 1], [], []>, transpose_lhs_hint = false} : vector<1088x128xf32>, vector<128x96xf32>, vector<1088x96xf32> -> vector<1088x96xf32>
    %swap3A_187 = arith.constant 1088 : index
    %swap3A_188 = arith.constant 0 : index
    %swap3A_189 = vector.load %arg18[%swap3A_187, %swap3A_188] : memref<17408x96xf32, #tpu.memory_space<vmem>>, vector<1088x96xf32>
    tpu.vector_store %arg18[%swap3A_187, %swap3A_188], %dot_general3A_186 {strides = array<i32>} : memref<17408x96xf32, #tpu.memory_space<vmem>>, vector<1088x96xf32>,
    %slice3A_190 = vector.extract_strided_slice %add3A_173 {offsets = [128, 0], sizes = [64, 96], strides = [1, 1]} : vector<1024x96xf32> to vector<64x96xf32>
    %slice3A_191 = vector.extract_strided_slice %dot_general3A_175 {offsets = [128, 0], sizes = [64, 96], strides = [1, 1]} : vector<1024x96xf32> to vector<64x96xf32>
    %concatenate3A_192 = tpu.concatenate %slice3A_190, %slice3A_191 in 0 : vector<64x96xf32>, vector<64x96xf32> -> vector<128x96xf32>
    %dot_general3A_193 = arith.constant dense<0.000000e+00> : vector<1088x96xf32>
    %dot_general3A_194 = tpu.matmul %concatenate3A_44, %concatenate3A_192, %dot_general3A_193 {dimension_numbers = #tpu.dot_dimension_numbers<[1], [0], [0], [1], [0, 0, 1, 1], [], []>, transpose_lhs_hint = false} : vector<1088x128xf32>, vector<128x96xf32>, vector<1088x96xf32> -> vector<1088x96xf32>
    %swap3A_195 = arith.constant 2176 : index
    %swap3A_196 = arith.constant 0 : index
    %swap3A_197 = vector.load %arg18[%swap3A_195, %swap3A_196] : memref<17408x96xf32, #tpu.memory_space<vmem>>, vector<1088x96xf32>
    tpu.vector_store %arg18[%swap3A_195, %swap3A_196], %dot_general3A_194 {strides = array<i32>} : memref<17408x96xf32, #tpu.memory_space<vmem>>, vector<1088x96xf32>,
    %slice3A_198 = vector.extract_strided_slice %add3A_173 {offsets = [192, 0], sizes = [64, 96], strides = [1, 1]} : vector<1024x96xf32> to vector<64x96xf32>
    %slice3A_199 = vector.extract_strided_slice %dot_general3A_175 {offsets = [192, 0], sizes = [64, 96], strides = [1, 1]} : vector<1024x96xf32> to vector<64x96xf32>
    %concatenate3A_200 = tpu.concatenate %slice3A_198, %slice3A_199 in 0 : vector<64x96xf32>, vector<64x96xf32> -> vector<128x96xf32>
    %dot_general3A_201 = arith.constant dense<0.000000e+00> : vector<1088x96xf32>
    %dot_general3A_202 = tpu.matmul %concatenate3A_44, %concatenate3A_200, %dot_general3A_201 {dimension_numbers = #tpu.dot_dimension_numbers<[1], [0], [0], [1], [0, 0, 1, 1], [], []>, transpose_lhs_hint = false} : vector<1088x128xf32>, vector<128x96xf32>, vector<1088x96xf32> -> vector<1088x96xf32>
    %swap3A_203 = arith.constant 3264 : index
    %swap3A_204 = arith.constant 0 : index
    %swap3A_205 = vector.load %arg18[%swap3A_203, %swap3A_204] : memref<17408x96xf32, #tpu.memory_space<vmem>>, vector<1088x96xf32>
    tpu.vector_store %arg18[%swap3A_203, %swap3A_204], %dot_general3A_202 {strides = array<i32>} : memref<17408x96xf32, #tpu.memory_space<vmem>>, vector<1088x96xf32>,
    %slice3A_206 = vector.extract_strided_slice %add3A_173 {offsets = [256, 0], sizes = [64, 96], strides = [1, 1]} : vector<1024x96xf32> to vector<64x96xf32>
    %slice3A_207 = vector.extract_strided_slice %dot_general3A_175 {offsets = [256, 0], sizes = [64, 96], strides = [1, 1]} : vector<1024x96xf32> to vector<64x96xf32>
    %concatenate3A_208 = tpu.concatenate %slice3A_206, %slice3A_207 in 0 : vector<64x96xf32>, vector<64x96xf32> -> vector<128x96xf32>
    %dot_general3A_209 = arith.constant dense<0.000000e+00> : vector<1088x96xf32>
    %dot_general3A_210 = tpu.matmul %concatenate3A_44, %concatenate3A_208, %dot_general3A_209 {dimension_numbers = #tpu.dot_dimension_numbers<[1], [0], [0], [1], [0, 0, 1, 1], [], []>, transpose_lhs_hint = false} : vector<1088x128xf32>, vector<128x96xf32>, vector<1088x96xf32> -> vector<1088x96xf32>
    %swap3A_211 = arith.constant 4352 : index
    %swap3A_212 = arith.constant 0 : index
    %swap3A_213 = vector.load %arg18[%swap3A_211, %swap3A_212] : memref<17408x96xf32, #tpu.memory_space<vmem>>, vector<1088x96xf32>
    tpu.vector_store %arg18[%swap3A_211, %swap3A_212], %dot_general3A_210 {strides = array<i32>} : memref<17408x96xf32, #tpu.memory_space<vmem>>, vector<1088x96xf32>,
    %slice3A_214 = vector.extract_strided_slice %add3A_173 {offsets = [320, 0], sizes = [64, 96], strides = [1, 1]} : vector<1024x96xf32> to vector<64x96xf32>
    %slice3A_215 = vector.extract_strided_slice %dot_general3A_175 {offsets = [320, 0], sizes = [64, 96], strides = [1, 1]} : vector<1024x96xf32> to vector<64x96xf32>
    %concatenate3A_216 = tpu.concatenate %slice3A_214, %slice3A_215 in 0 : vector<64x96xf32>, vector<64x96xf32> -> vector<128x96xf32>
    %dot_general3A_217 = arith.constant dense<0.000000e+00> : vector<1088x96xf32>
    %dot_general3A_218 = tpu.matmul %concatenate3A_44, %concatenate3A_216, %dot_general3A_217 {dimension_numbers = #tpu.dot_dimension_numbers<[1], [0], [0], [1], [0, 0, 1, 1], [], []>, transpose_lhs_hint = false} : vector<1088x128xf32>, vector<128x96xf32>, vector<1088x96xf32> -> vector<1088x96xf32>
    %swap3A_219 = arith.constant 5440 : index
    %swap3A_220 = arith.constant 0 : index
    %swap3A_221 = vector.load %arg18[%swap3A_219, %swap3A_220] : memref<17408x96xf32, #tpu.memory_space<vmem>>, vector<1088x96xf32>
    tpu.vector_store %arg18[%swap3A_219, %swap3A_220], %dot_general3A_218 {strides = array<i32>} : memref<17408x96xf32, #tpu.memory_space<vmem>>, vector<1088x96xf32>,
    %slice3A_222 = vector.extract_strided_slice %add3A_173 {offsets = [384, 0], sizes = [64, 96], strides = [1, 1]} : vector<1024x96xf32> to vector<64x96xf32>
    %slice3A_223 = vector.extract_strided_slice %dot_general3A_175 {offsets = [384, 0], sizes = [64, 96], strides = [1, 1]} : vector<1024x96xf32> to vector<64x96xf32>
    %concatenate3A_224 = tpu.concatenate %slice3A_222, %slice3A_223 in 0 : vector<64x96xf32>, vector<64x96xf32> -> vector<128x96xf32>
    %dot_general3A_225 = arith.constant dense<0.000000e+00> : vector<1088x96xf32>
    %dot_general3A_226 = tpu.matmul %concatenate3A_44, %concatenate3A_224, %dot_general3A_225 {dimension_numbers = #tpu.dot_dimension_numbers<[1], [0], [0], [1], [0, 0, 1, 1], [], []>, transpose_lhs_hint = false} : vector<1088x128xf32>, vector<128x96xf32>, vector<1088x96xf32> -> vector<1088x96xf32>
    %swap3A_227 = arith.constant 6528 : index
    %swap3A_228 = arith.constant 0 : index
    %swap3A_229 = vector.load %arg18[%swap3A_227, %swap3A_228] : memref<17408x96xf32, #tpu.memory_space<vmem>>, vector<1088x96xf32>
    tpu.vector_store %arg18[%swap3A_227, %swap3A_228], %dot_general3A_226 {strides = array<i32>} : memref<17408x96xf32, #tpu.memory_space<vmem>>, vector<1088x96xf32>,
    %slice3A_230 = vector.extract_strided_slice %add3A_173 {offsets = [448, 0], sizes = [64, 96], strides = [1, 1]} : vector<1024x96xf32> to vector<64x96xf32>
    %slice3A_231 = vector.extract_strided_slice %dot_general3A_175 {offsets = [448, 0], sizes = [64, 96], strides = [1, 1]} : vector<1024x96xf32> to vector<64x96xf32>
    %concatenate3A_232 = tpu.concatenate %slice3A_230, %slice3A_231 in 0 : vector<64x96xf32>, vector<64x96xf32> -> vector<128x96xf32>
    %dot_general3A_233 = arith.constant dense<0.000000e+00> : vector<1088x96xf32>
    %dot_general3A_234 = tpu.matmul %concatenate3A_44, %concatenate3A_232, %dot_general3A_233 {dimension_numbers = #tpu.dot_dimension_numbers<[1], [0], [0], [1], [0, 0, 1, 1], [], []>, transpose_lhs_hint = false} : vector<1088x128xf32>, vector<128x96xf32>, vector<1088x96xf32> -> vector<1088x96xf32>
    %swap3A_235 = arith.constant 7616 : index
    %swap3A_236 = arith.constant 0 : index
    %swap3A_237 = vector.load %arg18[%swap3A_235, %swap3A_236] : memref<17408x96xf32, #tpu.memory_space<vmem>>, vector<1088x96xf32>
    tpu.vector_store %arg18[%swap3A_235, %swap3A_236], %dot_general3A_234 {strides = array<i32>} : memref<17408x96xf32, #tpu.memory_space<vmem>>, vector<1088x96xf32>,
    %slice3A_238 = vector.extract_strided_slice %add3A_173 {offsets = [512, 0], sizes = [64, 96], strides = [1, 1]} : vector<1024x96xf32> to vector<64x96xf32>
    %slice3A_239 = vector.extract_strided_slice %dot_general3A_175 {offsets = [512, 0], sizes = [64, 96], strides = [1, 1]} : vector<1024x96xf32> to vector<64x96xf32>
    %concatenate3A_240 = tpu.concatenate %slice3A_238, %slice3A_239 in 0 : vector<64x96xf32>, vector<64x96xf32> -> vector<128x96xf32>
    %dot_general3A_241 = arith.constant dense<0.000000e+00> : vector<1088x96xf32>
    %dot_general3A_242 = tpu.matmul %concatenate3A_44, %concatenate3A_240, %dot_general3A_241 {dimension_numbers = #tpu.dot_dimension_numbers<[1], [0], [0], [1], [0, 0, 1, 1], [], []>, transpose_lhs_hint = false} : vector<1088x128xf32>, vector<128x96xf32>, vector<1088x96xf32> -> vector<1088x96xf32>
    %swap3A_243 = arith.constant 8704 : index
    %swap3A_244 = arith.constant 0 : index
    %swap3A_245 = vector.load %arg18[%swap3A_243, %swap3A_244] : memref<17408x96xf32, #tpu.memory_space<vmem>>, vector<1088x96xf32>
    tpu.vector_store %arg18[%swap3A_243, %swap3A_244], %dot_general3A_242 {strides = array<i32>} : memref<17408x96xf32, #tpu.memory_space<vmem>>, vector<1088x96xf32>,
    %slice3A_246 = vector.extract_strided_slice %add3A_173 {offsets = [576, 0], sizes = [64, 96], strides = [1, 1]} : vector<1024x96xf32> to vector<64x96xf32>
    %slice3A_247 = vector.extract_strided_slice %dot_general3A_175 {offsets = [576, 0], sizes = [64, 96], strides = [1, 1]} : vector<1024x96xf32> to vector<64x96xf32>
    %concatenate3A_248 = tpu.concatenate %slice3A_246, %slice3A_247 in 0 : vector<64x96xf32>, vector<64x96xf32> -> vector<128x96xf32>
    %dot_general3A_249 = arith.constant dense<0.000000e+00> : vector<1088x96xf32>
    %dot_general3A_250 = tpu.matmul %concatenate3A_44, %concatenate3A_248, %dot_general3A_249 {dimension_numbers = #tpu.dot_dimension_numbers<[1], [0], [0], [1], [0, 0, 1, 1], [], []>, transpose_lhs_hint = false} : vector<1088x128xf32>, vector<128x96xf32>, vector<1088x96xf32> -> vector<1088x96xf32>
    %swap3A_251 = arith.constant 9792 : index
    %swap3A_252 = arith.constant 0 : index
    %swap3A_253 = vector.load %arg18[%swap3A_251, %swap3A_252] : memref<17408x96xf32, #tpu.memory_space<vmem>>, vector<1088x96xf32>
    tpu.vector_store %arg18[%swap3A_251, %swap3A_252], %dot_general3A_250 {strides = array<i32>} : memref<17408x96xf32, #tpu.memory_space<vmem>>, vector<1088x96xf32>,
    %slice3A_254 = vector.extract_strided_slice %add3A_173 {offsets = [640, 0], sizes = [64, 96], strides = [1, 1]} : vector<1024x96xf32> to vector<64x96xf32>
    %slice3A_255 = vector.extract_strided_slice %dot_general3A_175 {offsets = [640, 0], sizes = [64, 96], strides = [1, 1]} : vector<1024x96xf32> to vector<64x96xf32>
    %concatenate3A_256 = tpu.concatenate %slice3A_254, %slice3A_255 in 0 : vector<64x96xf32>, vector<64x96xf32> -> vector<128x96xf32>
    %dot_general3A_257 = arith.constant dense<0.000000e+00> : vector<1088x96xf32>
    %dot_general3A_258 = tpu.matmul %concatenate3A_44, %concatenate3A_256, %dot_general3A_257 {dimension_numbers = #tpu.dot_dimension_numbers<[1], [0], [0], [1], [0, 0, 1, 1], [], []>, transpose_lhs_hint = false} : vector<1088x128xf32>, vector<128x96xf32>, vector<1088x96xf32> -> vector<1088x96xf32>
    %swap3A_259 = arith.constant 10880 : index
    %swap3A_260 = arith.constant 0 : index
    %swap3A_261 = vector.load %arg18[%swap3A_259, %swap3A_260] : memref<17408x96xf32, #tpu.memory_space<vmem>>, vector<1088x96xf32>
    tpu.vector_store %arg18[%swap3A_259, %swap3A_260], %dot_general3A_258 {strides = array<i32>} : memref<17408x96xf32, #tpu.memory_space<vmem>>, vector<1088x96xf32>,
    %slice3A_262 = vector.extract_strided_slice %add3A_173 {offsets = [704, 0], sizes = [64, 96], strides = [1, 1]} : vector<1024x96xf32> to vector<64x96xf32>
    %slice3A_263 = vector.extract_strided_slice %dot_general3A_175 {offsets = [704, 0], sizes = [64, 96], strides = [1, 1]} : vector<1024x96xf32> to vector<64x96xf32>
    %concatenate3A_264 = tpu.concatenate %slice3A_262, %slice3A_263 in 0 : vector<64x96xf32>, vector<64x96xf32> -> vector<128x96xf32>
    %dot_general3A_265 = arith.constant dense<0.000000e+00> : vector<1088x96xf32>
    %dot_general3A_266 = tpu.matmul %concatenate3A_44, %concatenate3A_264, %dot_general3A_265 {dimension_numbers = #tpu.dot_dimension_numbers<[1], [0], [0], [1], [0, 0, 1, 1], [], []>, transpose_lhs_hint = false} : vector<1088x128xf32>, vector<128x96xf32>, vector<1088x96xf32> -> vector<1088x96xf32>
    %swap3A_267 = arith.constant 11968 : index
    %swap3A_268 = arith.constant 0 : index
    %swap3A_269 = vector.load %arg18[%swap3A_267, %swap3A_268] : memref<17408x96xf32, #tpu.memory_space<vmem>>, vector<1088x96xf32>
    tpu.vector_store %arg18[%swap3A_267, %swap3A_268], %dot_general3A_266 {strides = array<i32>} : memref<17408x96xf32, #tpu.memory_space<vmem>>, vector<1088x96xf32>,
    %slice3A_270 = vector.extract_strided_slice %add3A_173 {offsets = [768, 0], sizes = [64, 96], strides = [1, 1]} : vector<1024x96xf32> to vector<64x96xf32>
    %slice3A_271 = vector.extract_strided_slice %dot_general3A_175 {offsets = [768, 0], sizes = [64, 96], strides = [1, 1]} : vector<1024x96xf32> to vector<64x96xf32>
    %concatenate3A_272 = tpu.concatenate %slice3A_270, %slice3A_271 in 0 : vector<64x96xf32>, vector<64x96xf32> -> vector<128x96xf32>
    %dot_general3A_273 = arith.constant dense<0.000000e+00> : vector<1088x96xf32>
    %dot_general3A_274 = tpu.matmul %concatenate3A_44, %concatenate3A_272, %dot_general3A_273 {dimension_numbers = #tpu.dot_dimension_numbers<[1], [0], [0], [1], [0, 0, 1, 1], [], []>, transpose_lhs_hint = false} : vector<1088x128xf32>, vector<128x96xf32>, vector<1088x96xf32> -> vector<1088x96xf32>
    %swap3A_275 = arith.constant 13056 : index
    %swap3A_276 = arith.constant 0 : index
    %swap3A_277 = vector.load %arg18[%swap3A_275, %swap3A_276] : memref<17408x96xf32, #tpu.memory_space<vmem>>, vector<1088x96xf32>
    tpu.vector_store %arg18[%swap3A_275, %swap3A_276], %dot_general3A_274 {strides = array<i32>} : memref<17408x96xf32, #tpu.memory_space<vmem>>, vector<1088x96xf32>,
    %slice3A_278 = vector.extract_strided_slice %add3A_173 {offsets = [832, 0], sizes = [64, 96], strides = [1, 1]} : vector<1024x96xf32> to vector<64x96xf32>
    %slice3A_279 = vector.extract_strided_slice %dot_general3A_175 {offsets = [832, 0], sizes = [64, 96], strides = [1, 1]} : vector<1024x96xf32> to vector<64x96xf32>
    %concatenate3A_280 = tpu.concatenate %slice3A_278, %slice3A_279 in 0 : vector<64x96xf32>, vector<64x96xf32> -> vector<128x96xf32>
    %dot_general3A_281 = arith.constant dense<0.000000e+00> : vector<1088x96xf32>
    %dot_general3A_282 = tpu.matmul %concatenate3A_44, %concatenate3A_280, %dot_general3A_281 {dimension_numbers = #tpu.dot_dimension_numbers<[1], [0], [0], [1], [0, 0, 1, 1], [], []>, transpose_lhs_hint = false} : vector<1088x128xf32>, vector<128x96xf32>, vector<1088x96xf32> -> vector<1088x96xf32>
    %swap3A_283 = arith.constant 14144 : index
    %swap3A_284 = arith.constant 0 : index
    %swap3A_285 = vector.load %arg18[%swap3A_283, %swap3A_284] : memref<17408x96xf32, #tpu.memory_space<vmem>>, vector<1088x96xf32>
    tpu.vector_store %arg18[%swap3A_283, %swap3A_284], %dot_general3A_282 {strides = array<i32>} : memref<17408x96xf32, #tpu.memory_space<vmem>>, vector<1088x96xf32>,
    %slice3A_286 = vector.extract_strided_slice %add3A_173 {offsets = [896, 0], sizes = [64, 96], strides = [1, 1]} : vector<1024x96xf32> to vector<64x96xf32>
    %slice3A_287 = vector.extract_strided_slice %dot_general3A_175 {offsets = [896, 0], sizes = [64, 96], strides = [1, 1]} : vector<1024x96xf32> to vector<64x96xf32>
    %concatenate3A_288 = tpu.concatenate %slice3A_286, %slice3A_287 in 0 : vector<64x96xf32>, vector<64x96xf32> -> vector<128x96xf32>
    %dot_general3A_289 = arith.constant dense<0.000000e+00> : vector<1088x96xf32>
    %dot_general3A_290 = tpu.matmul %concatenate3A_44, %concatenate3A_288, %dot_general3A_289 {dimension_numbers = #tpu.dot_dimension_numbers<[1], [0], [0], [1], [0, 0, 1, 1], [], []>, transpose_lhs_hint = false} : vector<1088x128xf32>, vector<128x96xf32>, vector<1088x96xf32> -> vector<1088x96xf32>
    %swap3A_291 = arith.constant 15232 : index
    %swap3A_292 = arith.constant 0 : index
    %swap3A_293 = vector.load %arg18[%swap3A_291, %swap3A_292] : memref<17408x96xf32, #tpu.memory_space<vmem>>, vector<1088x96xf32>
    tpu.vector_store %arg18[%swap3A_291, %swap3A_292], %dot_general3A_290 {strides = array<i32>} : memref<17408x96xf32, #tpu.memory_space<vmem>>, vector<1088x96xf32>,
    %slice3A_294 = vector.extract_strided_slice %add3A_173 {offsets = [960, 0], sizes = [64, 96], strides = [1, 1]} : vector<1024x96xf32> to vector<64x96xf32>
    %slice3A_295 = vector.extract_strided_slice %dot_general3A_175 {offsets = [960, 0], sizes = [64, 96], strides = [1, 1]} : vector<1024x96xf32> to vector<64x96xf32>
    %concatenate3A_296 = tpu.concatenate %slice3A_294, %slice3A_295 in 0 : vector<64x96xf32>, vector<64x96xf32> -> vector<128x96xf32>
    %dot_general3A_297 = arith.constant dense<0.000000e+00> : vector<1088x96xf32>
    %dot_general3A_298 = tpu.matmul %concatenate3A_44, %concatenate3A_296, %dot_general3A_297 {dimension_numbers = #tpu.dot_dimension_numbers<[1], [0], [0], [1], [0, 0, 1, 1], [], []>, transpose_lhs_hint = false} : vector<1088x128xf32>, vector<128x96xf32>, vector<1088x96xf32> -> vector<1088x96xf32>
    %swap3A_299 = arith.constant 16320 : index
    %swap3A_300 = arith.constant 0 : index
    %swap3A_301 = vector.load %arg18[%swap3A_299, %swap3A_300] : memref<17408x96xf32, #tpu.memory_space<vmem>>, vector<1088x96xf32>
    tpu.vector_store %arg18[%swap3A_299, %swap3A_300], %dot_general3A_298 {strides = array<i32>} : memref<17408x96xf32, #tpu.memory_space<vmem>>, vector<1088x96xf32>,
    %get3A_302 = arith.constant 0 : index
    %get3A_303 = arith.constant 0 : index
    %get3A_304 = vector.load %arg18[%get3A_302, %get3A_303] : memref<17408x96xf32, #tpu.memory_space<vmem>>, vector<17408x96xf32>
    %max3A_305 = arith.constant 0.000000e+00 : f32
    %max3A_306 = vector.broadcast %max3A_305 : f32 to vector<17408x96xf32>
    %max3A_307 = arith.maximumf %get3A_304, %max3A_306 : vector<17408x96xf32>
    %dot_general3A_308 = arith.constant dense<0.000000e+00> : vector<17408x96xf32>
    %dot_general3A_309 = tpu.matmul %max3A_307, %get3A_73, %dot_general3A_308 {dimension_numbers = #tpu.dot_dimension_numbers<[1], [0], [0], [1], [0, 0, 1, 1], [], []>, transpose_lhs_hint = false} : vector<17408x96xf32>, vector<96x96xf32>, vector<17408x96xf32> -> vector<17408x96xf32>
    %add3A_310 = vector.broadcast %get3A_130 : vector<1x96xf32> to vector<17408x96xf32>
    %add3A_311 = arith.addf %dot_general3A_309, %add3A_310 : vector<17408x96xf32>
    %max3A_312 = arith.constant 0.000000e+00 : f32
    %max3A_313 = vector.broadcast %max3A_312 : f32 to vector<17408x96xf32>
    %max3A_314 = arith.maximumf %add3A_311, %max3A_313 : vector<17408x96xf32>
    %dot_general3A_315 = arith.constant dense<0.000000e+00> : vector<17408x96xf32>
    %dot_general3A_316 = tpu.matmul %max3A_314, %get3A_78, %dot_general3A_315 {dimension_numbers = #tpu.dot_dimension_numbers<[1], [0], [0], [1], [0, 0, 1, 1], [], []>, transpose_lhs_hint = false} : vector<17408x96xf32>, vector<96x96xf32>, vector<17408x96xf32> -> vector<17408x96xf32>
    %slice3A_317 = vector.extract_strided_slice %dot_general3A_316 {offsets = [0, 0], sizes = [1088, 96], strides = [1, 1]} : vector<17408x96xf32> to vector<1088x96xf32>
    %dot_general3A_318 = arith.constant dense<0.000000e+00> : vector<64x96xf32>
    %dot_general3A_319 = tpu.matmul %convert_element_type3A_52, %slice3A_317, %dot_general3A_318 {dimension_numbers = #tpu.dot_dimension_numbers<[1], [0], [0], [1], [0, 0, 1, 1], [], []>, transpose_lhs_hint = false} : vector<64x1088xf32>, vector<1088x96xf32>, vector<64x96xf32> -> vector<64x96xf32>
    %swap3A_320 = arith.constant 0 : index
    %swap3A_321 = arith.constant 0 : index
    %swap3A_322 = vector.load %arg19[%swap3A_320, %swap3A_321] : memref<1024x96xf32, #tpu.memory_space<vmem>>, vector<64x96xf32>
    tpu.vector_store %arg19[%swap3A_320, %swap3A_321], %dot_general3A_319 {strides = array<i32>} : memref<1024x96xf32, #tpu.memory_space<vmem>>, vector<64x96xf32>,
    %slice3A_323 = vector.extract_strided_slice %dot_general3A_316 {offsets = [1088, 0], sizes = [1088, 96], strides = [1, 1]} : vector<17408x96xf32> to vector<1088x96xf32>
    %dot_general3A_324 = arith.constant dense<0.000000e+00> : vector<64x96xf32>
    %dot_general3A_325 = tpu.matmul %convert_element_type3A_52, %slice3A_323, %dot_general3A_324 {dimension_numbers = #tpu.dot_dimension_numbers<[1], [0], [0], [1], [0, 0, 1, 1], [], []>, transpose_lhs_hint = false} : vector<64x1088xf32>, vector<1088x96xf32>, vector<64x96xf32> -> vector<64x96xf32>
    %swap3A_326 = arith.constant 64 : index
    %swap3A_327 = arith.constant 0 : index
    %swap3A_328 = vector.load %arg19[%swap3A_326, %swap3A_327] : memref<1024x96xf32, #tpu.memory_space<vmem>>, vector<64x96xf32>
    tpu.vector_store %arg19[%swap3A_326, %swap3A_327], %dot_general3A_325 {strides = array<i32>} : memref<1024x96xf32, #tpu.memory_space<vmem>>, vector<64x96xf32>,
    %slice3A_329 = vector.extract_strided_slice %dot_general3A_316 {offsets = [2176, 0], sizes = [1088, 96], strides = [1, 1]} : vector<17408x96xf32> to vector<1088x96xf32>
    %dot_general3A_330 = arith.constant dense<0.000000e+00> : vector<64x96xf32>
    %dot_general3A_331 = tpu.matmul %convert_element_type3A_52, %slice3A_329, %dot_general3A_330 {dimension_numbers = #tpu.dot_dimension_numbers<[1], [0], [0], [1], [0, 0, 1, 1], [], []>, transpose_lhs_hint = false} : vector<64x1088xf32>, vector<1088x96xf32>, vector<64x96xf32> -> vector<64x96xf32>
    %swap3A_332 = arith.constant 128 : index
    %swap3A_333 = arith.constant 0 : index
    %swap3A_334 = vector.load %arg19[%swap3A_332, %swap3A_333] : memref<1024x96xf32, #tpu.memory_space<vmem>>, vector<64x96xf32>
    tpu.vector_store %arg19[%swap3A_332, %swap3A_333], %dot_general3A_331 {strides = array<i32>} : memref<1024x96xf32, #tpu.memory_space<vmem>>, vector<64x96xf32>,
    %slice3A_335 = vector.extract_strided_slice %dot_general3A_316 {offsets = [3264, 0], sizes = [1088, 96], strides = [1, 1]} : vector<17408x96xf32> to vector<1088x96xf32>
    %dot_general3A_336 = arith.constant dense<0.000000e+00> : vector<64x96xf32>
    %dot_general3A_337 = tpu.matmul %convert_element_type3A_52, %slice3A_335, %dot_general3A_336 {dimension_numbers = #tpu.dot_dimension_numbers<[1], [0], [0], [1], [0, 0, 1, 1], [], []>, transpose_lhs_hint = false} : vector<64x1088xf32>, vector<1088x96xf32>, vector<64x96xf32> -> vector<64x96xf32>
    %swap3A_338 = arith.constant 192 : index
    %swap3A_339 = arith.constant 0 : index
    %swap3A_340 = vector.load %arg19[%swap3A_338, %swap3A_339] : memref<1024x96xf32, #tpu.memory_space<vmem>>, vector<64x96xf32>
    tpu.vector_store %arg19[%swap3A_338, %swap3A_339], %dot_general3A_337 {strides = array<i32>} : memref<1024x96xf32, #tpu.memory_space<vmem>>, vector<64x96xf32>,
    %slice3A_341 = vector.extract_strided_slice %dot_general3A_316 {offsets = [4352, 0], sizes = [1088, 96], strides = [1, 1]} : vector<17408x96xf32> to vector<1088x96xf32>
    %dot_general3A_342 = arith.constant dense<0.000000e+00> : vector<64x96xf32>
    %dot_general3A_343 = tpu.matmul %convert_element_type3A_52, %slice3A_341, %dot_general3A_342 {dimension_numbers = #tpu.dot_dimension_numbers<[1], [0], [0], [1], [0, 0, 1, 1], [], []>, transpose_lhs_hint = false} : vector<64x1088xf32>, vector<1088x96xf32>, vector<64x96xf32> -> vector<64x96xf32>
    %swap3A_344 = arith.constant 256 : index
    %swap3A_345 = arith.constant 0 : index
    %swap3A_346 = vector.load %arg19[%swap3A_344, %swap3A_345] : memref<1024x96xf32, #tpu.memory_space<vmem>>, vector<64x96xf32>
    tpu.vector_store %arg19[%swap3A_344, %swap3A_345], %dot_general3A_343 {strides = array<i32>} : memref<1024x96xf32, #tpu.memory_space<vmem>>, vector<64x96xf32>,
    %slice3A_347 = vector.extract_strided_slice %dot_general3A_316 {offsets = [5440, 0], sizes = [1088, 96], strides = [1, 1]} : vector<17408x96xf32> to vector<1088x96xf32>
    %dot_general3A_348 = arith.constant dense<0.000000e+00> : vector<64x96xf32>
    %dot_general3A_349 = tpu.matmul %convert_element_type3A_52, %slice3A_347, %dot_general3A_348 {dimension_numbers = #tpu.dot_dimension_numbers<[1], [0], [0], [1], [0, 0, 1, 1], [], []>, transpose_lhs_hint = false} : vector<64x1088xf32>, vector<1088x96xf32>, vector<64x96xf32> -> vector<64x96xf32>
    %swap3A_350 = arith.constant 320 : index
    %swap3A_351 = arith.constant 0 : index
    %swap3A_352 = vector.load %arg19[%swap3A_350, %swap3A_351] : memref<1024x96xf32, #tpu.memory_space<vmem>>, vector<64x96xf32>
    tpu.vector_store %arg19[%swap3A_350, %swap3A_351], %dot_general3A_349 {strides = array<i32>} : memref<1024x96xf32, #tpu.memory_space<vmem>>, vector<64x96xf32>,
    %slice3A_353 = vector.extract_strided_slice %dot_general3A_316 {offsets = [6528, 0], sizes = [1088, 96], strides = [1, 1]} : vector<17408x96xf32> to vector<1088x96xf32>
    %dot_general3A_354 = arith.constant dense<0.000000e+00> : vector<64x96xf32>
    %dot_general3A_355 = tpu.matmul %convert_element_type3A_52, %slice3A_353, %dot_general3A_354 {dimension_numbers = #tpu.dot_dimension_numbers<[1], [0], [0], [1], [0, 0, 1, 1], [], []>, transpose_lhs_hint = false} : vector<64x1088xf32>, vector<1088x96xf32>, vector<64x96xf32> -> vector<64x96xf32>
    %swap3A_356 = arith.constant 384 : index
    %swap3A_357 = arith.constant 0 : index
    %swap3A_358 = vector.load %arg19[%swap3A_356, %swap3A_357] : memref<1024x96xf32, #tpu.memory_space<vmem>>, vector<64x96xf32>
    tpu.vector_store %arg19[%swap3A_356, %swap3A_357], %dot_general3A_355 {strides = array<i32>} : memref<1024x96xf32, #tpu.memory_space<vmem>>, vector<64x96xf32>,
    %slice3A_359 = vector.extract_strided_slice %dot_general3A_316 {offsets = [7616, 0], sizes = [1088, 96], strides = [1, 1]} : vector<17408x96xf32> to vector<1088x96xf32>
    %dot_general3A_360 = arith.constant dense<0.000000e+00> : vector<64x96xf32>
    %dot_general3A_361 = tpu.matmul %convert_element_type3A_52, %slice3A_359, %dot_general3A_360 {dimension_numbers = #tpu.dot_dimension_numbers<[1], [0], [0], [1], [0, 0, 1, 1], [], []>, transpose_lhs_hint = false} : vector<64x1088xf32>, vector<1088x96xf32>, vector<64x96xf32> -> vector<64x96xf32>
    %swap3A_362 = arith.constant 448 : index
    %swap3A_363 = arith.constant 0 : index
    %swap3A_364 = vector.load %arg19[%swap3A_362, %swap3A_363] : memref<1024x96xf32, #tpu.memory_space<vmem>>, vector<64x96xf32>
    tpu.vector_store %arg19[%swap3A_362, %swap3A_363], %dot_general3A_361 {strides = array<i32>} : memref<1024x96xf32, #tpu.memory_space<vmem>>, vector<64x96xf32>,
    %slice3A_365 = vector.extract_strided_slice %dot_general3A_316 {offsets = [8704, 0], sizes = [1088, 96], strides = [1, 1]} : vector<17408x96xf32> to vector<1088x96xf32>
    %dot_general3A_366 = arith.constant dense<0.000000e+00> : vector<64x96xf32>
    %dot_general3A_367 = tpu.matmul %convert_element_type3A_52, %slice3A_365, %dot_general3A_366 {dimension_numbers = #tpu.dot_dimension_numbers<[1], [0], [0], [1], [0, 0, 1, 1], [], []>, transpose_lhs_hint = false} : vector<64x1088xf32>, vector<1088x96xf32>, vector<64x96xf32> -> vector<64x96xf32>
    %swap3A_368 = arith.constant 512 : index
    %swap3A_369 = arith.constant 0 : index
    %swap3A_370 = vector.load %arg19[%swap3A_368, %swap3A_369] : memref<1024x96xf32, #tpu.memory_space<vmem>>, vector<64x96xf32>
    tpu.vector_store %arg19[%swap3A_368, %swap3A_369], %dot_general3A_367 {strides = array<i32>} : memref<1024x96xf32, #tpu.memory_space<vmem>>, vector<64x96xf32>,
    %slice3A_371 = vector.extract_strided_slice %dot_general3A_316 {offsets = [9792, 0], sizes = [1088, 96], strides = [1, 1]} : vector<17408x96xf32> to vector<1088x96xf32>
    %dot_general3A_372 = arith.constant dense<0.000000e+00> : vector<64x96xf32>
    %dot_general3A_373 = tpu.matmul %convert_element_type3A_52, %slice3A_371, %dot_general3A_372 {dimension_numbers = #tpu.dot_dimension_numbers<[1], [0], [0], [1], [0, 0, 1, 1], [], []>, transpose_lhs_hint = false} : vector<64x1088xf32>, vector<1088x96xf32>, vector<64x96xf32> -> vector<64x96xf32>
    %swap3A_374 = arith.constant 576 : index
    %swap3A_375 = arith.constant 0 : index
    %swap3A_376 = vector.load %arg19[%swap3A_374, %swap3A_375] : memref<1024x96xf32, #tpu.memory_space<vmem>>, vector<64x96xf32>
    tpu.vector_store %arg19[%swap3A_374, %swap3A_375], %dot_general3A_373 {strides = array<i32>} : memref<1024x96xf32, #tpu.memory_space<vmem>>, vector<64x96xf32>,
    %slice3A_377 = vector.extract_strided_slice %dot_general3A_316 {offsets = [10880, 0], sizes = [1088, 96], strides = [1, 1]} : vector<17408x96xf32> to vector<1088x96xf32>
    %dot_general3A_378 = arith.constant dense<0.000000e+00> : vector<64x96xf32>
    %dot_general3A_379 = tpu.matmul %convert_element_type3A_52, %slice3A_377, %dot_general3A_378 {dimension_numbers = #tpu.dot_dimension_numbers<[1], [0], [0], [1], [0, 0, 1, 1], [], []>, transpose_lhs_hint = false} : vector<64x1088xf32>, vector<1088x96xf32>, vector<64x96xf32> -> vector<64x96xf32>
    %swap3A_380 = arith.constant 640 : index
    %swap3A_381 = arith.constant 0 : index
    %swap3A_382 = vector.load %arg19[%swap3A_380, %swap3A_381] : memref<1024x96xf32, #tpu.memory_space<vmem>>, vector<64x96xf32>
    tpu.vector_store %arg19[%swap3A_380, %swap3A_381], %dot_general3A_379 {strides = array<i32>} : memref<1024x96xf32, #tpu.memory_space<vmem>>, vector<64x96xf32>,
    %slice3A_383 = vector.extract_strided_slice %dot_general3A_316 {offsets = [11968, 0], sizes = [1088, 96], strides = [1, 1]} : vector<17408x96xf32> to vector<1088x96xf32>
    %dot_general3A_384 = arith.constant dense<0.000000e+00> : vector<64x96xf32>
    %dot_general3A_385 = tpu.matmul %convert_element_type3A_52, %slice3A_383, %dot_general3A_384 {dimension_numbers = #tpu.dot_dimension_numbers<[1], [0], [0], [1], [0, 0, 1, 1], [], []>, transpose_lhs_hint = false} : vector<64x1088xf32>, vector<1088x96xf32>, vector<64x96xf32> -> vector<64x96xf32>
    %swap3A_386 = arith.constant 704 : index
    %swap3A_387 = arith.constant 0 : index
    %swap3A_388 = vector.load %arg19[%swap3A_386, %swap3A_387] : memref<1024x96xf32, #tpu.memory_space<vmem>>, vector<64x96xf32>
    tpu.vector_store %arg19[%swap3A_386, %swap3A_387], %dot_general3A_385 {strides = array<i32>} : memref<1024x96xf32, #tpu.memory_space<vmem>>, vector<64x96xf32>,
    %slice3A_389 = vector.extract_strided_slice %dot_general3A_316 {offsets = [13056, 0], sizes = [1088, 96], strides = [1, 1]} : vector<17408x96xf32> to vector<1088x96xf32>
    %dot_general3A_390 = arith.constant dense<0.000000e+00> : vector<64x96xf32>
    %dot_general3A_391 = tpu.matmul %convert_element_type3A_52, %slice3A_389, %dot_general3A_390 {dimension_numbers = #tpu.dot_dimension_numbers<[1], [0], [0], [1], [0, 0, 1, 1], [], []>, transpose_lhs_hint = false} : vector<64x1088xf32>, vector<1088x96xf32>, vector<64x96xf32> -> vector<64x96xf32>
    %swap3A_392 = arith.constant 768 : index
    %swap3A_393 = arith.constant 0 : index
    %swap3A_394 = vector.load %arg19[%swap3A_392, %swap3A_393] : memref<1024x96xf32, #tpu.memory_space<vmem>>, vector<64x96xf32>
    tpu.vector_store %arg19[%swap3A_392, %swap3A_393], %dot_general3A_391 {strides = array<i32>} : memref<1024x96xf32, #tpu.memory_space<vmem>>, vector<64x96xf32>,
    %slice3A_395 = vector.extract_strided_slice %dot_general3A_316 {offsets = [14144, 0], sizes = [1088, 96], strides = [1, 1]} : vector<17408x96xf32> to vector<1088x96xf32>
    %dot_general3A_396 = arith.constant dense<0.000000e+00> : vector<64x96xf32>
    %dot_general3A_397 = tpu.matmul %convert_element_type3A_52, %slice3A_395, %dot_general3A_396 {dimension_numbers = #tpu.dot_dimension_numbers<[1], [0], [0], [1], [0, 0, 1, 1], [], []>, transpose_lhs_hint = false} : vector<64x1088xf32>, vector<1088x96xf32>, vector<64x96xf32> -> vector<64x96xf32>
    %swap3A_398 = arith.constant 832 : index
    %swap3A_399 = arith.constant 0 : index
    %swap3A_400 = vector.load %arg19[%swap3A_398, %swap3A_399] : memref<1024x96xf32, #tpu.memory_space<vmem>>, vector<64x96xf32>
    tpu.vector_store %arg19[%swap3A_398, %swap3A_399], %dot_general3A_397 {strides = array<i32>} : memref<1024x96xf32, #tpu.memory_space<vmem>>, vector<64x96xf32>,
    %slice3A_401 = vector.extract_strided_slice %dot_general3A_316 {offsets = [15232, 0], sizes = [1088, 96], strides = [1, 1]} : vector<17408x96xf32> to vector<1088x96xf32>
    %dot_general3A_402 = arith.constant dense<0.000000e+00> : vector<64x96xf32>
    %dot_general3A_403 = tpu.matmul %convert_element_type3A_52, %slice3A_401, %dot_general3A_402 {dimension_numbers = #tpu.dot_dimension_numbers<[1], [0], [0], [1], [0, 0, 1, 1], [], []>, transpose_lhs_hint = false} : vector<64x1088xf32>, vector<1088x96xf32>, vector<64x96xf32> -> vector<64x96xf32>
    %swap3A_404 = arith.constant 896 : index
    %swap3A_405 = arith.constant 0 : index
    %swap3A_406 = vector.load %arg19[%swap3A_404, %swap3A_405] : memref<1024x96xf32, #tpu.memory_space<vmem>>, vector<64x96xf32>
    tpu.vector_store %arg19[%swap3A_404, %swap3A_405], %dot_general3A_403 {strides = array<i32>} : memref<1024x96xf32, #tpu.memory_space<vmem>>, vector<64x96xf32>,
    %slice3A_407 = vector.extract_strided_slice %dot_general3A_316 {offsets = [16320, 0], sizes = [1088, 96], strides = [1, 1]} : vector<17408x96xf32> to vector<1088x96xf32>
    %dot_general3A_408 = arith.constant dense<0.000000e+00> : vector<64x96xf32>
    %dot_general3A_409 = tpu.matmul %convert_element_type3A_52, %slice3A_407, %dot_general3A_408 {dimension_numbers = #tpu.dot_dimension_numbers<[1], [0], [0], [1], [0, 0, 1, 1], [], []>, transpose_lhs_hint = false} : vector<64x1088xf32>, vector<1088x96xf32>, vector<64x96xf32> -> vector<64x96xf32>
    %swap3A_410 = arith.constant 960 : index
    %swap3A_411 = arith.constant 0 : index
    %swap3A_412 = vector.load %arg19[%swap3A_410, %swap3A_411] : memref<1024x96xf32, #tpu.memory_space<vmem>>, vector<64x96xf32>
    tpu.vector_store %arg19[%swap3A_410, %swap3A_411], %dot_general3A_409 {strides = array<i32>} : memref<1024x96xf32, #tpu.memory_space<vmem>>, vector<64x96xf32>,
    %get3A_413 = arith.constant 0 : index
    %get3A_414 = arith.constant 0 : index
    %get3A_415 = vector.load %arg19[%get3A_413, %get3A_414] : memref<1024x96xf32, #tpu.memory_space<vmem>>, vector<1024x96xf32>
    %dot_general3A_416 = arith.constant dense<0.000000e+00> : vector<1024x96xf32>
    %dot_general3A_417 = tpu.matmul %get3A_415, %get3A_103, %dot_general3A_416 {dimension_numbers = #tpu.dot_dimension_numbers<[1], [0], [0], [1], [0, 0, 1, 1], [], []>, transpose_lhs_hint = false} : vector<1024x96xf32>, vector<96x96xf32>, vector<1024x96xf32> -> vector<1024x96xf32>
    %add3A_418 = arith.addf %dot_general3A_417, %add3A_169 : vector<1024x96xf32>
    %max3A_419 = arith.constant 0.000000e+00 : f32
    %max3A_420 = vector.broadcast %max3A_419 : f32 to vector<1024x96xf32>
    %max3A_421 = arith.maximumf %add3A_418, %max3A_420 : vector<1024x96xf32>
    %dot_general3A_422 = arith.constant dense<0.000000e+00> : vector<1024x96xf32>
    %dot_general3A_423 = tpu.matmul %max3A_421, %get3A_83, %dot_general3A_422 {dimension_numbers = #tpu.dot_dimension_numbers<[1], [0], [0], [1], [0, 0, 1, 1], [], []>, transpose_lhs_hint = false} : vector<1024x96xf32>, vector<96x96xf32>, vector<1024x96xf32> -> vector<1024x96xf32>
    %add3A_424 = vector.broadcast %get3A_133 : vector<1x96xf32> to vector<1024x96xf32>
    %add3A_425 = arith.addf %dot_general3A_423, %add3A_424 : vector<1024x96xf32>
    %max3A_426 = arith.constant 0.000000e+00 : f32
    %max3A_427 = vector.broadcast %max3A_426 : f32 to vector<1024x96xf32>
    %max3A_428 = arith.maximumf %add3A_425, %max3A_427 : vector<1024x96xf32>
    %dot_general3A_429 = arith.constant dense<0.000000e+00> : vector<1024x96xf32>
    %dot_general3A_430 = tpu.matmul %max3A_428, %get3A_88, %dot_general3A_429 {dimension_numbers = #tpu.dot_dimension_numbers<[1], [0], [0], [1], [0, 0, 1, 1], [], []>, transpose_lhs_hint = false} : vector<1024x96xf32>, vector<96x96xf32>, vector<1024x96xf32> -> vector<1024x96xf32>
    %add3A_431 = vector.broadcast %get3A_136 : vector<1x96xf32> to vector<1024x96xf32>
    %add3A_432 = arith.addf %dot_general3A_430, %add3A_431 : vector<1024x96xf32>
    %dot_general3A_433 = arith.constant dense<0.000000e+00> : vector<1024x384xf32>
    %dot_general3A_434 = tpu.matmul %add3A_432, %get3A_113, %dot_general3A_433 {dimension_numbers = #tpu.dot_dimension_numbers<[1], [0], [0], [1], [0, 0, 1, 1], [], []>, transpose_lhs_hint = false} : vector<1024x96xf32>, vector<96x384xf32>, vector<1024x384xf32> -> vector<1024x384xf32>
    %add3A_435 = vector.broadcast %get3A_139 : vector<1x384xf32> to vector<1024x384xf32>
    %add3A_436 = arith.addf %dot_general3A_434, %add3A_435 : vector<1024x384xf32>
    %slice3A_437 = vector.extract_strided_slice %add3A_436 {offsets = [0, 0], sizes = [1024, 96], strides = [1, 1]} : vector<1024x384xf32> to vector<1024x96xf32>
    %slice3A_438 = vector.extract_strided_slice %add3A_436 {offsets = [0, 192], sizes = [1024, 96], strides = [1, 1]} : vector<1024x384xf32> to vector<1024x96xf32>
    %slice3A_439 = vector.extract_strided_slice %add3A_436 {offsets = [0, 288], sizes = [1024, 96], strides = [1, 1]} : vector<1024x384xf32> to vector<1024x96xf32>
    %logistic3A = arith.negf %slice3A_437 : vector<1024x96xf32>
    %logistic3A_440 = math.exp %logistic3A : vector<1024x96xf32>
    %logistic3A_441 = arith.constant 1.000000e+00 : f32
    %logistic3A_442 = vector.broadcast %logistic3A_441 : f32 to vector<1024x96xf32>
    %logistic3A_443 = arith.addf %logistic3A_442, %logistic3A_440 : vector<1024x96xf32>
    %logistic3A_444 = arith.divf %logistic3A_442, %logistic3A_443 : vector<1024x96xf32>
    %tanh3A = math.tanh %slice3A_438 : vector<1024x96xf32>
    %mul3A = arith.mulf %logistic3A_444, %tanh3A : vector<1024x96xf32>
    %logistic3A_445 = arith.negf %slice3A_439 : vector<1024x96xf32>
    %logistic3A_446 = math.exp %logistic3A_445 : vector<1024x96xf32>
    %logistic3A_447 = arith.constant 1.000000e+00 : f32
    %logistic3A_448 = vector.broadcast %logistic3A_447 : f32 to vector<1024x96xf32>
    %logistic3A_449 = arith.addf %logistic3A_448, %logistic3A_446 : vector<1024x96xf32>
    %logistic3A_450 = arith.divf %logistic3A_448, %logistic3A_449 : vector<1024x96xf32>
    %tanh3A_451 = math.tanh %mul3A : vector<1024x96xf32>
    %mul3A_452 = arith.mulf %logistic3A_450, %tanh3A_451 : vector<1024x96xf32>
    %dot_general3A_453 = arith.constant dense<0.000000e+00> : vector<1024x16xf32>
    %dot_general3A_454 = tpu.matmul %mul3A, %get3A_142, %dot_general3A_453 {dimension_numbers = #tpu.dot_dimension_numbers<[1], [0], [0], [1], [0, 0, 1, 1], [], []>, transpose_lhs_hint = false} : vector<1024x96xf32>, vector<96x16xf32>, vector<1024x16xf32> -> vector<1024x16xf32>
    %add3A_455 = vector.broadcast %get3A_145 : vector<1x16xf32> to vector<1024x16xf32>
    %add3A_456 = arith.addf %dot_general3A_454, %add3A_455 : vector<1024x16xf32>
    %reduce_max3A = arith.constant dense<0xFF800000> : vector<1024xf32>
    %reduce_max3A_457 = vector.multi_reduction <maximumf>, %add3A_456, %reduce_max3A [1] : vector<1024x16xf32> to vector<1024xf32>
    %broadcast_in_dim3A = vector.shape_cast %reduce_max3A_457 : vector<1024xf32> to vector<1024x1xf32>
    %sub3A = vector.broadcast %broadcast_in_dim3A : vector<1024x1xf32> to vector<1024x16xf32>
    %sub3A_458 = arith.subf %add3A_456, %sub3A : vector<1024x16xf32>
    %exp3A = math.exp %sub3A_458 : vector<1024x16xf32>
    %reduce_sum3A = arith.constant dense<0.000000e+00> : vector<1024xf32>
    %reduce_sum3A_459 = vector.multi_reduction <add>, %exp3A, %reduce_sum3A [1] : vector<1024x16xf32> to vector<1024xf32>
    %broadcast_in_dim3A_460 = vector.shape_cast %reduce_sum3A_459 : vector<1024xf32> to vector<1024x1xf32>
    %log3A = math.log %broadcast_in_dim3A_460 : vector<1024x1xf32>
    %add3A_461 = arith.addf %log3A, %broadcast_in_dim3A : vector<1024x1xf32>
    %sub3A_462 = vector.broadcast %add3A_461 : vector<1024x1xf32> to vector<1024x16xf32>
    %sub3A_463 = arith.subf %add3A_456, %sub3A_462 : vector<1024x16xf32>
    %mul3A_464 = arith.mulf %sub3A_463, %convert_element_type3A_11 : vector<1024x16xf32>
    %reduce_sum3A_465 = vector.shape_cast %mul3A_464 : vector<1024x16xf32> to vector<1x1024x16xf32>
    %reduce_sum3A_466 = arith.constant dense<0.000000e+00> : vector<1xf32>
    %reduce_sum3A_467 = vector.multi_reduction <add>, %reduce_sum3A_465, %reduce_sum3A_466 [1, 2] : vector<1x1024x16xf32> to vector<1xf32>
    %reduce_sum3A_468 = vector.shape_cast %reduce_sum3A_467 : vector<1xf32> to vector<1x1x1xf32>
    %reduce_sum3A_469 = vector.extract %reduce_sum3A_468[0, 0, 0] : f32 from vector<1x1x1xf32>
    %add3A_470 = arith.constant 0.000000e+00 : f32
    %add3A_471 = arith.addf %add3A_470, %reduce_sum3A_469 : f32
    %dot_general3A_472 = arith.constant dense<0.000000e+00> : vector<1024x96xf32>
    %dot_general3A_473 = tpu.matmul %mul3A_452, %get3A_93, %dot_general3A_472 {dimension_numbers = #tpu.dot_dimension_numbers<[1], [0], [0], [1], [0, 0, 1, 1], [], []>, transpose_lhs_hint = false} : vector<1024x96xf32>, vector<96x96xf32>, vector<1024x96xf32> -> vector<1024x96xf32>
    %add3A_474 = vector.broadcast %get3A_127 : vector<1x96xf32> to vector<1024x96xf32>
    %add3A_475 = arith.addf %dot_general3A_473, %add3A_474 : vector<1024x96xf32>
    %dot_general3A_476 = arith.constant dense<0.000000e+00> : vector<1024x96xf32>
    %dot_general3A_477 = tpu.matmul %mul3A_452, %get3A_98, %dot_general3A_476 {dimension_numbers = #tpu.dot_dimension_numbers<[1], [0], [0], [1], [0, 0, 1, 1], [], []>, transpose_lhs_hint = false} : vector<1024x96xf32>, vector<96x96xf32>, vector<1024x96xf32> -> vector<1024x96xf32>
    %slice3A_478 = vector.extract_strided_slice %add3A_475 {offsets = [0, 0], sizes = [64, 96], strides = [1, 1]} : vector<1024x96xf32> to vector<64x96xf32>
    %slice3A_479 = vector.extract_strided_slice %dot_general3A_477 {offsets = [0, 0], sizes = [64, 96], strides = [1, 1]} : vector<1024x96xf32> to vector<64x96xf32>
    %concatenate3A_480 = tpu.concatenate %slice3A_478, %slice3A_479 in 0 : vector<64x96xf32>, vector<64x96xf32> -> vector<128x96xf32>
    %dot_general3A_481 = arith.constant dense<0.000000e+00> : vector<1088x96xf32>
    %dot_general3A_482 = tpu.matmul %concatenate3A_44, %concatenate3A_480, %dot_general3A_481 {dimension_numbers = #tpu.dot_dimension_numbers<[1], [0], [0], [1], [0, 0, 1, 1], [], []>, transpose_lhs_hint = false} : vector<1088x128xf32>, vector<128x96xf32>, vector<1088x96xf32> -> vector<1088x96xf32>
    %swap3A_483 = arith.constant 0 : index
    %swap3A_484 = arith.constant 0 : index
    %swap3A_485 = vector.load %arg18[%swap3A_483, %swap3A_484] : memref<17408x96xf32, #tpu.memory_space<vmem>>, vector<1088x96xf32>
    tpu.vector_store %arg18[%swap3A_483, %swap3A_484], %dot_general3A_482 {strides = array<i32>} : memref<17408x96xf32, #tpu.memory_space<vmem>>, vector<1088x96xf32>,
    %slice3A_486 = vector.extract_strided_slice %add3A_475 {offsets = [64, 0], sizes = [64, 96], strides = [1, 1]} : vector<1024x96xf32> to vector<64x96xf32>
    %slice3A_487 = vector.extract_strided_slice %dot_general3A_477 {offsets = [64, 0], sizes = [64, 96], strides = [1, 1]} : vector<1024x96xf32> to vector<64x96xf32>
    %concatenate3A_488 = tpu.concatenate %slice3A_486, %slice3A_487 in 0 : vector<64x96xf32>, vector<64x96xf32> -> vector<128x96xf32>
    %dot_general3A_489 = arith.constant dense<0.000000e+00> : vector<1088x96xf32>
    %dot_general3A_490 = tpu.matmul %concatenate3A_44, %concatenate3A_488, %dot_general3A_489 {dimension_numbers = #tpu.dot_dimension_numbers<[1], [0], [0], [1], [0, 0, 1, 1], [], []>, transpose_lhs_hint = false} : vector<1088x128xf32>, vector<128x96xf32>, vector<1088x96xf32> -> vector<1088x96xf32>
    %swap3A_491 = arith.constant 1088 : index
    %swap3A_492 = arith.constant 0 : index
    %swap3A_493 = vector.load %arg18[%swap3A_491, %swap3A_492] : memref<17408x96xf32, #tpu.memory_space<vmem>>, vector<1088x96xf32>
    tpu.vector_store %arg18[%swap3A_491, %swap3A_492], %dot_general3A_490 {strides = array<i32>} : memref<17408x96xf32, #tpu.memory_space<vmem>>, vector<1088x96xf32>,
    %slice3A_494 = vector.extract_strided_slice %add3A_475 {offsets = [128, 0], sizes = [64, 96], strides = [1, 1]} : vector<1024x96xf32> to vector<64x96xf32>
    %slice3A_495 = vector.extract_strided_slice %dot_general3A_477 {offsets = [128, 0], sizes = [64, 96], strides = [1, 1]} : vector<1024x96xf32> to vector<64x96xf32>
    %concatenate3A_496 = tpu.concatenate %slice3A_494, %slice3A_495 in 0 : vector<64x96xf32>, vector<64x96xf32> -> vector<128x96xf32>
    %dot_general3A_497 = arith.constant dense<0.000000e+00> : vector<1088x96xf32>
    %dot_general3A_498 = tpu.matmul %concatenate3A_44, %concatenate3A_496, %dot_general3A_497 {dimension_numbers = #tpu.dot_dimension_numbers<[1], [0], [0], [1], [0, 0, 1, 1], [], []>, transpose_lhs_hint = false} : vector<1088x128xf32>, vector<128x96xf32>, vector<1088x96xf32> -> vector<1088x96xf32>
    %swap3A_499 = arith.constant 2176 : index
    %swap3A_500 = arith.constant 0 : index
    %swap3A_501 = vector.load %arg18[%swap3A_499, %swap3A_500] : memref<17408x96xf32, #tpu.memory_space<vmem>>, vector<1088x96xf32>
    tpu.vector_store %arg18[%swap3A_499, %swap3A_500], %dot_general3A_498 {strides = array<i32>} : memref<17408x96xf32, #tpu.memory_space<vmem>>, vector<1088x96xf32>,
    %slice3A_502 = vector.extract_strided_slice %add3A_475 {offsets = [192, 0], sizes = [64, 96], strides = [1, 1]} : vector<1024x96xf32> to vector<64x96xf32>
    %slice3A_503 = vector.extract_strided_slice %dot_general3A_477 {offsets = [192, 0], sizes = [64, 96], strides = [1, 1]} : vector<1024x96xf32> to vector<64x96xf32>
    %concatenate3A_504 = tpu.concatenate %slice3A_502, %slice3A_503 in 0 : vector<64x96xf32>, vector<64x96xf32> -> vector<128x96xf32>
    %dot_general3A_505 = arith.constant dense<0.000000e+00> : vector<1088x96xf32>
    %dot_general3A_506 = tpu.matmul %concatenate3A_44, %concatenate3A_504, %dot_general3A_505 {dimension_numbers = #tpu.dot_dimension_numbers<[1], [0], [0], [1], [0, 0, 1, 1], [], []>, transpose_lhs_hint = false} : vector<1088x128xf32>, vector<128x96xf32>, vector<1088x96xf32> -> vector<1088x96xf32>
    %swap3A_507 = arith.constant 3264 : index
    %swap3A_508 = arith.constant 0 : index
    %swap3A_509 = vector.load %arg18[%swap3A_507, %swap3A_508] : memref<17408x96xf32, #tpu.memory_space<vmem>>, vector<1088x96xf32>
    tpu.vector_store %arg18[%swap3A_507, %swap3A_508], %dot_general3A_506 {strides = array<i32>} : memref<17408x96xf32, #tpu.memory_space<vmem>>, vector<1088x96xf32>,
    %slice3A_510 = vector.extract_strided_slice %add3A_475 {offsets = [256, 0], sizes = [64, 96], strides = [1, 1]} : vector<1024x96xf32> to vector<64x96xf32>
    %slice3A_511 = vector.extract_strided_slice %dot_general3A_477 {offsets = [256, 0], sizes = [64, 96], strides = [1, 1]} : vector<1024x96xf32> to vector<64x96xf32>
    %concatenate3A_512 = tpu.concatenate %slice3A_510, %slice3A_511 in 0 : vector<64x96xf32>, vector<64x96xf32> -> vector<128x96xf32>
    %dot_general3A_513 = arith.constant dense<0.000000e+00> : vector<1088x96xf32>
    %dot_general3A_514 = tpu.matmul %concatenate3A_44, %concatenate3A_512, %dot_general3A_513 {dimension_numbers = #tpu.dot_dimension_numbers<[1], [0], [0], [1], [0, 0, 1, 1], [], []>, transpose_lhs_hint = false} : vector<1088x128xf32>, vector<128x96xf32>, vector<1088x96xf32> -> vector<1088x96xf32>
    %swap3A_515 = arith.constant 4352 : index
    %swap3A_516 = arith.constant 0 : index
    %swap3A_517 = vector.load %arg18[%swap3A_515, %swap3A_516] : memref<17408x96xf32, #tpu.memory_space<vmem>>, vector<1088x96xf32>
    tpu.vector_store %arg18[%swap3A_515, %swap3A_516], %dot_general3A_514 {strides = array<i32>} : memref<17408x96xf32, #tpu.memory_space<vmem>>, vector<1088x96xf32>,
    %slice3A_518 = vector.extract_strided_slice %add3A_475 {offsets = [320, 0], sizes = [64, 96], strides = [1, 1]} : vector<1024x96xf32> to vector<64x96xf32>
    %slice3A_519 = vector.extract_strided_slice %dot_general3A_477 {offsets = [320, 0], sizes = [64, 96], strides = [1, 1]} : vector<1024x96xf32> to vector<64x96xf32>
    %concatenate3A_520 = tpu.concatenate %slice3A_518, %slice3A_519 in 0 : vector<64x96xf32>, vector<64x96xf32> -> vector<128x96xf32>
    %dot_general3A_521 = arith.constant dense<0.000000e+00> : vector<1088x96xf32>
    %dot_general3A_522 = tpu.matmul %concatenate3A_44, %concatenate3A_520, %dot_general3A_521 {dimension_numbers = #tpu.dot_dimension_numbers<[1], [0], [0], [1], [0, 0, 1, 1], [], []>, transpose_lhs_hint = false} : vector<1088x128xf32>, vector<128x96xf32>, vector<1088x96xf32> -> vector<1088x96xf32>
    %swap3A_523 = arith.constant 5440 : index
    %swap3A_524 = arith.constant 0 : index
    %swap3A_525 = vector.load %arg18[%swap3A_523, %swap3A_524] : memref<17408x96xf32, #tpu.memory_space<vmem>>, vector<1088x96xf32>
    tpu.vector_store %arg18[%swap3A_523, %swap3A_524], %dot_general3A_522 {strides = array<i32>} : memref<17408x96xf32, #tpu.memory_space<vmem>>, vector<1088x96xf32>,
    %slice3A_526 = vector.extract_strided_slice %add3A_475 {offsets = [384, 0], sizes = [64, 96], strides = [1, 1]} : vector<1024x96xf32> to vector<64x96xf32>
    %slice3A_527 = vector.extract_strided_slice %dot_general3A_477 {offsets = [384, 0], sizes = [64, 96], strides = [1, 1]} : vector<1024x96xf32> to vector<64x96xf32>
    %concatenate3A_528 = tpu.concatenate %slice3A_526, %slice3A_527 in 0 : vector<64x96xf32>, vector<64x96xf32> -> vector<128x96xf32>
    %dot_general3A_529 = arith.constant dense<0.000000e+00> : vector<1088x96xf32>
    %dot_general3A_530 = tpu.matmul %concatenate3A_44, %concatenate3A_528, %dot_general3A_529 {dimension_numbers = #tpu.dot_dimension_numbers<[1], [0], [0], [1], [0, 0, 1, 1], [], []>, transpose_lhs_hint = false} : vector<1088x128xf32>, vector<128x96xf32>, vector<1088x96xf32> -> vector<1088x96xf32>
    %swap3A_531 = arith.constant 6528 : index
    %swap3A_532 = arith.constant 0 : index
    %swap3A_533 = vector.load %arg18[%swap3A_531, %swap3A_532] : memref<17408x96xf32, #tpu.memory_space<vmem>>, vector<1088x96xf32>
    tpu.vector_store %arg18[%swap3A_531, %swap3A_532], %dot_general3A_530 {strides = array<i32>} : memref<17408x96xf32, #tpu.memory_space<vmem>>, vector<1088x96xf32>,
    %slice3A_534 = vector.extract_strided_slice %add3A_475 {offsets = [448, 0], sizes = [64, 96], strides = [1, 1]} : vector<1024x96xf32> to vector<64x96xf32>
    %slice3A_535 = vector.extract_strided_slice %dot_general3A_477 {offsets = [448, 0], sizes = [64, 96], strides = [1, 1]} : vector<1024x96xf32> to vector<64x96xf32>
    %concatenate3A_536 = tpu.concatenate %slice3A_534, %slice3A_535 in 0 : vector<64x96xf32>, vector<64x96xf32> -> vector<128x96xf32>
    %dot_general3A_537 = arith.constant dense<0.000000e+00> : vector<1088x96xf32>
    %dot_general3A_538 = tpu.matmul %concatenate3A_44, %concatenate3A_536, %dot_general3A_537 {dimension_numbers = #tpu.dot_dimension_numbers<[1], [0], [0], [1], [0, 0, 1, 1], [], []>, transpose_lhs_hint = false} : vector<1088x128xf32>, vector<128x96xf32>, vector<1088x96xf32> -> vector<1088x96xf32>
    %swap3A_539 = arith.constant 7616 : index
    %swap3A_540 = arith.constant 0 : index
    %swap3A_541 = vector.load %arg18[%swap3A_539, %swap3A_540] : memref<17408x96xf32, #tpu.memory_space<vmem>>, vector<1088x96xf32>
    tpu.vector_store %arg18[%swap3A_539, %swap3A_540], %dot_general3A_538 {strides = array<i32>} : memref<17408x96xf32, #tpu.memory_space<vmem>>, vector<1088x96xf32>,
    %slice3A_542 = vector.extract_strided_slice %add3A_475 {offsets = [512, 0], sizes = [64, 96], strides = [1, 1]} : vector<1024x96xf32> to vector<64x96xf32>
    %slice3A_543 = vector.extract_strided_slice %dot_general3A_477 {offsets = [512, 0], sizes = [64, 96], strides = [1, 1]} : vector<1024x96xf32> to vector<64x96xf32>
    %concatenate3A_544 = tpu.concatenate %slice3A_542, %slice3A_543 in 0 : vector<64x96xf32>, vector<64x96xf32> -> vector<128x96xf32>
    %dot_general3A_545 = arith.constant dense<0.000000e+00> : vector<1088x96xf32>
    %dot_general3A_546 = tpu.matmul %concatenate3A_44, %concatenate3A_544, %dot_general3A_545 {dimension_numbers = #tpu.dot_dimension_numbers<[1], [0], [0], [1], [0, 0, 1, 1], [], []>, transpose_lhs_hint = false} : vector<1088x128xf32>, vector<128x96xf32>, vector<1088x96xf32> -> vector<1088x96xf32>
    %swap3A_547 = arith.constant 8704 : index
    %swap3A_548 = arith.constant 0 : index
    %swap3A_549 = vector.load %arg18[%swap3A_547, %swap3A_548] : memref<17408x96xf32, #tpu.memory_space<vmem>>, vector<1088x96xf32>
    tpu.vector_store %arg18[%swap3A_547, %swap3A_548], %dot_general3A_546 {strides = array<i32>} : memref<17408x96xf32, #tpu.memory_space<vmem>>, vector<1088x96xf32>,
    %slice3A_550 = vector.extract_strided_slice %add3A_475 {offsets = [576, 0], sizes = [64, 96], strides = [1, 1]} : vector<1024x96xf32> to vector<64x96xf32>
    %slice3A_551 = vector.extract_strided_slice %dot_general3A_477 {offsets = [576, 0], sizes = [64, 96], strides = [1, 1]} : vector<1024x96xf32> to vector<64x96xf32>
    %concatenate3A_552 = tpu.concatenate %slice3A_550, %slice3A_551 in 0 : vector<64x96xf32>, vector<64x96xf32> -> vector<128x96xf32>
    %dot_general3A_553 = arith.constant dense<0.000000e+00> : vector<1088x96xf32>
    %dot_general3A_554 = tpu.matmul %concatenate3A_44, %concatenate3A_552, %dot_general3A_553 {dimension_numbers = #tpu.dot_dimension_numbers<[1], [0], [0], [1], [0, 0, 1, 1], [], []>, transpose_lhs_hint = false} : vector<1088x128xf32>, vector<128x96xf32>, vector<1088x96xf32> -> vector<1088x96xf32>
    %swap3A_555 = arith.constant 9792 : index
    %swap3A_556 = arith.constant 0 : index
    %swap3A_557 = vector.load %arg18[%swap3A_555, %swap3A_556] : memref<17408x96xf32, #tpu.memory_space<vmem>>, vector<1088x96xf32>
    tpu.vector_store %arg18[%swap3A_555, %swap3A_556], %dot_general3A_554 {strides = array<i32>} : memref<17408x96xf32, #tpu.memory_space<vmem>>, vector<1088x96xf32>,
    %slice3A_558 = vector.extract_strided_slice %add3A_475 {offsets = [640, 0], sizes = [64, 96], strides = [1, 1]} : vector<1024x96xf32> to vector<64x96xf32>
    %slice3A_559 = vector.extract_strided_slice %dot_general3A_477 {offsets = [640, 0], sizes = [64, 96], strides = [1, 1]} : vector<1024x96xf32> to vector<64x96xf32>
    %concatenate3A_560 = tpu.concatenate %slice3A_558, %slice3A_559 in 0 : vector<64x96xf32>, vector<64x96xf32> -> vector<128x96xf32>
    %dot_general3A_561 = arith.constant dense<0.000000e+00> : vector<1088x96xf32>
    %dot_general3A_562 = tpu.matmul %concatenate3A_44, %concatenate3A_560, %dot_general3A_561 {dimension_numbers = #tpu.dot_dimension_numbers<[1], [0], [0], [1], [0, 0, 1, 1], [], []>, transpose_lhs_hint = false} : vector<1088x128xf32>, vector<128x96xf32>, vector<1088x96xf32> -> vector<1088x96xf32>
    %swap3A_563 = arith.constant 10880 : index
    %swap3A_564 = arith.constant 0 : index
    %swap3A_565 = vector.load %arg18[%swap3A_563, %swap3A_564] : memref<17408x96xf32, #tpu.memory_space<vmem>>, vector<1088x96xf32>
    tpu.vector_store %arg18[%swap3A_563, %swap3A_564], %dot_general3A_562 {strides = array<i32>} : memref<17408x96xf32, #tpu.memory_space<vmem>>, vector<1088x96xf32>,
    %slice3A_566 = vector.extract_strided_slice %add3A_475 {offsets = [704, 0], sizes = [64, 96], strides = [1, 1]} : vector<1024x96xf32> to vector<64x96xf32>
    %slice3A_567 = vector.extract_strided_slice %dot_general3A_477 {offsets = [704, 0], sizes = [64, 96], strides = [1, 1]} : vector<1024x96xf32> to vector<64x96xf32>
    %concatenate3A_568 = tpu.concatenate %slice3A_566, %slice3A_567 in 0 : vector<64x96xf32>, vector<64x96xf32> -> vector<128x96xf32>
    %dot_general3A_569 = arith.constant dense<0.000000e+00> : vector<1088x96xf32>
    %dot_general3A_570 = tpu.matmul %concatenate3A_44, %concatenate3A_568, %dot_general3A_569 {dimension_numbers = #tpu.dot_dimension_numbers<[1], [0], [0], [1], [0, 0, 1, 1], [], []>, transpose_lhs_hint = false} : vector<1088x128xf32>, vector<128x96xf32>, vector<1088x96xf32> -> vector<1088x96xf32>
    %swap3A_571 = arith.constant 11968 : index
    %swap3A_572 = arith.constant 0 : index
    %swap3A_573 = vector.load %arg18[%swap3A_571, %swap3A_572] : memref<17408x96xf32, #tpu.memory_space<vmem>>, vector<1088x96xf32>
    tpu.vector_store %arg18[%swap3A_571, %swap3A_572], %dot_general3A_570 {strides = array<i32>} : memref<17408x96xf32, #tpu.memory_space<vmem>>, vector<1088x96xf32>,
    %slice3A_574 = vector.extract_strided_slice %add3A_475 {offsets = [768, 0], sizes = [64, 96], strides = [1, 1]} : vector<1024x96xf32> to vector<64x96xf32>
    %slice3A_575 = vector.extract_strided_slice %dot_general3A_477 {offsets = [768, 0], sizes = [64, 96], strides = [1, 1]} : vector<1024x96xf32> to vector<64x96xf32>
    %concatenate3A_576 = tpu.concatenate %slice3A_574, %slice3A_575 in 0 : vector<64x96xf32>, vector<64x96xf32> -> vector<128x96xf32>
    %dot_general3A_577 = arith.constant dense<0.000000e+00> : vector<1088x96xf32>
    %dot_general3A_578 = tpu.matmul %concatenate3A_44, %concatenate3A_576, %dot_general3A_577 {dimension_numbers = #tpu.dot_dimension_numbers<[1], [0], [0], [1], [0, 0, 1, 1], [], []>, transpose_lhs_hint = false} : vector<1088x128xf32>, vector<128x96xf32>, vector<1088x96xf32> -> vector<1088x96xf32>
    %swap3A_579 = arith.constant 13056 : index
    %swap3A_580 = arith.constant 0 : index
    %swap3A_581 = vector.load %arg18[%swap3A_579, %swap3A_580] : memref<17408x96xf32, #tpu.memory_space<vmem>>, vector<1088x96xf32>
    tpu.vector_store %arg18[%swap3A_579, %swap3A_580], %dot_general3A_578 {strides = array<i32>} : memref<17408x96xf32, #tpu.memory_space<vmem>>, vector<1088x96xf32>,
    %slice3A_582 = vector.extract_strided_slice %add3A_475 {offsets = [832, 0], sizes = [64, 96], strides = [1, 1]} : vector<1024x96xf32> to vector<64x96xf32>
    %slice3A_583 = vector.extract_strided_slice %dot_general3A_477 {offsets = [832, 0], sizes = [64, 96], strides = [1, 1]} : vector<1024x96xf32> to vector<64x96xf32>
    %concatenate3A_584 = tpu.concatenate %slice3A_582, %slice3A_583 in 0 : vector<64x96xf32>, vector<64x96xf32> -> vector<128x96xf32>
    %dot_general3A_585 = arith.constant dense<0.000000e+00> : vector<1088x96xf32>
    %dot_general3A_586 = tpu.matmul %concatenate3A_44, %concatenate3A_584, %dot_general3A_585 {dimension_numbers = #tpu.dot_dimension_numbers<[1], [0], [0], [1], [0, 0, 1, 1], [], []>, transpose_lhs_hint = false} : vector<1088x128xf32>, vector<128x96xf32>, vector<1088x96xf32> -> vector<1088x96xf32>
    %swap3A_587 = arith.constant 14144 : index
    %swap3A_588 = arith.constant 0 : index
    %swap3A_589 = vector.load %arg18[%swap3A_587, %swap3A_588] : memref<17408x96xf32, #tpu.memory_space<vmem>>, vector<1088x96xf32>
    tpu.vector_store %arg18[%swap3A_587, %swap3A_588], %dot_general3A_586 {strides = array<i32>} : memref<17408x96xf32, #tpu.memory_space<vmem>>, vector<1088x96xf32>,
    %slice3A_590 = vector.extract_strided_slice %add3A_475 {offsets = [896, 0], sizes = [64, 96], strides = [1, 1]} : vector<1024x96xf32> to vector<64x96xf32>
    %slice3A_591 = vector.extract_strided_slice %dot_general3A_477 {offsets = [896, 0], sizes = [64, 96], strides = [1, 1]} : vector<1024x96xf32> to vector<64x96xf32>
    %concatenate3A_592 = tpu.concatenate %slice3A_590, %slice3A_591 in 0 : vector<64x96xf32>, vector<64x96xf32> -> vector<128x96xf32>
    %dot_general3A_593 = arith.constant dense<0.000000e+00> : vector<1088x96xf32>
    %dot_general3A_594 = tpu.matmul %concatenate3A_44, %concatenate3A_592, %dot_general3A_593 {dimension_numbers = #tpu.dot_dimension_numbers<[1], [0], [0], [1], [0, 0, 1, 1], [], []>, transpose_lhs_hint = false} : vector<1088x128xf32>, vector<128x96xf32>, vector<1088x96xf32> -> vector<1088x96xf32>
    %swap3A_595 = arith.constant 15232 : index
    %swap3A_596 = arith.constant 0 : index
    %swap3A_597 = vector.load %arg18[%swap3A_595, %swap3A_596] : memref<17408x96xf32, #tpu.memory_space<vmem>>, vector<1088x96xf32>
    tpu.vector_store %arg18[%swap3A_595, %swap3A_596], %dot_general3A_594 {strides = array<i32>} : memref<17408x96xf32, #tpu.memory_space<vmem>>, vector<1088x96xf32>,
    %slice3A_598 = vector.extract_strided_slice %add3A_475 {offsets = [960, 0], sizes = [64, 96], strides = [1, 1]} : vector<1024x96xf32> to vector<64x96xf32>
    %slice3A_599 = vector.extract_strided_slice %dot_general3A_477 {offsets = [960, 0], sizes = [64, 96], strides = [1, 1]} : vector<1024x96xf32> to vector<64x96xf32>
    %concatenate3A_600 = tpu.concatenate %slice3A_598, %slice3A_599 in 0 : vector<64x96xf32>, vector<64x96xf32> -> vector<128x96xf32>
    %dot_general3A_601 = arith.constant dense<0.000000e+00> : vector<1088x96xf32>
    %dot_general3A_602 = tpu.matmul %concatenate3A_44, %concatenate3A_600, %dot_general3A_601 {dimension_numbers = #tpu.dot_dimension_numbers<[1], [0], [0], [1], [0, 0, 1, 1], [], []>, transpose_lhs_hint = false} : vector<1088x128xf32>, vector<128x96xf32>, vector<1088x96xf32> -> vector<1088x96xf32>
    %swap3A_603 = arith.constant 16320 : index
    %swap3A_604 = arith.constant 0 : index
    %swap3A_605 = vector.load %arg18[%swap3A_603, %swap3A_604] : memref<17408x96xf32, #tpu.memory_space<vmem>>, vector<1088x96xf32>
    tpu.vector_store %arg18[%swap3A_603, %swap3A_604], %dot_general3A_602 {strides = array<i32>} : memref<17408x96xf32, #tpu.memory_space<vmem>>, vector<1088x96xf32>,
    %get3A_606 = arith.constant 0 : index
    %get3A_607 = arith.constant 0 : index
    %get3A_608 = vector.load %arg18[%get3A_606, %get3A_607] : memref<17408x96xf32, #tpu.memory_space<vmem>>, vector<17408x96xf32>
    %max3A_609 = arith.constant 0.000000e+00 : f32
    %max3A_610 = vector.broadcast %max3A_609 : f32 to vector<17408x96xf32>
    %max3A_611 = arith.maximumf %get3A_608, %max3A_610 : vector<17408x96xf32>
    %dot_general3A_612 = arith.constant dense<0.000000e+00> : vector<17408x96xf32>
    %dot_general3A_613 = tpu.matmul %max3A_611, %get3A_73, %dot_general3A_612 {dimension_numbers = #tpu.dot_dimension_numbers<[1], [0], [0], [1], [0, 0, 1, 1], [], []>, transpose_lhs_hint = false} : vector<17408x96xf32>, vector<96x96xf32>, vector<17408x96xf32> -> vector<17408x96xf32>
    %add3A_614 = vector.broadcast %get3A_130 : vector<1x96xf32> to vector<17408x96xf32>
    %add3A_615 = arith.addf %dot_general3A_613, %add3A_614 : vector<17408x96xf32>
    %max3A_616 = arith.constant 0.000000e+00 : f32
    %max3A_617 = vector.broadcast %max3A_616 : f32 to vector<17408x96xf32>
    %max3A_618 = arith.maximumf %add3A_615, %max3A_617 : vector<17408x96xf32>
    %dot_general3A_619 = arith.constant dense<0.000000e+00> : vector<17408x96xf32>
    %dot_general3A_620 = tpu.matmul %max3A_618, %get3A_78, %dot_general3A_619 {dimension_numbers = #tpu.dot_dimension_numbers<[1], [0], [0], [1], [0, 0, 1, 1], [], []>, transpose_lhs_hint = false} : vector<17408x96xf32>, vector<96x96xf32>, vector<17408x96xf32> -> vector<17408x96xf32>
    %slice3A_621 = vector.extract_strided_slice %dot_general3A_620 {offsets = [0, 0], sizes = [1088, 96], strides = [1, 1]} : vector<17408x96xf32> to vector<1088x96xf32>
    %dot_general3A_622 = arith.constant dense<0.000000e+00> : vector<64x96xf32>
    %dot_general3A_623 = tpu.matmul %convert_element_type3A_52, %slice3A_621, %dot_general3A_622 {dimension_numbers = #tpu.dot_dimension_numbers<[1], [0], [0], [1], [0, 0, 1, 1], [], []>, transpose_lhs_hint = false} : vector<64x1088xf32>, vector<1088x96xf32>, vector<64x96xf32> -> vector<64x96xf32>
    %swap3A_624 = arith.constant 0 : index
    %swap3A_625 = arith.constant 0 : index
    %swap3A_626 = vector.load %arg19[%swap3A_624, %swap3A_625] : memref<1024x96xf32, #tpu.memory_space<vmem>>, vector<64x96xf32>
    tpu.vector_store %arg19[%swap3A_624, %swap3A_625], %dot_general3A_623 {strides = array<i32>} : memref<1024x96xf32, #tpu.memory_space<vmem>>, vector<64x96xf32>,
    %slice3A_627 = vector.extract_strided_slice %dot_general3A_620 {offsets = [1088, 0], sizes = [1088, 96], strides = [1, 1]} : vector<17408x96xf32> to vector<1088x96xf32>
    %dot_general3A_628 = arith.constant dense<0.000000e+00> : vector<64x96xf32>
    %dot_general3A_629 = tpu.matmul %convert_element_type3A_52, %slice3A_627, %dot_general3A_628 {dimension_numbers = #tpu.dot_dimension_numbers<[1], [0], [0], [1], [0, 0, 1, 1], [], []>, transpose_lhs_hint = false} : vector<64x1088xf32>, vector<1088x96xf32>, vector<64x96xf32> -> vector<64x96xf32>
    %swap3A_630 = arith.constant 64 : index
    %swap3A_631 = arith.constant 0 : index
    %swap3A_632 = vector.load %arg19[%swap3A_630, %swap3A_631] : memref<1024x96xf32, #tpu.memory_space<vmem>>, vector<64x96xf32>
    tpu.vector_store %arg19[%swap3A_630, %swap3A_631], %dot_general3A_629 {strides = array<i32>} : memref<1024x96xf32, #tpu.memory_space<vmem>>, vector<64x96xf32>,
    %slice3A_633 = vector.extract_strided_slice %dot_general3A_620 {offsets = [2176, 0], sizes = [1088, 96], strides = [1, 1]} : vector<17408x96xf32> to vector<1088x96xf32>
    %dot_general3A_634 = arith.constant dense<0.000000e+00> : vector<64x96xf32>
    %dot_general3A_635 = tpu.matmul %convert_element_type3A_52, %slice3A_633, %dot_general3A_634 {dimension_numbers = #tpu.dot_dimension_numbers<[1], [0], [0], [1], [0, 0, 1, 1], [], []>, transpose_lhs_hint = false} : vector<64x1088xf32>, vector<1088x96xf32>, vector<64x96xf32> -> vector<64x96xf32>
    %swap3A_636 = arith.constant 128 : index
    %swap3A_637 = arith.constant 0 : index
    %swap3A_638 = vector.load %arg19[%swap3A_636, %swap3A_637] : memref<1024x96xf32, #tpu.memory_space<vmem>>, vector<64x96xf32>
    tpu.vector_store %arg19[%swap3A_636, %swap3A_637], %dot_general3A_635 {strides = array<i32>} : memref<1024x96xf32, #tpu.memory_space<vmem>>, vector<64x96xf32>,
    %slice3A_639 = vector.extract_strided_slice %dot_general3A_620 {offsets = [3264, 0], sizes = [1088, 96], strides = [1, 1]} : vector<17408x96xf32> to vector<1088x96xf32>
    %dot_general3A_640 = arith.constant dense<0.000000e+00> : vector<64x96xf32>
    %dot_general3A_641 = tpu.matmul %convert_element_type3A_52, %slice3A_639, %dot_general3A_640 {dimension_numbers = #tpu.dot_dimension_numbers<[1], [0], [0], [1], [0, 0, 1, 1], [], []>, transpose_lhs_hint = false} : vector<64x1088xf32>, vector<1088x96xf32>, vector<64x96xf32> -> vector<64x96xf32>
    %swap3A_642 = arith.constant 192 : index
    %swap3A_643 = arith.constant 0 : index
    %swap3A_644 = vector.load %arg19[%swap3A_642, %swap3A_643] : memref<1024x96xf32, #tpu.memory_space<vmem>>, vector<64x96xf32>
    tpu.vector_store %arg19[%swap3A_642, %swap3A_643], %dot_general3A_641 {strides = array<i32>} : memref<1024x96xf32, #tpu.memory_space<vmem>>, vector<64x96xf32>,
    %slice3A_645 = vector.extract_strided_slice %dot_general3A_620 {offsets = [4352, 0], sizes = [1088, 96], strides = [1, 1]} : vector<17408x96xf32> to vector<1088x96xf32>
    %dot_general3A_646 = arith.constant dense<0.000000e+00> : vector<64x96xf32>
    %dot_general3A_647 = tpu.matmul %convert_element_type3A_52, %slice3A_645, %dot_general3A_646 {dimension_numbers = #tpu.dot_dimension_numbers<[1], [0], [0], [1], [0, 0, 1, 1], [], []>, transpose_lhs_hint = false} : vector<64x1088xf32>, vector<1088x96xf32>, vector<64x96xf32> -> vector<64x96xf32>
    %swap3A_648 = arith.constant 256 : index
    %swap3A_649 = arith.constant 0 : index
    %swap3A_650 = vector.load %arg19[%swap3A_648, %swap3A_649] : memref<1024x96xf32, #tpu.memory_space<vmem>>, vector<64x96xf32>
    tpu.vector_store %arg19[%swap3A_648, %swap3A_649], %dot_general3A_647 {strides = array<i32>} : memref<1024x96xf32, #tpu.memory_space<vmem>>, vector<64x96xf32>,
    %slice3A_651 = vector.extract_strided_slice %dot_general3A_620 {offsets = [5440, 0], sizes = [1088, 96], strides = [1, 1]} : vector<17408x96xf32> to vector<1088x96xf32>
    %dot_general3A_652 = arith.constant dense<0.000000e+00> : vector<64x96xf32>
    %dot_general3A_653 = tpu.matmul %convert_element_type3A_52, %slice3A_651, %dot_general3A_652 {dimension_numbers = #tpu.dot_dimension_numbers<[1], [0], [0], [1], [0, 0, 1, 1], [], []>, transpose_lhs_hint = false} : vector<64x1088xf32>, vector<1088x96xf32>, vector<64x96xf32> -> vector<64x96xf32>
    %swap3A_654 = arith.constant 320 : index
    %swap3A_655 = arith.constant 0 : index
    %swap3A_656 = vector.load %arg19[%swap3A_654, %swap3A_655] : memref<1024x96xf32, #tpu.memory_space<vmem>>, vector<64x96xf32>
    tpu.vector_store %arg19[%swap3A_654, %swap3A_655], %dot_general3A_653 {strides = array<i32>} : memref<1024x96xf32, #tpu.memory_space<vmem>>, vector<64x96xf32>,
    %slice3A_657 = vector.extract_strided_slice %dot_general3A_620 {offsets = [6528, 0], sizes = [1088, 96], strides = [1, 1]} : vector<17408x96xf32> to vector<1088x96xf32>
    %dot_general3A_658 = arith.constant dense<0.000000e+00> : vector<64x96xf32>
    %dot_general3A_659 = tpu.matmul %convert_element_type3A_52, %slice3A_657, %dot_general3A_658 {dimension_numbers = #tpu.dot_dimension_numbers<[1], [0], [0], [1], [0, 0, 1, 1], [], []>, transpose_lhs_hint = false} : vector<64x1088xf32>, vector<1088x96xf32>, vector<64x96xf32> -> vector<64x96xf32>
    %swap3A_660 = arith.constant 384 : index
    %swap3A_661 = arith.constant 0 : index
    %swap3A_662 = vector.load %arg19[%swap3A_660, %swap3A_661] : memref<1024x96xf32, #tpu.memory_space<vmem>>, vector<64x96xf32>
    tpu.vector_store %arg19[%swap3A_660, %swap3A_661], %dot_general3A_659 {strides = array<i32>} : memref<1024x96xf32, #tpu.memory_space<vmem>>, vector<64x96xf32>,
    %slice3A_663 = vector.extract_strided_slice %dot_general3A_620 {offsets = [7616, 0], sizes = [1088, 96], strides = [1, 1]} : vector<17408x96xf32> to vector<1088x96xf32>
    %dot_general3A_664 = arith.constant dense<0.000000e+00> : vector<64x96xf32>
    %dot_general3A_665 = tpu.matmul %convert_element_type3A_52, %slice3A_663, %dot_general3A_664 {dimension_numbers = #tpu.dot_dimension_numbers<[1], [0], [0], [1], [0, 0, 1, 1], [], []>, transpose_lhs_hint = false} : vector<64x1088xf32>, vector<1088x96xf32>, vector<64x96xf32> -> vector<64x96xf32>
    %swap3A_666 = arith.constant 448 : index
    %swap3A_667 = arith.constant 0 : index
    %swap3A_668 = vector.load %arg19[%swap3A_666, %swap3A_667] : memref<1024x96xf32, #tpu.memory_space<vmem>>, vector<64x96xf32>
    tpu.vector_store %arg19[%swap3A_666, %swap3A_667], %dot_general3A_665 {strides = array<i32>} : memref<1024x96xf32, #tpu.memory_space<vmem>>, vector<64x96xf32>,
    %slice3A_669 = vector.extract_strided_slice %dot_general3A_620 {offsets = [8704, 0], sizes = [1088, 96], strides = [1, 1]} : vector<17408x96xf32> to vector<1088x96xf32>
    %dot_general3A_670 = arith.constant dense<0.000000e+00> : vector<64x96xf32>
    %dot_general3A_671 = tpu.matmul %convert_element_type3A_52, %slice3A_669, %dot_general3A_670 {dimension_numbers = #tpu.dot_dimension_numbers<[1], [0], [0], [1], [0, 0, 1, 1], [], []>, transpose_lhs_hint = false} : vector<64x1088xf32>, vector<1088x96xf32>, vector<64x96xf32> -> vector<64x96xf32>
    %swap3A_672 = arith.constant 512 : index
    %swap3A_673 = arith.constant 0 : index
    %swap3A_674 = vector.load %arg19[%swap3A_672, %swap3A_673] : memref<1024x96xf32, #tpu.memory_space<vmem>>, vector<64x96xf32>
    tpu.vector_store %arg19[%swap3A_672, %swap3A_673], %dot_general3A_671 {strides = array<i32>} : memref<1024x96xf32, #tpu.memory_space<vmem>>, vector<64x96xf32>,
    %slice3A_675 = vector.extract_strided_slice %dot_general3A_620 {offsets = [9792, 0], sizes = [1088, 96], strides = [1, 1]} : vector<17408x96xf32> to vector<1088x96xf32>
    %dot_general3A_676 = arith.constant dense<0.000000e+00> : vector<64x96xf32>
    %dot_general3A_677 = tpu.matmul %convert_element_type3A_52, %slice3A_675, %dot_general3A_676 {dimension_numbers = #tpu.dot_dimension_numbers<[1], [0], [0], [1], [0, 0, 1, 1], [], []>, transpose_lhs_hint = false} : vector<64x1088xf32>, vector<1088x96xf32>, vector<64x96xf32> -> vector<64x96xf32>
    %swap3A_678 = arith.constant 576 : index
    %swap3A_679 = arith.constant 0 : index
    %swap3A_680 = vector.load %arg19[%swap3A_678, %swap3A_679] : memref<1024x96xf32, #tpu.memory_space<vmem>>, vector<64x96xf32>
    tpu.vector_store %arg19[%swap3A_678, %swap3A_679], %dot_general3A_677 {strides = array<i32>} : memref<1024x96xf32, #tpu.memory_space<vmem>>, vector<64x96xf32>,
    %slice3A_681 = vector.extract_strided_slice %dot_general3A_620 {offsets = [10880, 0], sizes = [1088, 96], strides = [1, 1]} : vector<17408x96xf32> to vector<1088x96xf32>
    %dot_general3A_682 = arith.constant dense<0.000000e+00> : vector<64x96xf32>
    %dot_general3A_683 = tpu.matmul %convert_element_type3A_52, %slice3A_681, %dot_general3A_682 {dimension_numbers = #tpu.dot_dimension_numbers<[1], [0], [0], [1], [0, 0, 1, 1], [], []>, transpose_lhs_hint = false} : vector<64x1088xf32>, vector<1088x96xf32>, vector<64x96xf32> -> vector<64x96xf32>
    %swap3A_684 = arith.constant 640 : index
    %swap3A_685 = arith.constant 0 : index
    %swap3A_686 = vector.load %arg19[%swap3A_684, %swap3A_685] : memref<1024x96xf32, #tpu.memory_space<vmem>>, vector<64x96xf32>
    tpu.vector_store %arg19[%swap3A_684, %swap3A_685], %dot_general3A_683 {strides = array<i32>} : memref<1024x96xf32, #tpu.memory_space<vmem>>, vector<64x96xf32>,
    %slice3A_687 = vector.extract_strided_slice %dot_general3A_620 {offsets = [11968, 0], sizes = [1088, 96], strides = [1, 1]} : vector<17408x96xf32> to vector<1088x96xf32>
    %dot_general3A_688 = arith.constant dense<0.000000e+00> : vector<64x96xf32>
    %dot_general3A_689 = tpu.matmul %convert_element_type3A_52, %slice3A_687, %dot_general3A_688 {dimension_numbers = #tpu.dot_dimension_numbers<[1], [0], [0], [1], [0, 0, 1, 1], [], []>, transpose_lhs_hint = false} : vector<64x1088xf32>, vector<1088x96xf32>, vector<64x96xf32> -> vector<64x96xf32>
    %swap3A_690 = arith.constant 704 : index
    %swap3A_691 = arith.constant 0 : index
    %swap3A_692 = vector.load %arg19[%swap3A_690, %swap3A_691] : memref<1024x96xf32, #tpu.memory_space<vmem>>, vector<64x96xf32>
    tpu.vector_store %arg19[%swap3A_690, %swap3A_691], %dot_general3A_689 {strides = array<i32>} : memref<1024x96xf32, #tpu.memory_space<vmem>>, vector<64x96xf32>,
    %slice3A_693 = vector.extract_strided_slice %dot_general3A_620 {offsets = [13056, 0], sizes = [1088, 96], strides = [1, 1]} : vector<17408x96xf32> to vector<1088x96xf32>
    %dot_general3A_694 = arith.constant dense<0.000000e+00> : vector<64x96xf32>
    %dot_general3A_695 = tpu.matmul %convert_element_type3A_52, %slice3A_693, %dot_general3A_694 {dimension_numbers = #tpu.dot_dimension_numbers<[1], [0], [0], [1], [0, 0, 1, 1], [], []>, transpose_lhs_hint = false} : vector<64x1088xf32>, vector<1088x96xf32>, vector<64x96xf32> -> vector<64x96xf32>
    %swap3A_696 = arith.constant 768 : index
    %swap3A_697 = arith.constant 0 : index
    %swap3A_698 = vector.load %arg19[%swap3A_696, %swap3A_697] : memref<1024x96xf32, #tpu.memory_space<vmem>>, vector<64x96xf32>
    tpu.vector_store %arg19[%swap3A_696, %swap3A_697], %dot_general3A_695 {strides = array<i32>} : memref<1024x96xf32, #tpu.memory_space<vmem>>, vector<64x96xf32>,
    %slice3A_699 = vector.extract_strided_slice %dot_general3A_620 {offsets = [14144, 0], sizes = [1088, 96], strides = [1, 1]} : vector<17408x96xf32> to vector<1088x96xf32>
    %dot_general3A_700 = arith.constant dense<0.000000e+00> : vector<64x96xf32>
    %dot_general3A_701 = tpu.matmul %convert_element_type3A_52, %slice3A_699, %dot_general3A_700 {dimension_numbers = #tpu.dot_dimension_numbers<[1], [0], [0], [1], [0, 0, 1, 1], [], []>, transpose_lhs_hint = false} : vector<64x1088xf32>, vector<1088x96xf32>, vector<64x96xf32> -> vector<64x96xf32>
    %swap3A_702 = arith.constant 832 : index
    %swap3A_703 = arith.constant 0 : index
    %swap3A_704 = vector.load %arg19[%swap3A_702, %swap3A_703] : memref<1024x96xf32, #tpu.memory_space<vmem>>, vector<64x96xf32>
    tpu.vector_store %arg19[%swap3A_702, %swap3A_703], %dot_general3A_701 {strides = array<i32>} : memref<1024x96xf32, #tpu.memory_space<vmem>>, vector<64x96xf32>,
    %slice3A_705 = vector.extract_strided_slice %dot_general3A_620 {offsets = [15232, 0], sizes = [1088, 96], strides = [1, 1]} : vector<17408x96xf32> to vector<1088x96xf32>
    %dot_general3A_706 = arith.constant dense<0.000000e+00> : vector<64x96xf32>
    %dot_general3A_707 = tpu.matmul %convert_element_type3A_52, %slice3A_705, %dot_general3A_706 {dimension_numbers = #tpu.dot_dimension_numbers<[1], [0], [0], [1], [0, 0, 1, 1], [], []>, transpose_lhs_hint = false} : vector<64x1088xf32>, vector<1088x96xf32>, vector<64x96xf32> -> vector<64x96xf32>
    %swap3A_708 = arith.constant 896 : index
    %swap3A_709 = arith.constant 0 : index
    %swap3A_710 = vector.load %arg19[%swap3A_708, %swap3A_709] : memref<1024x96xf32, #tpu.memory_space<vmem>>, vector<64x96xf32>
    tpu.vector_store %arg19[%swap3A_708, %swap3A_709], %dot_general3A_707 {strides = array<i32>} : memref<1024x96xf32, #tpu.memory_space<vmem>>, vector<64x96xf32>,
    %slice3A_711 = vector.extract_strided_slice %dot_general3A_620 {offsets = [16320, 0], sizes = [1088, 96], strides = [1, 1]} : vector<17408x96xf32> to vector<1088x96xf32>
    %dot_general3A_712 = arith.constant dense<0.000000e+00> : vector<64x96xf32>
    %dot_general3A_713 = tpu.matmul %convert_element_type3A_52, %slice3A_711, %dot_general3A_712 {dimension_numbers = #tpu.dot_dimension_numbers<[1], [0], [0], [1], [0, 0, 1, 1], [], []>, transpose_lhs_hint = false} : vector<64x1088xf32>, vector<1088x96xf32>, vector<64x96xf32> -> vector<64x96xf32>
    %swap3A_714 = arith.constant 960 : index
    %swap3A_715 = arith.constant 0 : index
    %swap3A_716 = vector.load %arg19[%swap3A_714, %swap3A_715] : memref<1024x96xf32, #tpu.memory_space<vmem>>, vector<64x96xf32>
    tpu.vector_store %arg19[%swap3A_714, %swap3A_715], %dot_general3A_713 {strides = array<i32>} : memref<1024x96xf32, #tpu.memory_space<vmem>>, vector<64x96xf32>,
    %get3A_717 = arith.constant 0 : index
    %get3A_718 = arith.constant 0 : index
    %get3A_719 = vector.load %arg19[%get3A_717, %get3A_718] : memref<1024x96xf32, #tpu.memory_space<vmem>>, vector<1024x96xf32>
    %dot_general3A_720 = arith.constant dense<0.000000e+00> : vector<1024x96xf32>
    %dot_general3A_721 = tpu.matmul %get3A_719, %get3A_103, %dot_general3A_720 {dimension_numbers = #tpu.dot_dimension_numbers<[1], [0], [0], [1], [0, 0, 1, 1], [], []>, transpose_lhs_hint = false} : vector<1024x96xf32>, vector<96x96xf32>, vector<1024x96xf32> -> vector<1024x96xf32>
    %add3A_722 = arith.addf %dot_general3A_721, %add3A_169 : vector<1024x96xf32>
    %max3A_723 = arith.constant 0.000000e+00 : f32
    %max3A_724 = vector.broadcast %max3A_723 : f32 to vector<1024x96xf32>
    %max3A_725 = arith.maximumf %add3A_722, %max3A_724 : vector<1024x96xf32>
    %dot_general3A_726 = arith.constant dense<0.000000e+00> : vector<1024x96xf32>
    %dot_general3A_727 = tpu.matmul %max3A_725, %get3A_83, %dot_general3A_726 {dimension_numbers = #tpu.dot_dimension_numbers<[1], [0], [0], [1], [0, 0, 1, 1], [], []>, transpose_lhs_hint = false} : vector<1024x96xf32>, vector<96x96xf32>, vector<1024x96xf32> -> vector<1024x96xf32>
    %add3A_728 = vector.broadcast %get3A_133 : vector<1x96xf32> to vector<1024x96xf32>
    %add3A_729 = arith.addf %dot_general3A_727, %add3A_728 : vector<1024x96xf32>
    %max3A_730 = arith.constant 0.000000e+00 : f32
    %max3A_731 = vector.broadcast %max3A_730 : f32 to vector<1024x96xf32>
    %max3A_732 = arith.maximumf %add3A_729, %max3A_731 : vector<1024x96xf32>
    %dot_general3A_733 = arith.constant dense<0.000000e+00> : vector<1024x96xf32>
    %dot_general3A_734 = tpu.matmul %max3A_732, %get3A_88, %dot_general3A_733 {dimension_numbers = #tpu.dot_dimension_numbers<[1], [0], [0], [1], [0, 0, 1, 1], [], []>, transpose_lhs_hint = false} : vector<1024x96xf32>, vector<96x96xf32>, vector<1024x96xf32> -> vector<1024x96xf32>
    %add3A_735 = vector.broadcast %get3A_136 : vector<1x96xf32> to vector<1024x96xf32>
    %add3A_736 = arith.addf %dot_general3A_734, %add3A_735 : vector<1024x96xf32>
    %dot_general3A_737 = arith.constant dense<0.000000e+00> : vector<1024x384xf32>
    %dot_general3A_738 = tpu.matmul %add3A_736, %get3A_113, %dot_general3A_737 {dimension_numbers = #tpu.dot_dimension_numbers<[1], [0], [0], [1], [0, 0, 1, 1], [], []>, transpose_lhs_hint = false} : vector<1024x96xf32>, vector<96x384xf32>, vector<1024x384xf32> -> vector<1024x384xf32>
    %add3A_739 = vector.broadcast %get3A_139 : vector<1x384xf32> to vector<1024x384xf32>
    %add3A_740 = arith.addf %dot_general3A_738, %add3A_739 : vector<1024x384xf32>
    %dot_general3A_741 = arith.constant dense<0.000000e+00> : vector<1024x384xf32>
    %dot_general3A_742 = tpu.matmul %mul3A_452, %get3A_118, %dot_general3A_741 {dimension_numbers = #tpu.dot_dimension_numbers<[1], [0], [0], [1], [0, 0, 1, 1], [], []>, transpose_lhs_hint = false} : vector<1024x96xf32>, vector<96x384xf32>, vector<1024x384xf32> -> vector<1024x384xf32>
    %add3A_743 = arith.addf %add3A_740, %dot_general3A_742 : vector<1024x384xf32>
    %slice3A_744 = vector.extract_strided_slice %add3A_743 {offsets = [0, 0], sizes = [1024, 96], strides = [1, 1]} : vector<1024x384xf32> to vector<1024x96xf32>
    %slice3A_745 = vector.extract_strided_slice %add3A_743 {offsets = [0, 96], sizes = [1024, 96], strides = [1, 1]} : vector<1024x384xf32> to vector<1024x96xf32>
    %slice3A_746 = vector.extract_strided_slice %add3A_743 {offsets = [0, 192], sizes = [1024, 96], strides = [1, 1]} : vector<1024x384xf32> to vector<1024x96xf32>
    %slice3A_747 = vector.extract_strided_slice %add3A_743 {offsets = [0, 288], sizes = [1024, 96], strides = [1, 1]} : vector<1024x384xf32> to vector<1024x96xf32>
    %logistic3A_748 = arith.negf %slice3A_744 : vector<1024x96xf32>
    %logistic3A_749 = math.exp %logistic3A_748 : vector<1024x96xf32>
    %logistic3A_750 = arith.constant 1.000000e+00 : f32
    %logistic3A_751 = vector.broadcast %logistic3A_750 : f32 to vector<1024x96xf32>
    %logistic3A_752 = arith.addf %logistic3A_751, %logistic3A_749 : vector<1024x96xf32>
    %logistic3A_753 = arith.divf %logistic3A_751, %logistic3A_752 : vector<1024x96xf32>
    %tanh3A_754 = math.tanh %slice3A_746 : vector<1024x96xf32>
    %mul3A_755 = arith.mulf %logistic3A_753, %tanh3A_754 : vector<1024x96xf32>
    %logistic3A_756 = arith.negf %slice3A_745 : vector<1024x96xf32>
    %logistic3A_757 = math.exp %logistic3A_756 : vector<1024x96xf32>
    %logistic3A_758 = arith.constant 1.000000e+00 : f32
    %logistic3A_759 = vector.broadcast %logistic3A_758 : f32 to vector<1024x96xf32>
    %logistic3A_760 = arith.addf %logistic3A_759, %logistic3A_757 : vector<1024x96xf32>
    %logistic3A_761 = arith.divf %logistic3A_759, %logistic3A_760 : vector<1024x96xf32>
    %mul3A_762 = arith.mulf %logistic3A_761, %mul3A : vector<1024x96xf32>
    %add3A_763 = arith.addf %mul3A_755, %mul3A_762 : vector<1024x96xf32>
    %logistic3A_764 = arith.negf %slice3A_747 : vector<1024x96xf32>
    %logistic3A_765 = math.exp %logistic3A_764 : vector<1024x96xf32>
    %logistic3A_766 = arith.constant 1.000000e+00 : f32
    %logistic3A_767 = vector.broadcast %logistic3A_766 : f32 to vector<1024x96xf32>
    %logistic3A_768 = arith.addf %logistic3A_767, %logistic3A_765 : vector<1024x96xf32>
    %logistic3A_769 = arith.divf %logistic3A_767, %logistic3A_768 : vector<1024x96xf32>
    %tanh3A_770 = math.tanh %add3A_763 : vector<1024x96xf32>
    %mul3A_771 = arith.mulf %logistic3A_769, %tanh3A_770 : vector<1024x96xf32>
    %dot_general3A_772 = arith.constant dense<0.000000e+00> : vector<1024x16xf32>
    %dot_general3A_773 = tpu.matmul %add3A_763, %get3A_142, %dot_general3A_772 {dimension_numbers = #tpu.dot_dimension_numbers<[1], [0], [0], [1], [0, 0, 1, 1], [], []>, transpose_lhs_hint = false} : vector<1024x96xf32>, vector<96x16xf32>, vector<1024x16xf32> -> vector<1024x16xf32>
    %add3A_774 = vector.broadcast %get3A_145 : vector<1x16xf32> to vector<1024x16xf32>
    %add3A_775 = arith.addf %dot_general3A_773, %add3A_774 : vector<1024x16xf32>
    %reduce_max3A_776 = arith.constant dense<0xFF800000> : vector<1024xf32>
    %reduce_max3A_777 = vector.multi_reduction <maximumf>, %add3A_775, %reduce_max3A_776 [1] : vector<1024x16xf32> to vector<1024xf32>
    %broadcast_in_dim3A_778 = vector.shape_cast %reduce_max3A_777 : vector<1024xf32> to vector<1024x1xf32>
    %sub3A_779 = vector.broadcast %broadcast_in_dim3A_778 : vector<1024x1xf32> to vector<1024x16xf32>
    %sub3A_780 = arith.subf %add3A_775, %sub3A_779 : vector<1024x16xf32>
    %exp3A_781 = math.exp %sub3A_780 : vector<1024x16xf32>
    %reduce_sum3A_782 = arith.constant dense<0.000000e+00> : vector<1024xf32>
    %reduce_sum3A_783 = vector.multi_reduction <add>, %exp3A_781, %reduce_sum3A_782 [1] : vector<1024x16xf32> to vector<1024xf32>
    %broadcast_in_dim3A_784 = vector.shape_cast %reduce_sum3A_783 : vector<1024xf32> to vector<1024x1xf32>
    %log3A_785 = math.log %broadcast_in_dim3A_784 : vector<1024x1xf32>
    %add3A_786 = arith.addf %log3A_785, %broadcast_in_dim3A_778 : vector<1024x1xf32>
    %sub3A_787 = vector.broadcast %add3A_786 : vector<1024x1xf32> to vector<1024x16xf32>
    %sub3A_788 = arith.subf %add3A_775, %sub3A_787 : vector<1024x16xf32>
    %mul3A_789 = arith.mulf %sub3A_788, %convert_element_type3A_11 : vector<1024x16xf32>
    %reduce_sum3A_790 = vector.shape_cast %mul3A_789 : vector<1024x16xf32> to vector<1x1024x16xf32>
    %reduce_sum3A_791 = arith.constant dense<0.000000e+00> : vector<1xf32>
    %reduce_sum3A_792 = vector.multi_reduction <add>, %reduce_sum3A_790, %reduce_sum3A_791 [1, 2] : vector<1x1024x16xf32> to vector<1xf32>
    %reduce_sum3A_793 = vector.shape_cast %reduce_sum3A_792 : vector<1xf32> to vector<1x1x1xf32>
    %reduce_sum3A_794 = vector.extract %reduce_sum3A_793[0, 0, 0] : f32 from vector<1x1x1xf32>
    %add3A_795 = arith.addf %add3A_471, %reduce_sum3A_794 : f32
    %dot_general3A_796 = arith.constant dense<0.000000e+00> : vector<1024x96xf32>
    %dot_general3A_797 = tpu.matmul %mul3A_771, %get3A_93, %dot_general3A_796 {dimension_numbers = #tpu.dot_dimension_numbers<[1], [0], [0], [1], [0, 0, 1, 1], [], []>, transpose_lhs_hint = false} : vector<1024x96xf32>, vector<96x96xf32>, vector<1024x96xf32> -> vector<1024x96xf32>
    %add3A_798 = vector.broadcast %get3A_127 : vector<1x96xf32> to vector<1024x96xf32>
    %add3A_799 = arith.addf %dot_general3A_797, %add3A_798 : vector<1024x96xf32>
    %dot_general3A_800 = arith.constant dense<0.000000e+00> : vector<1024x96xf32>
    %dot_general3A_801 = tpu.matmul %mul3A_771, %get3A_98, %dot_general3A_800 {dimension_numbers = #tpu.dot_dimension_numbers<[1], [0], [0], [1], [0, 0, 1, 1], [], []>, transpose_lhs_hint = false} : vector<1024x96xf32>, vector<96x96xf32>, vector<1024x96xf32> -> vector<1024x96xf32>
    %slice3A_802 = vector.extract_strided_slice %add3A_799 {offsets = [0, 0], sizes = [64, 96], strides = [1, 1]} : vector<1024x96xf32> to vector<64x96xf32>
    %slice3A_803 = vector.extract_strided_slice %dot_general3A_801 {offsets = [0, 0], sizes = [64, 96], strides = [1, 1]} : vector<1024x96xf32> to vector<64x96xf32>
    %concatenate3A_804 = tpu.concatenate %slice3A_802, %slice3A_803 in 0 : vector<64x96xf32>, vector<64x96xf32> -> vector<128x96xf32>
    %dot_general3A_805 = arith.constant dense<0.000000e+00> : vector<1088x96xf32>
    %dot_general3A_806 = tpu.matmul %concatenate3A_44, %concatenate3A_804, %dot_general3A_805 {dimension_numbers = #tpu.dot_dimension_numbers<[1], [0], [0], [1], [0, 0, 1, 1], [], []>, transpose_lhs_hint = false} : vector<1088x128xf32>, vector<128x96xf32>, vector<1088x96xf32> -> vector<1088x96xf32>
    %swap3A_807 = arith.constant 0 : index
    %swap3A_808 = arith.constant 0 : index
    %swap3A_809 = vector.load %arg18[%swap3A_807, %swap3A_808] : memref<17408x96xf32, #tpu.memory_space<vmem>>, vector<1088x96xf32>
    tpu.vector_store %arg18[%swap3A_807, %swap3A_808], %dot_general3A_806 {strides = array<i32>} : memref<17408x96xf32, #tpu.memory_space<vmem>>, vector<1088x96xf32>,
    %slice3A_810 = vector.extract_strided_slice %add3A_799 {offsets = [64, 0], sizes = [64, 96], strides = [1, 1]} : vector<1024x96xf32> to vector<64x96xf32>
    %slice3A_811 = vector.extract_strided_slice %dot_general3A_801 {offsets = [64, 0], sizes = [64, 96], strides = [1, 1]} : vector<1024x96xf32> to vector<64x96xf32>
    %concatenate3A_812 = tpu.concatenate %slice3A_810, %slice3A_811 in 0 : vector<64x96xf32>, vector<64x96xf32> -> vector<128x96xf32>
    %dot_general3A_813 = arith.constant dense<0.000000e+00> : vector<1088x96xf32>
    %dot_general3A_814 = tpu.matmul %concatenate3A_44, %concatenate3A_812, %dot_general3A_813 {dimension_numbers = #tpu.dot_dimension_numbers<[1], [0], [0], [1], [0, 0, 1, 1], [], []>, transpose_lhs_hint = false} : vector<1088x128xf32>, vector<128x96xf32>, vector<1088x96xf32> -> vector<1088x96xf32>
    %swap3A_815 = arith.constant 1088 : index
    %swap3A_816 = arith.constant 0 : index
    %swap3A_817 = vector.load %arg18[%swap3A_815, %swap3A_816] : memref<17408x96xf32, #tpu.memory_space<vmem>>, vector<1088x96xf32>
    tpu.vector_store %arg18[%swap3A_815, %swap3A_816], %dot_general3A_814 {strides = array<i32>} : memref<17408x96xf32, #tpu.memory_space<vmem>>, vector<1088x96xf32>,
    %slice3A_818 = vector.extract_strided_slice %add3A_799 {offsets = [128, 0], sizes = [64, 96], strides = [1, 1]} : vector<1024x96xf32> to vector<64x96xf32>
    %slice3A_819 = vector.extract_strided_slice %dot_general3A_801 {offsets = [128, 0], sizes = [64, 96], strides = [1, 1]} : vector<1024x96xf32> to vector<64x96xf32>
    %concatenate3A_820 = tpu.concatenate %slice3A_818, %slice3A_819 in 0 : vector<64x96xf32>, vector<64x96xf32> -> vector<128x96xf32>
    %dot_general3A_821 = arith.constant dense<0.000000e+00> : vector<1088x96xf32>
    %dot_general3A_822 = tpu.matmul %concatenate3A_44, %concatenate3A_820, %dot_general3A_821 {dimension_numbers = #tpu.dot_dimension_numbers<[1], [0], [0], [1], [0, 0, 1, 1], [], []>, transpose_lhs_hint = false} : vector<1088x128xf32>, vector<128x96xf32>, vector<1088x96xf32> -> vector<1088x96xf32>
    %swap3A_823 = arith.constant 2176 : index
    %swap3A_824 = arith.constant 0 : index
    %swap3A_825 = vector.load %arg18[%swap3A_823, %swap3A_824] : memref<17408x96xf32, #tpu.memory_space<vmem>>, vector<1088x96xf32>
    tpu.vector_store %arg18[%swap3A_823, %swap3A_824], %dot_general3A_822 {strides = array<i32>} : memref<17408x96xf32, #tpu.memory_space<vmem>>, vector<1088x96xf32>,
    %slice3A_826 = vector.extract_strided_slice %add3A_799 {offsets = [192, 0], sizes = [64, 96], strides = [1, 1]} : vector<1024x96xf32> to vector<64x96xf32>
    %slice3A_827 = vector.extract_strided_slice %dot_general3A_801 {offsets = [192, 0], sizes = [64, 96], strides = [1, 1]} : vector<1024x96xf32> to vector<64x96xf32>
    %concatenate3A_828 = tpu.concatenate %slice3A_826, %slice3A_827 in 0 : vector<64x96xf32>, vector<64x96xf32> -> vector<128x96xf32>
    %dot_general3A_829 = arith.constant dense<0.000000e+00> : vector<1088x96xf32>
    %dot_general3A_830 = tpu.matmul %concatenate3A_44, %concatenate3A_828, %dot_general3A_829 {dimension_numbers = #tpu.dot_dimension_numbers<[1], [0], [0], [1], [0, 0, 1, 1], [], []>, transpose_lhs_hint = false} : vector<1088x128xf32>, vector<128x96xf32>, vector<1088x96xf32> -> vector<1088x96xf32>
    %swap3A_831 = arith.constant 3264 : index
    %swap3A_832 = arith.constant 0 : index
    %swap3A_833 = vector.load %arg18[%swap3A_831, %swap3A_832] : memref<17408x96xf32, #tpu.memory_space<vmem>>, vector<1088x96xf32>
    tpu.vector_store %arg18[%swap3A_831, %swap3A_832], %dot_general3A_830 {strides = array<i32>} : memref<17408x96xf32, #tpu.memory_space<vmem>>, vector<1088x96xf32>,
    %slice3A_834 = vector.extract_strided_slice %add3A_799 {offsets = [256, 0], sizes = [64, 96], strides = [1, 1]} : vector<1024x96xf32> to vector<64x96xf32>
    %slice3A_835 = vector.extract_strided_slice %dot_general3A_801 {offsets = [256, 0], sizes = [64, 96], strides = [1, 1]} : vector<1024x96xf32> to vector<64x96xf32>
    %concatenate3A_836 = tpu.concatenate %slice3A_834, %slice3A_835 in 0 : vector<64x96xf32>, vector<64x96xf32> -> vector<128x96xf32>
    %dot_general3A_837 = arith.constant dense<0.000000e+00> : vector<1088x96xf32>
    %dot_general3A_838 = tpu.matmul %concatenate3A_44, %concatenate3A_836, %dot_general3A_837 {dimension_numbers = #tpu.dot_dimension_numbers<[1], [0], [0], [1], [0, 0, 1, 1], [], []>, transpose_lhs_hint = false} : vector<1088x128xf32>, vector<128x96xf32>, vector<1088x96xf32> -> vector<1088x96xf32>
    %swap3A_839 = arith.constant 4352 : index
    %swap3A_840 = arith.constant 0 : index
    %swap3A_841 = vector.load %arg18[%swap3A_839, %swap3A_840] : memref<17408x96xf32, #tpu.memory_space<vmem>>, vector<1088x96xf32>
    tpu.vector_store %arg18[%swap3A_839, %swap3A_840], %dot_general3A_838 {strides = array<i32>} : memref<17408x96xf32, #tpu.memory_space<vmem>>, vector<1088x96xf32>,
    %slice3A_842 = vector.extract_strided_slice %add3A_799 {offsets = [320, 0], sizes = [64, 96], strides = [1, 1]} : vector<1024x96xf32> to vector<64x96xf32>
    %slice3A_843 = vector.extract_strided_slice %dot_general3A_801 {offsets = [320, 0], sizes = [64, 96], strides = [1, 1]} : vector<1024x96xf32> to vector<64x96xf32>
    %concatenate3A_844 = tpu.concatenate %slice3A_842, %slice3A_843 in 0 : vector<64x96xf32>, vector<64x96xf32> -> vector<128x96xf32>
    %dot_general3A_845 = arith.constant dense<0.000000e+00> : vector<1088x96xf32>
    %dot_general3A_846 = tpu.matmul %concatenate3A_44, %concatenate3A_844, %dot_general3A_845 {dimension_numbers = #tpu.dot_dimension_numbers<[1], [0], [0], [1], [0, 0, 1, 1], [], []>, transpose_lhs_hint = false} : vector<1088x128xf32>, vector<128x96xf32>, vector<1088x96xf32> -> vector<1088x96xf32>
    %swap3A_847 = arith.constant 5440 : index
    %swap3A_848 = arith.constant 0 : index
    %swap3A_849 = vector.load %arg18[%swap3A_847, %swap3A_848] : memref<17408x96xf32, #tpu.memory_space<vmem>>, vector<1088x96xf32>
    tpu.vector_store %arg18[%swap3A_847, %swap3A_848], %dot_general3A_846 {strides = array<i32>} : memref<17408x96xf32, #tpu.memory_space<vmem>>, vector<1088x96xf32>,
    %slice3A_850 = vector.extract_strided_slice %add3A_799 {offsets = [384, 0], sizes = [64, 96], strides = [1, 1]} : vector<1024x96xf32> to vector<64x96xf32>
    %slice3A_851 = vector.extract_strided_slice %dot_general3A_801 {offsets = [384, 0], sizes = [64, 96], strides = [1, 1]} : vector<1024x96xf32> to vector<64x96xf32>
    %concatenate3A_852 = tpu.concatenate %slice3A_850, %slice3A_851 in 0 : vector<64x96xf32>, vector<64x96xf32> -> vector<128x96xf32>
    %dot_general3A_853 = arith.constant dense<0.000000e+00> : vector<1088x96xf32>
    %dot_general3A_854 = tpu.matmul %concatenate3A_44, %concatenate3A_852, %dot_general3A_853 {dimension_numbers = #tpu.dot_dimension_numbers<[1], [0], [0], [1], [0, 0, 1, 1], [], []>, transpose_lhs_hint = false} : vector<1088x128xf32>, vector<128x96xf32>, vector<1088x96xf32> -> vector<1088x96xf32>
    %swap3A_855 = arith.constant 6528 : index
    %swap3A_856 = arith.constant 0 : index
    %swap3A_857 = vector.load %arg18[%swap3A_855, %swap3A_856] : memref<17408x96xf32, #tpu.memory_space<vmem>>, vector<1088x96xf32>
    tpu.vector_store %arg18[%swap3A_855, %swap3A_856], %dot_general3A_854 {strides = array<i32>} : memref<17408x96xf32, #tpu.memory_space<vmem>>, vector<1088x96xf32>,
    %slice3A_858 = vector.extract_strided_slice %add3A_799 {offsets = [448, 0], sizes = [64, 96], strides = [1, 1]} : vector<1024x96xf32> to vector<64x96xf32>
    %slice3A_859 = vector.extract_strided_slice %dot_general3A_801 {offsets = [448, 0], sizes = [64, 96], strides = [1, 1]} : vector<1024x96xf32> to vector<64x96xf32>
    %concatenate3A_860 = tpu.concatenate %slice3A_858, %slice3A_859 in 0 : vector<64x96xf32>, vector<64x96xf32> -> vector<128x96xf32>
    %dot_general3A_861 = arith.constant dense<0.000000e+00> : vector<1088x96xf32>
    %dot_general3A_862 = tpu.matmul %concatenate3A_44, %concatenate3A_860, %dot_general3A_861 {dimension_numbers = #tpu.dot_dimension_numbers<[1], [0], [0], [1], [0, 0, 1, 1], [], []>, transpose_lhs_hint = false} : vector<1088x128xf32>, vector<128x96xf32>, vector<1088x96xf32> -> vector<1088x96xf32>
    %swap3A_863 = arith.constant 7616 : index
    %swap3A_864 = arith.constant 0 : index
    %swap3A_865 = vector.load %arg18[%swap3A_863, %swap3A_864] : memref<17408x96xf32, #tpu.memory_space<vmem>>, vector<1088x96xf32>
    tpu.vector_store %arg18[%swap3A_863, %swap3A_864], %dot_general3A_862 {strides = array<i32>} : memref<17408x96xf32, #tpu.memory_space<vmem>>, vector<1088x96xf32>,
    %slice3A_866 = vector.extract_strided_slice %add3A_799 {offsets = [512, 0], sizes = [64, 96], strides = [1, 1]} : vector<1024x96xf32> to vector<64x96xf32>
    %slice3A_867 = vector.extract_strided_slice %dot_general3A_801 {offsets = [512, 0], sizes = [64, 96], strides = [1, 1]} : vector<1024x96xf32> to vector<64x96xf32>
    %concatenate3A_868 = tpu.concatenate %slice3A_866, %slice3A_867 in 0 : vector<64x96xf32>, vector<64x96xf32> -> vector<128x96xf32>
    %dot_general3A_869 = arith.constant dense<0.000000e+00> : vector<1088x96xf32>
    %dot_general3A_870 = tpu.matmul %concatenate3A_44, %concatenate3A_868, %dot_general3A_869 {dimension_numbers = #tpu.dot_dimension_numbers<[1], [0], [0], [1], [0, 0, 1, 1], [], []>, transpose_lhs_hint = false} : vector<1088x128xf32>, vector<128x96xf32>, vector<1088x96xf32> -> vector<1088x96xf32>
    %swap3A_871 = arith.constant 8704 : index
    %swap3A_872 = arith.constant 0 : index
    %swap3A_873 = vector.load %arg18[%swap3A_871, %swap3A_872] : memref<17408x96xf32, #tpu.memory_space<vmem>>, vector<1088x96xf32>
    tpu.vector_store %arg18[%swap3A_871, %swap3A_872], %dot_general3A_870 {strides = array<i32>} : memref<17408x96xf32, #tpu.memory_space<vmem>>, vector<1088x96xf32>,
    %slice3A_874 = vector.extract_strided_slice %add3A_799 {offsets = [576, 0], sizes = [64, 96], strides = [1, 1]} : vector<1024x96xf32> to vector<64x96xf32>
    %slice3A_875 = vector.extract_strided_slice %dot_general3A_801 {offsets = [576, 0], sizes = [64, 96], strides = [1, 1]} : vector<1024x96xf32> to vector<64x96xf32>
    %concatenate3A_876 = tpu.concatenate %slice3A_874, %slice3A_875 in 0 : vector<64x96xf32>, vector<64x96xf32> -> vector<128x96xf32>
    %dot_general3A_877 = arith.constant dense<0.000000e+00> : vector<1088x96xf32>
    %dot_general3A_878 = tpu.matmul %concatenate3A_44, %concatenate3A_876, %dot_general3A_877 {dimension_numbers = #tpu.dot_dimension_numbers<[1], [0], [0], [1], [0, 0, 1, 1], [], []>, transpose_lhs_hint = false} : vector<1088x128xf32>, vector<128x96xf32>, vector<1088x96xf32> -> vector<1088x96xf32>
    %swap3A_879 = arith.constant 9792 : index
    %swap3A_880 = arith.constant 0 : index
    %swap3A_881 = vector.load %arg18[%swap3A_879, %swap3A_880] : memref<17408x96xf32, #tpu.memory_space<vmem>>, vector<1088x96xf32>
    tpu.vector_store %arg18[%swap3A_879, %swap3A_880], %dot_general3A_878 {strides = array<i32>} : memref<17408x96xf32, #tpu.memory_space<vmem>>, vector<1088x96xf32>,
    %slice3A_882 = vector.extract_strided_slice %add3A_799 {offsets = [640, 0], sizes = [64, 96], strides = [1, 1]} : vector<1024x96xf32> to vector<64x96xf32>
    %slice3A_883 = vector.extract_strided_slice %dot_general3A_801 {offsets = [640, 0], sizes = [64, 96], strides = [1, 1]} : vector<1024x96xf32> to vector<64x96xf32>
    %concatenate3A_884 = tpu.concatenate %slice3A_882, %slice3A_883 in 0 : vector<64x96xf32>, vector<64x96xf32> -> vector<128x96xf32>
    %dot_general3A_885 = arith.constant dense<0.000000e+00> : vector<1088x96xf32>
    %dot_general3A_886 = tpu.matmul %concatenate3A_44, %concatenate3A_884, %dot_general3A_885 {dimension_numbers = #tpu.dot_dimension_numbers<[1], [0], [0], [1], [0, 0, 1, 1], [], []>, transpose_lhs_hint = false} : vector<1088x128xf32>, vector<128x96xf32>, vector<1088x96xf32> -> vector<1088x96xf32>
    %swap3A_887 = arith.constant 10880 : index
    %swap3A_888 = arith.constant 0 : index
    %swap3A_889 = vector.load %arg18[%swap3A_887, %swap3A_888] : memref<17408x96xf32, #tpu.memory_space<vmem>>, vector<1088x96xf32>
    tpu.vector_store %arg18[%swap3A_887, %swap3A_888], %dot_general3A_886 {strides = array<i32>} : memref<17408x96xf32, #tpu.memory_space<vmem>>, vector<1088x96xf32>,
    %slice3A_890 = vector.extract_strided_slice %add3A_799 {offsets = [704, 0], sizes = [64, 96], strides = [1, 1]} : vector<1024x96xf32> to vector<64x96xf32>
    %slice3A_891 = vector.extract_strided_slice %dot_general3A_801 {offsets = [704, 0], sizes = [64, 96], strides = [1, 1]} : vector<1024x96xf32> to vector<64x96xf32>
    %concatenate3A_892 = tpu.concatenate %slice3A_890, %slice3A_891 in 0 : vector<64x96xf32>, vector<64x96xf32> -> vector<128x96xf32>
    %dot_general3A_893 = arith.constant dense<0.000000e+00> : vector<1088x96xf32>
    %dot_general3A_894 = tpu.matmul %concatenate3A_44, %concatenate3A_892, %dot_general3A_893 {dimension_numbers = #tpu.dot_dimension_numbers<[1], [0], [0], [1], [0, 0, 1, 1], [], []>, transpose_lhs_hint = false} : vector<1088x128xf32>, vector<128x96xf32>, vector<1088x96xf32> -> vector<1088x96xf32>
    %swap3A_895 = arith.constant 11968 : index
    %swap3A_896 = arith.constant 0 : index
    %swap3A_897 = vector.load %arg18[%swap3A_895, %swap3A_896] : memref<17408x96xf32, #tpu.memory_space<vmem>>, vector<1088x96xf32>
    tpu.vector_store %arg18[%swap3A_895, %swap3A_896], %dot_general3A_894 {strides = array<i32>} : memref<17408x96xf32, #tpu.memory_space<vmem>>, vector<1088x96xf32>,
    %slice3A_898 = vector.extract_strided_slice %add3A_799 {offsets = [768, 0], sizes = [64, 96], strides = [1, 1]} : vector<1024x96xf32> to vector<64x96xf32>
    %slice3A_899 = vector.extract_strided_slice %dot_general3A_801 {offsets = [768, 0], sizes = [64, 96], strides = [1, 1]} : vector<1024x96xf32> to vector<64x96xf32>
    %concatenate3A_900 = tpu.concatenate %slice3A_898, %slice3A_899 in 0 : vector<64x96xf32>, vector<64x96xf32> -> vector<128x96xf32>
    %dot_general3A_901 = arith.constant dense<0.000000e+00> : vector<1088x96xf32>
    %dot_general3A_902 = tpu.matmul %concatenate3A_44, %concatenate3A_900, %dot_general3A_901 {dimension_numbers = #tpu.dot_dimension_numbers<[1], [0], [0], [1], [0, 0, 1, 1], [], []>, transpose_lhs_hint = false} : vector<1088x128xf32>, vector<128x96xf32>, vector<1088x96xf32> -> vector<1088x96xf32>
    %swap3A_903 = arith.constant 13056 : index
    %swap3A_904 = arith.constant 0 : index
    %swap3A_905 = vector.load %arg18[%swap3A_903, %swap3A_904] : memref<17408x96xf32, #tpu.memory_space<vmem>>, vector<1088x96xf32>
    tpu.vector_store %arg18[%swap3A_903, %swap3A_904], %dot_general3A_902 {strides = array<i32>} : memref<17408x96xf32, #tpu.memory_space<vmem>>, vector<1088x96xf32>,
    %slice3A_906 = vector.extract_strided_slice %add3A_799 {offsets = [832, 0], sizes = [64, 96], strides = [1, 1]} : vector<1024x96xf32> to vector<64x96xf32>
    %slice3A_907 = vector.extract_strided_slice %dot_general3A_801 {offsets = [832, 0], sizes = [64, 96], strides = [1, 1]} : vector<1024x96xf32> to vector<64x96xf32>
    %concatenate3A_908 = tpu.concatenate %slice3A_906, %slice3A_907 in 0 : vector<64x96xf32>, vector<64x96xf32> -> vector<128x96xf32>
    %dot_general3A_909 = arith.constant dense<0.000000e+00> : vector<1088x96xf32>
    %dot_general3A_910 = tpu.matmul %concatenate3A_44, %concatenate3A_908, %dot_general3A_909 {dimension_numbers = #tpu.dot_dimension_numbers<[1], [0], [0], [1], [0, 0, 1, 1], [], []>, transpose_lhs_hint = false} : vector<1088x128xf32>, vector<128x96xf32>, vector<1088x96xf32> -> vector<1088x96xf32>
    %swap3A_911 = arith.constant 14144 : index
    %swap3A_912 = arith.constant 0 : index
    %swap3A_913 = vector.load %arg18[%swap3A_911, %swap3A_912] : memref<17408x96xf32, #tpu.memory_space<vmem>>, vector<1088x96xf32>
    tpu.vector_store %arg18[%swap3A_911, %swap3A_912], %dot_general3A_910 {strides = array<i32>} : memref<17408x96xf32, #tpu.memory_space<vmem>>, vector<1088x96xf32>,
    %slice3A_914 = vector.extract_strided_slice %add3A_799 {offsets = [896, 0], sizes = [64, 96], strides = [1, 1]} : vector<1024x96xf32> to vector<64x96xf32>
    %slice3A_915 = vector.extract_strided_slice %dot_general3A_801 {offsets = [896, 0], sizes = [64, 96], strides = [1, 1]} : vector<1024x96xf32> to vector<64x96xf32>
    %concatenate3A_916 = tpu.concatenate %slice3A_914, %slice3A_915 in 0 : vector<64x96xf32>, vector<64x96xf32> -> vector<128x96xf32>
    %dot_general3A_917 = arith.constant dense<0.000000e+00> : vector<1088x96xf32>
    %dot_general3A_918 = tpu.matmul %concatenate3A_44, %concatenate3A_916, %dot_general3A_917 {dimension_numbers = #tpu.dot_dimension_numbers<[1], [0], [0], [1], [0, 0, 1, 1], [], []>, transpose_lhs_hint = false} : vector<1088x128xf32>, vector<128x96xf32>, vector<1088x96xf32> -> vector<1088x96xf32>
    %swap3A_919 = arith.constant 15232 : index
    %swap3A_920 = arith.constant 0 : index
    %swap3A_921 = vector.load %arg18[%swap3A_919, %swap3A_920] : memref<17408x96xf32, #tpu.memory_space<vmem>>, vector<1088x96xf32>
    tpu.vector_store %arg18[%swap3A_919, %swap3A_920], %dot_general3A_918 {strides = array<i32>} : memref<17408x96xf32, #tpu.memory_space<vmem>>, vector<1088x96xf32>,
    %slice3A_922 = vector.extract_strided_slice %add3A_799 {offsets = [960, 0], sizes = [64, 96], strides = [1, 1]} : vector<1024x96xf32> to vector<64x96xf32>
    %slice3A_923 = vector.extract_strided_slice %dot_general3A_801 {offsets = [960, 0], sizes = [64, 96], strides = [1, 1]} : vector<1024x96xf32> to vector<64x96xf32>
    %concatenate3A_924 = tpu.concatenate %slice3A_922, %slice3A_923 in 0 : vector<64x96xf32>, vector<64x96xf32> -> vector<128x96xf32>
    %dot_general3A_925 = arith.constant dense<0.000000e+00> : vector<1088x96xf32>
    %dot_general3A_926 = tpu.matmul %concatenate3A_44, %concatenate3A_924, %dot_general3A_925 {dimension_numbers = #tpu.dot_dimension_numbers<[1], [0], [0], [1], [0, 0, 1, 1], [], []>, transpose_lhs_hint = false} : vector<1088x128xf32>, vector<128x96xf32>, vector<1088x96xf32> -> vector<1088x96xf32>
    %swap3A_927 = arith.constant 16320 : index
    %swap3A_928 = arith.constant 0 : index
    %swap3A_929 = vector.load %arg18[%swap3A_927, %swap3A_928] : memref<17408x96xf32, #tpu.memory_space<vmem>>, vector<1088x96xf32>
    tpu.vector_store %arg18[%swap3A_927, %swap3A_928], %dot_general3A_926 {strides = array<i32>} : memref<17408x96xf32, #tpu.memory_space<vmem>>, vector<1088x96xf32>,
    %get3A_930 = arith.constant 0 : index
    %get3A_931 = arith.constant 0 : index
    %get3A_932 = vector.load %arg18[%get3A_930, %get3A_931] : memref<17408x96xf32, #tpu.memory_space<vmem>>, vector<17408x96xf32>
    %max3A_933 = arith.constant 0.000000e+00 : f32
    %max3A_934 = vector.broadcast %max3A_933 : f32 to vector<17408x96xf32>
    %max3A_935 = arith.maximumf %get3A_932, %max3A_934 : vector<17408x96xf32>
    %dot_general3A_936 = arith.constant dense<0.000000e+00> : vector<17408x96xf32>
    %dot_general3A_937 = tpu.matmul %max3A_935, %get3A_73, %dot_general3A_936 {dimension_numbers = #tpu.dot_dimension_numbers<[1], [0], [0], [1], [0, 0, 1, 1], [], []>, transpose_lhs_hint = false} : vector<17408x96xf32>, vector<96x96xf32>, vector<17408x96xf32> -> vector<17408x96xf32>
    %add3A_938 = vector.broadcast %get3A_130 : vector<1x96xf32> to vector<17408x96xf32>
    %add3A_939 = arith.addf %dot_general3A_937, %add3A_938 : vector<17408x96xf32>
    %max3A_940 = arith.constant 0.000000e+00 : f32
    %max3A_941 = vector.broadcast %max3A_940 : f32 to vector<17408x96xf32>
    %max3A_942 = arith.maximumf %add3A_939, %max3A_941 : vector<17408x96xf32>
    %dot_general3A_943 = arith.constant dense<0.000000e+00> : vector<17408x96xf32>
    %dot_general3A_944 = tpu.matmul %max3A_942, %get3A_78, %dot_general3A_943 {dimension_numbers = #tpu.dot_dimension_numbers<[1], [0], [0], [1], [0, 0, 1, 1], [], []>, transpose_lhs_hint = false} : vector<17408x96xf32>, vector<96x96xf32>, vector<17408x96xf32> -> vector<17408x96xf32>
    %slice3A_945 = vector.extract_strided_slice %dot_general3A_944 {offsets = [0, 0], sizes = [1088, 96], strides = [1, 1]} : vector<17408x96xf32> to vector<1088x96xf32>
    %dot_general3A_946 = arith.constant dense<0.000000e+00> : vector<64x96xf32>
    %dot_general3A_947 = tpu.matmul %convert_element_type3A_52, %slice3A_945, %dot_general3A_946 {dimension_numbers = #tpu.dot_dimension_numbers<[1], [0], [0], [1], [0, 0, 1, 1], [], []>, transpose_lhs_hint = false} : vector<64x1088xf32>, vector<1088x96xf32>, vector<64x96xf32> -> vector<64x96xf32>
    %swap3A_948 = arith.constant 0 : index
    %swap3A_949 = arith.constant 0 : index
    %swap3A_950 = vector.load %arg19[%swap3A_948, %swap3A_949] : memref<1024x96xf32, #tpu.memory_space<vmem>>, vector<64x96xf32>
    tpu.vector_store %arg19[%swap3A_948, %swap3A_949], %dot_general3A_947 {strides = array<i32>} : memref<1024x96xf32, #tpu.memory_space<vmem>>, vector<64x96xf32>,
    %slice3A_951 = vector.extract_strided_slice %dot_general3A_944 {offsets = [1088, 0], sizes = [1088, 96], strides = [1, 1]} : vector<17408x96xf32> to vector<1088x96xf32>
    %dot_general3A_952 = arith.constant dense<0.000000e+00> : vector<64x96xf32>
    %dot_general3A_953 = tpu.matmul %convert_element_type3A_52, %slice3A_951, %dot_general3A_952 {dimension_numbers = #tpu.dot_dimension_numbers<[1], [0], [0], [1], [0, 0, 1, 1], [], []>, transpose_lhs_hint = false} : vector<64x1088xf32>, vector<1088x96xf32>, vector<64x96xf32> -> vector<64x96xf32>
    %swap3A_954 = arith.constant 64 : index
    %swap3A_955 = arith.constant 0 : index
    %swap3A_956 = vector.load %arg19[%swap3A_954, %swap3A_955] : memref<1024x96xf32, #tpu.memory_space<vmem>>, vector<64x96xf32>
    tpu.vector_store %arg19[%swap3A_954, %swap3A_955], %dot_general3A_953 {strides = array<i32>} : memref<1024x96xf32, #tpu.memory_space<vmem>>, vector<64x96xf32>,
    %slice3A_957 = vector.extract_strided_slice %dot_general3A_944 {offsets = [2176, 0], sizes = [1088, 96], strides = [1, 1]} : vector<17408x96xf32> to vector<1088x96xf32>
    %dot_general3A_958 = arith.constant dense<0.000000e+00> : vector<64x96xf32>
    %dot_general3A_959 = tpu.matmul %convert_element_type3A_52, %slice3A_957, %dot_general3A_958 {dimension_numbers = #tpu.dot_dimension_numbers<[1], [0], [0], [1], [0, 0, 1, 1], [], []>, transpose_lhs_hint = false} : vector<64x1088xf32>, vector<1088x96xf32>, vector<64x96xf32> -> vector<64x96xf32>
    %swap3A_960 = arith.constant 128 : index
    %swap3A_961 = arith.constant 0 : index
    %swap3A_962 = vector.load %arg19[%swap3A_960, %swap3A_961] : memref<1024x96xf32, #tpu.memory_space<vmem>>, vector<64x96xf32>
    tpu.vector_store %arg19[%swap3A_960, %swap3A_961], %dot_general3A_959 {strides = array<i32>} : memref<1024x96xf32, #tpu.memory_space<vmem>>, vector<64x96xf32>,
    %slice3A_963 = vector.extract_strided_slice %dot_general3A_944 {offsets = [3264, 0], sizes = [1088, 96], strides = [1, 1]} : vector<17408x96xf32> to vector<1088x96xf32>
    %dot_general3A_964 = arith.constant dense<0.000000e+00> : vector<64x96xf32>
    %dot_general3A_965 = tpu.matmul %convert_element_type3A_52, %slice3A_963, %dot_general3A_964 {dimension_numbers = #tpu.dot_dimension_numbers<[1], [0], [0], [1], [0, 0, 1, 1], [], []>, transpose_lhs_hint = false} : vector<64x1088xf32>, vector<1088x96xf32>, vector<64x96xf32> -> vector<64x96xf32>
    %swap3A_966 = arith.constant 192 : index
    %swap3A_967 = arith.constant 0 : index
    %swap3A_968 = vector.load %arg19[%swap3A_966, %swap3A_967] : memref<1024x96xf32, #tpu.memory_space<vmem>>, vector<64x96xf32>
    tpu.vector_store %arg19[%swap3A_966, %swap3A_967], %dot_general3A_965 {strides = array<i32>} : memref<1024x96xf32, #tpu.memory_space<vmem>>, vector<64x96xf32>,
    %slice3A_969 = vector.extract_strided_slice %dot_general3A_944 {offsets = [4352, 0], sizes = [1088, 96], strides = [1, 1]} : vector<17408x96xf32> to vector<1088x96xf32>
    %dot_general3A_970 = arith.constant dense<0.000000e+00> : vector<64x96xf32>
    %dot_general3A_971 = tpu.matmul %convert_element_type3A_52, %slice3A_969, %dot_general3A_970 {dimension_numbers = #tpu.dot_dimension_numbers<[1], [0], [0], [1], [0, 0, 1, 1], [], []>, transpose_lhs_hint = false} : vector<64x1088xf32>, vector<1088x96xf32>, vector<64x96xf32> -> vector<64x96xf32>
    %swap3A_972 = arith.constant 256 : index
    %swap3A_973 = arith.constant 0 : index
    %swap3A_974 = vector.load %arg19[%swap3A_972, %swap3A_973] : memref<1024x96xf32, #tpu.memory_space<vmem>>, vector<64x96xf32>
    tpu.vector_store %arg19[%swap3A_972, %swap3A_973], %dot_general3A_971 {strides = array<i32>} : memref<1024x96xf32, #tpu.memory_space<vmem>>, vector<64x96xf32>,
    %slice3A_975 = vector.extract_strided_slice %dot_general3A_944 {offsets = [5440, 0], sizes = [1088, 96], strides = [1, 1]} : vector<17408x96xf32> to vector<1088x96xf32>
    %dot_general3A_976 = arith.constant dense<0.000000e+00> : vector<64x96xf32>
    %dot_general3A_977 = tpu.matmul %convert_element_type3A_52, %slice3A_975, %dot_general3A_976 {dimension_numbers = #tpu.dot_dimension_numbers<[1], [0], [0], [1], [0, 0, 1, 1], [], []>, transpose_lhs_hint = false} : vector<64x1088xf32>, vector<1088x96xf32>, vector<64x96xf32> -> vector<64x96xf32>
    %swap3A_978 = arith.constant 320 : index
    %swap3A_979 = arith.constant 0 : index
    %swap3A_980 = vector.load %arg19[%swap3A_978, %swap3A_979] : memref<1024x96xf32, #tpu.memory_space<vmem>>, vector<64x96xf32>
    tpu.vector_store %arg19[%swap3A_978, %swap3A_979], %dot_general3A_977 {strides = array<i32>} : memref<1024x96xf32, #tpu.memory_space<vmem>>, vector<64x96xf32>,
    %slice3A_981 = vector.extract_strided_slice %dot_general3A_944 {offsets = [6528, 0], sizes = [1088, 96], strides = [1, 1]} : vector<17408x96xf32> to vector<1088x96xf32>
    %dot_general3A_982 = arith.constant dense<0.000000e+00> : vector<64x96xf32>
    %dot_general3A_983 = tpu.matmul %convert_element_type3A_52, %slice3A_981, %dot_general3A_982 {dimension_numbers = #tpu.dot_dimension_numbers<[1], [0], [0], [1], [0, 0, 1, 1], [], []>, transpose_lhs_hint = false} : vector<64x1088xf32>, vector<1088x96xf32>, vector<64x96xf32> -> vector<64x96xf32>
    %swap3A_984 = arith.constant 384 : index
    %swap3A_985 = arith.constant 0 : index
    %swap3A_986 = vector.load %arg19[%swap3A_984, %swap3A_985] : memref<1024x96xf32, #tpu.memory_space<vmem>>, vector<64x96xf32>
    tpu.vector_store %arg19[%swap3A_984, %swap3A_985], %dot_general3A_983 {strides = array<i32>} : memref<1024x96xf32, #tpu.memory_space<vmem>>, vector<64x96xf32>,
    %slice3A_987 = vector.extract_strided_slice %dot_general3A_944 {offsets = [7616, 0], sizes = [1088, 96], strides = [1, 1]} : vector<17408x96xf32> to vector<1088x96xf32>
    %dot_general3A_988 = arith.constant dense<0.000000e+00> : vector<64x96xf32>
    %dot_general3A_989 = tpu.matmul %convert_element_type3A_52, %slice3A_987, %dot_general3A_988 {dimension_numbers = #tpu.dot_dimension_numbers<[1], [0], [0], [1], [0, 0, 1, 1], [], []>, transpose_lhs_hint = false} : vector<64x1088xf32>, vector<1088x96xf32>, vector<64x96xf32> -> vector<64x96xf32>
    %swap3A_990 = arith.constant 448 : index
    %swap3A_991 = arith.constant 0 : index
    %swap3A_992 = vector.load %arg19[%swap3A_990, %swap3A_991] : memref<1024x96xf32, #tpu.memory_space<vmem>>, vector<64x96xf32>
    tpu.vector_store %arg19[%swap3A_990, %swap3A_991], %dot_general3A_989 {strides = array<i32>} : memref<1024x96xf32, #tpu.memory_space<vmem>>, vector<64x96xf32>,
    %slice3A_993 = vector.extract_strided_slice %dot_general3A_944 {offsets = [8704, 0], sizes = [1088, 96], strides = [1, 1]} : vector<17408x96xf32> to vector<1088x96xf32>
    %dot_general3A_994 = arith.constant dense<0.000000e+00> : vector<64x96xf32>
    %dot_general3A_995 = tpu.matmul %convert_element_type3A_52, %slice3A_993, %dot_general3A_994 {dimension_numbers = #tpu.dot_dimension_numbers<[1], [0], [0], [1], [0, 0, 1, 1], [], []>, transpose_lhs_hint = false} : vector<64x1088xf32>, vector<1088x96xf32>, vector<64x96xf32> -> vector<64x96xf32>
    %swap3A_996 = arith.constant 512 : index
    %swap3A_997 = arith.constant 0 : index
    %swap3A_998 = vector.load %arg19[%swap3A_996, %swap3A_997] : memref<1024x96xf32, #tpu.memory_space<vmem>>, vector<64x96xf32>
    tpu.vector_store %arg19[%swap3A_996, %swap3A_997], %dot_general3A_995 {strides = array<i32>} : memref<1024x96xf32, #tpu.memory_space<vmem>>, vector<64x96xf32>,
    %slice3A_999 = vector.extract_strided_slice %dot_general3A_944 {offsets = [9792, 0], sizes = [1088, 96], strides = [1, 1]} : vector<17408x96xf32> to vector<1088x96xf32>
    %dot_general3A_1000 = arith.constant dense<0.000000e+00> : vector<64x96xf32>
    %dot_general3A_1001 = tpu.matmul %convert_element_type3A_52, %slice3A_999, %dot_general3A_1000 {dimension_numbers = #tpu.dot_dimension_numbers<[1], [0], [0], [1], [0, 0, 1, 1], [], []>, transpose_lhs_hint = false} : vector<64x1088xf32>, vector<1088x96xf32>, vector<64x96xf32> -> vector<64x96xf32>
    %swap3A_1002 = arith.constant 576 : index
    %swap3A_1003 = arith.constant 0 : index
    %swap3A_1004 = vector.load %arg19[%swap3A_1002, %swap3A_1003] : memref<1024x96xf32, #tpu.memory_space<vmem>>, vector<64x96xf32>
    tpu.vector_store %arg19[%swap3A_1002, %swap3A_1003], %dot_general3A_1001 {strides = array<i32>} : memref<1024x96xf32, #tpu.memory_space<vmem>>, vector<64x96xf32>,
    %slice3A_1005 = vector.extract_strided_slice %dot_general3A_944 {offsets = [10880, 0], sizes = [1088, 96], strides = [1, 1]} : vector<17408x96xf32> to vector<1088x96xf32>
    %dot_general3A_1006 = arith.constant dense<0.000000e+00> : vector<64x96xf32>
    %dot_general3A_1007 = tpu.matmul %convert_element_type3A_52, %slice3A_1005, %dot_general3A_1006 {dimension_numbers = #tpu.dot_dimension_numbers<[1], [0], [0], [1], [0, 0, 1, 1], [], []>, transpose_lhs_hint = false} : vector<64x1088xf32>, vector<1088x96xf32>, vector<64x96xf32> -> vector<64x96xf32>
    %swap3A_1008 = arith.constant 640 : index
    %swap3A_1009 = arith.constant 0 : index
    %swap3A_1010 = vector.load %arg19[%swap3A_1008, %swap3A_1009] : memref<1024x96xf32, #tpu.memory_space<vmem>>, vector<64x96xf32>
    tpu.vector_store %arg19[%swap3A_1008, %swap3A_1009], %dot_general3A_1007 {strides = array<i32>} : memref<1024x96xf32, #tpu.memory_space<vmem>>, vector<64x96xf32>,
    %slice3A_1011 = vector.extract_strided_slice %dot_general3A_944 {offsets = [11968, 0], sizes = [1088, 96], strides = [1, 1]} : vector<17408x96xf32> to vector<1088x96xf32>
    %dot_general3A_1012 = arith.constant dense<0.000000e+00> : vector<64x96xf32>
    %dot_general3A_1013 = tpu.matmul %convert_element_type3A_52, %slice3A_1011, %dot_general3A_1012 {dimension_numbers = #tpu.dot_dimension_numbers<[1], [0], [0], [1], [0, 0, 1, 1], [], []>, transpose_lhs_hint = false} : vector<64x1088xf32>, vector<1088x96xf32>, vector<64x96xf32> -> vector<64x96xf32>
    %swap3A_1014 = arith.constant 704 : index
    %swap3A_1015 = arith.constant 0 : index
    %swap3A_1016 = vector.load %arg19[%swap3A_1014, %swap3A_1015] : memref<1024x96xf32, #tpu.memory_space<vmem>>, vector<64x96xf32>
    tpu.vector_store %arg19[%swap3A_1014, %swap3A_1015], %dot_general3A_1013 {strides = array<i32>} : memref<1024x96xf32, #tpu.memory_space<vmem>>, vector<64x96xf32>,
    %slice3A_1017 = vector.extract_strided_slice %dot_general3A_944 {offsets = [13056, 0], sizes = [1088, 96], strides = [1, 1]} : vector<17408x96xf32> to vector<1088x96xf32>
    %dot_general3A_1018 = arith.constant dense<0.000000e+00> : vector<64x96xf32>
    %dot_general3A_1019 = tpu.matmul %convert_element_type3A_52, %slice3A_1017, %dot_general3A_1018 {dimension_numbers = #tpu.dot_dimension_numbers<[1], [0], [0], [1], [0, 0, 1, 1], [], []>, transpose_lhs_hint = false} : vector<64x1088xf32>, vector<1088x96xf32>, vector<64x96xf32> -> vector<64x96xf32>
    %swap3A_1020 = arith.constant 768 : index
    %swap3A_1021 = arith.constant 0 : index
    %swap3A_1022 = vector.load %arg19[%swap3A_1020, %swap3A_1021] : memref<1024x96xf32, #tpu.memory_space<vmem>>, vector<64x96xf32>
    tpu.vector_store %arg19[%swap3A_1020, %swap3A_1021], %dot_general3A_1019 {strides = array<i32>} : memref<1024x96xf32, #tpu.memory_space<vmem>>, vector<64x96xf32>,
    %slice3A_1023 = vector.extract_strided_slice %dot_general3A_944 {offsets = [14144, 0], sizes = [1088, 96], strides = [1, 1]} : vector<17408x96xf32> to vector<1088x96xf32>
    %dot_general3A_1024 = arith.constant dense<0.000000e+00> : vector<64x96xf32>
    %dot_general3A_1025 = tpu.matmul %convert_element_type3A_52, %slice3A_1023, %dot_general3A_1024 {dimension_numbers = #tpu.dot_dimension_numbers<[1], [0], [0], [1], [0, 0, 1, 1], [], []>, transpose_lhs_hint = false} : vector<64x1088xf32>, vector<1088x96xf32>, vector<64x96xf32> -> vector<64x96xf32>
    %swap3A_1026 = arith.constant 832 : index
    %swap3A_1027 = arith.constant 0 : index
    %swap3A_1028 = vector.load %arg19[%swap3A_1026, %swap3A_1027] : memref<1024x96xf32, #tpu.memory_space<vmem>>, vector<64x96xf32>
    tpu.vector_store %arg19[%swap3A_1026, %swap3A_1027], %dot_general3A_1025 {strides = array<i32>} : memref<1024x96xf32, #tpu.memory_space<vmem>>, vector<64x96xf32>,
    %slice3A_1029 = vector.extract_strided_slice %dot_general3A_944 {offsets = [15232, 0], sizes = [1088, 96], strides = [1, 1]} : vector<17408x96xf32> to vector<1088x96xf32>
    %dot_general3A_1030 = arith.constant dense<0.000000e+00> : vector<64x96xf32>
    %dot_general3A_1031 = tpu.matmul %convert_element_type3A_52, %slice3A_1029, %dot_general3A_1030 {dimension_numbers = #tpu.dot_dimension_numbers<[1], [0], [0], [1], [0, 0, 1, 1], [], []>, transpose_lhs_hint = false} : vector<64x1088xf32>, vector<1088x96xf32>, vector<64x96xf32> -> vector<64x96xf32>
    %swap3A_1032 = arith.constant 896 : index
    %swap3A_1033 = arith.constant 0 : index
    %swap3A_1034 = vector.load %arg19[%swap3A_1032, %swap3A_1033] : memref<1024x96xf32, #tpu.memory_space<vmem>>, vector<64x96xf32>
    tpu.vector_store %arg19[%swap3A_1032, %swap3A_1033], %dot_general3A_1031 {strides = array<i32>} : memref<1024x96xf32, #tpu.memory_space<vmem>>, vector<64x96xf32>,
    %slice3A_1035 = vector.extract_strided_slice %dot_general3A_944 {offsets = [16320, 0], sizes = [1088, 96], strides = [1, 1]} : vector<17408x96xf32> to vector<1088x96xf32>
    %dot_general3A_1036 = arith.constant dense<0.000000e+00> : vector<64x96xf32>
    %dot_general3A_1037 = tpu.matmul %convert_element_type3A_52, %slice3A_1035, %dot_general3A_1036 {dimension_numbers = #tpu.dot_dimension_numbers<[1], [0], [0], [1], [0, 0, 1, 1], [], []>, transpose_lhs_hint = false} : vector<64x1088xf32>, vector<1088x96xf32>, vector<64x96xf32> -> vector<64x96xf32>
    %swap3A_1038 = arith.constant 960 : index
    %swap3A_1039 = arith.constant 0 : index
    %swap3A_1040 = vector.load %arg19[%swap3A_1038, %swap3A_1039] : memref<1024x96xf32, #tpu.memory_space<vmem>>, vector<64x96xf32>
    tpu.vector_store %arg19[%swap3A_1038, %swap3A_1039], %dot_general3A_1037 {strides = array<i32>} : memref<1024x96xf32, #tpu.memory_space<vmem>>, vector<64x96xf32>,
    %get3A_1041 = arith.constant 0 : index
    %get3A_1042 = arith.constant 0 : index
    %get3A_1043 = vector.load %arg19[%get3A_1041, %get3A_1042] : memref<1024x96xf32, #tpu.memory_space<vmem>>, vector<1024x96xf32>
    %dot_general3A_1044 = arith.constant dense<0.000000e+00> : vector<1024x96xf32>
    %dot_general3A_1045 = tpu.matmul %get3A_1043, %get3A_103, %dot_general3A_1044 {dimension_numbers = #tpu.dot_dimension_numbers<[1], [0], [0], [1], [0, 0, 1, 1], [], []>, transpose_lhs_hint = false} : vector<1024x96xf32>, vector<96x96xf32>, vector<1024x96xf32> -> vector<1024x96xf32>
    %add3A_1046 = arith.addf %dot_general3A_1045, %add3A_169 : vector<1024x96xf32>
    %max3A_1047 = arith.constant 0.000000e+00 : f32
    %max3A_1048 = vector.broadcast %max3A_1047 : f32 to vector<1024x96xf32>
    %max3A_1049 = arith.maximumf %add3A_1046, %max3A_1048 : vector<1024x96xf32>
    %dot_general3A_1050 = arith.constant dense<0.000000e+00> : vector<1024x96xf32>
    %dot_general3A_1051 = tpu.matmul %max3A_1049, %get3A_83, %dot_general3A_1050 {dimension_numbers = #tpu.dot_dimension_numbers<[1], [0], [0], [1], [0, 0, 1, 1], [], []>, transpose_lhs_hint = false} : vector<1024x96xf32>, vector<96x96xf32>, vector<1024x96xf32> -> vector<1024x96xf32>
    %add3A_1052 = vector.broadcast %get3A_133 : vector<1x96xf32> to vector<1024x96xf32>
    %add3A_1053 = arith.addf %dot_general3A_1051, %add3A_1052 : vector<1024x96xf32>
    %max3A_1054 = arith.constant 0.000000e+00 : f32
    %max3A_1055 = vector.broadcast %max3A_1054 : f32 to vector<1024x96xf32>
    %max3A_1056 = arith.maximumf %add3A_1053, %max3A_1055 : vector<1024x96xf32>
    %dot_general3A_1057 = arith.constant dense<0.000000e+00> : vector<1024x96xf32>
    %dot_general3A_1058 = tpu.matmul %max3A_1056, %get3A_88, %dot_general3A_1057 {dimension_numbers = #tpu.dot_dimension_numbers<[1], [0], [0], [1], [0, 0, 1, 1], [], []>, transpose_lhs_hint = false} : vector<1024x96xf32>, vector<96x96xf32>, vector<1024x96xf32> -> vector<1024x96xf32>
    %add3A_1059 = vector.broadcast %get3A_136 : vector<1x96xf32> to vector<1024x96xf32>
    %add3A_1060 = arith.addf %dot_general3A_1058, %add3A_1059 : vector<1024x96xf32>
    %dot_general3A_1061 = arith.constant dense<0.000000e+00> : vector<1024x384xf32>
    %dot_general3A_1062 = tpu.matmul %add3A_1060, %get3A_113, %dot_general3A_1061 {dimension_numbers = #tpu.dot_dimension_numbers<[1], [0], [0], [1], [0, 0, 1, 1], [], []>, transpose_lhs_hint = false} : vector<1024x96xf32>, vector<96x384xf32>, vector<1024x384xf32> -> vector<1024x384xf32>
    %add3A_1063 = vector.broadcast %get3A_139 : vector<1x384xf32> to vector<1024x384xf32>
    %add3A_1064 = arith.addf %dot_general3A_1062, %add3A_1063 : vector<1024x384xf32>
    %dot_general3A_1065 = arith.constant dense<0.000000e+00> : vector<1024x384xf32>
    %dot_general3A_1066 = tpu.matmul %mul3A_771, %get3A_118, %dot_general3A_1065 {dimension_numbers = #tpu.dot_dimension_numbers<[1], [0], [0], [1], [0, 0, 1, 1], [], []>, transpose_lhs_hint = false} : vector<1024x96xf32>, vector<96x384xf32>, vector<1024x384xf32> -> vector<1024x384xf32>
    %add3A_1067 = arith.addf %add3A_1064, %dot_general3A_1066 : vector<1024x384xf32>
    %slice3A_1068 = vector.extract_strided_slice %add3A_1067 {offsets = [0, 0], sizes = [1024, 96], strides = [1, 1]} : vector<1024x384xf32> to vector<1024x96xf32>
    %slice3A_1069 = vector.extract_strided_slice %add3A_1067 {offsets = [0, 96], sizes = [1024, 96], strides = [1, 1]} : vector<1024x384xf32> to vector<1024x96xf32>
    %slice3A_1070 = vector.extract_strided_slice %add3A_1067 {offsets = [0, 192], sizes = [1024, 96], strides = [1, 1]} : vector<1024x384xf32> to vector<1024x96xf32>
    %slice3A_1071 = vector.extract_strided_slice %add3A_1067 {offsets = [0, 288], sizes = [1024, 96], strides = [1, 1]} : vector<1024x384xf32> to vector<1024x96xf32>
    %logistic3A_1072 = arith.negf %slice3A_1068 : vector<1024x96xf32>
    %logistic3A_1073 = math.exp %logistic3A_1072 : vector<1024x96xf32>
    %logistic3A_1074 = arith.constant 1.000000e+00 : f32
    %logistic3A_1075 = vector.broadcast %logistic3A_1074 : f32 to vector<1024x96xf32>
    %logistic3A_1076 = arith.addf %logistic3A_1075, %logistic3A_1073 : vector<1024x96xf32>
    %logistic3A_1077 = arith.divf %logistic3A_1075, %logistic3A_1076 : vector<1024x96xf32>
    %tanh3A_1078 = math.tanh %slice3A_1070 : vector<1024x96xf32>
    %mul3A_1079 = arith.mulf %logistic3A_1077, %tanh3A_1078 : vector<1024x96xf32>
    %logistic3A_1080 = arith.negf %slice3A_1069 : vector<1024x96xf32>
    %logistic3A_1081 = math.exp %logistic3A_1080 : vector<1024x96xf32>
    %logistic3A_1082 = arith.constant 1.000000e+00 : f32
    %logistic3A_1083 = vector.broadcast %logistic3A_1082 : f32 to vector<1024x96xf32>
    %logistic3A_1084 = arith.addf %logistic3A_1083, %logistic3A_1081 : vector<1024x96xf32>
    %logistic3A_1085 = arith.divf %logistic3A_1083, %logistic3A_1084 : vector<1024x96xf32>
    %mul3A_1086 = arith.mulf %logistic3A_1085, %add3A_763 : vector<1024x96xf32>
    %add3A_1087 = arith.addf %mul3A_1079, %mul3A_1086 : vector<1024x96xf32>
    %logistic3A_1088 = arith.negf %slice3A_1071 : vector<1024x96xf32>
    %logistic3A_1089 = math.exp %logistic3A_1088 : vector<1024x96xf32>
    %logistic3A_1090 = arith.constant 1.000000e+00 : f32
    %logistic3A_1091 = vector.broadcast %logistic3A_1090 : f32 to vector<1024x96xf32>
    %logistic3A_1092 = arith.addf %logistic3A_1091, %logistic3A_1089 : vector<1024x96xf32>
    %logistic3A_1093 = arith.divf %logistic3A_1091, %logistic3A_1092 : vector<1024x96xf32>
    %tanh3A_1094 = math.tanh %add3A_1087 : vector<1024x96xf32>
    %mul3A_1095 = arith.mulf %logistic3A_1093, %tanh3A_1094 : vector<1024x96xf32>
    %dot_general3A_1096 = arith.constant dense<0.000000e+00> : vector<1024x16xf32>
    %dot_general3A_1097 = tpu.matmul %add3A_1087, %get3A_142, %dot_general3A_1096 {dimension_numbers = #tpu.dot_dimension_numbers<[1], [0], [0], [1], [0, 0, 1, 1], [], []>, transpose_lhs_hint = false} : vector<1024x96xf32>, vector<96x16xf32>, vector<1024x16xf32> -> vector<1024x16xf32>
    %add3A_1098 = vector.broadcast %get3A_145 : vector<1x16xf32> to vector<1024x16xf32>
    %add3A_1099 = arith.addf %dot_general3A_1097, %add3A_1098 : vector<1024x16xf32>
    %reduce_max3A_1100 = arith.constant dense<0xFF800000> : vector<1024xf32>
    %reduce_max3A_1101 = vector.multi_reduction <maximumf>, %add3A_1099, %reduce_max3A_1100 [1] : vector<1024x16xf32> to vector<1024xf32>
    %broadcast_in_dim3A_1102 = vector.shape_cast %reduce_max3A_1101 : vector<1024xf32> to vector<1024x1xf32>
    %sub3A_1103 = vector.broadcast %broadcast_in_dim3A_1102 : vector<1024x1xf32> to vector<1024x16xf32>
    %sub3A_1104 = arith.subf %add3A_1099, %sub3A_1103 : vector<1024x16xf32>
    %exp3A_1105 = math.exp %sub3A_1104 : vector<1024x16xf32>
    %reduce_sum3A_1106 = arith.constant dense<0.000000e+00> : vector<1024xf32>
    %reduce_sum3A_1107 = vector.multi_reduction <add>, %exp3A_1105, %reduce_sum3A_1106 [1] : vector<1024x16xf32> to vector<1024xf32>
    %broadcast_in_dim3A_1108 = vector.shape_cast %reduce_sum3A_1107 : vector<1024xf32> to vector<1024x1xf32>
    %log3A_1109 = math.log %broadcast_in_dim3A_1108 : vector<1024x1xf32>
    %add3A_1110 = arith.addf %log3A_1109, %broadcast_in_dim3A_1102 : vector<1024x1xf32>
    %sub3A_1111 = vector.broadcast %add3A_1110 : vector<1024x1xf32> to vector<1024x16xf32>
    %sub3A_1112 = arith.subf %add3A_1099, %sub3A_1111 : vector<1024x16xf32>
    %mul3A_1113 = arith.mulf %sub3A_1112, %convert_element_type3A_11 : vector<1024x16xf32>
    %reduce_sum3A_1114 = vector.shape_cast %mul3A_1113 : vector<1024x16xf32> to vector<1x1024x16xf32>
    %reduce_sum3A_1115 = arith.constant dense<0.000000e+00> : vector<1xf32>
    %reduce_sum3A_1116 = vector.multi_reduction <add>, %reduce_sum3A_1114, %reduce_sum3A_1115 [1, 2] : vector<1x1024x16xf32> to vector<1xf32>
    %reduce_sum3A_1117 = vector.shape_cast %reduce_sum3A_1116 : vector<1xf32> to vector<1x1x1xf32>
    %reduce_sum3A_1118 = vector.extract %reduce_sum3A_1117[0, 0, 0] : f32 from vector<1x1x1xf32>
    %add3A_1119 = arith.addf %add3A_795, %reduce_sum3A_1118 : f32
    %dot_general3A_1120 = arith.constant dense<0.000000e+00> : vector<1024x96xf32>
    %dot_general3A_1121 = tpu.matmul %mul3A_1095, %get3A_93, %dot_general3A_1120 {dimension_numbers = #tpu.dot_dimension_numbers<[1], [0], [0], [1], [0, 0, 1, 1], [], []>, transpose_lhs_hint = false} : vector<1024x96xf32>, vector<96x96xf32>, vector<1024x96xf32> -> vector<1024x96xf32>
    %add3A_1122 = vector.broadcast %get3A_127 : vector<1x96xf32> to vector<1024x96xf32>
    %add3A_1123 = arith.addf %dot_general3A_1121, %add3A_1122 : vector<1024x96xf32>
    %dot_general3A_1124 = arith.constant dense<0.000000e+00> : vector<1024x96xf32>
    %dot_general3A_1125 = tpu.matmul %mul3A_1095, %get3A_98, %dot_general3A_1124 {dimension_numbers = #tpu.dot_dimension_numbers<[1], [0], [0], [1], [0, 0, 1, 1], [], []>, transpose_lhs_hint = false} : vector<1024x96xf32>, vector<96x96xf32>, vector<1024x96xf32> -> vector<1024x96xf32>
    %slice3A_1126 = vector.extract_strided_slice %add3A_1123 {offsets = [0, 0], sizes = [64, 96], strides = [1, 1]} : vector<1024x96xf32> to vector<64x96xf32>
    %slice3A_1127 = vector.extract_strided_slice %dot_general3A_1125 {offsets = [0, 0], sizes = [64, 96], strides = [1, 1]} : vector<1024x96xf32> to vector<64x96xf32>
    %concatenate3A_1128 = tpu.concatenate %slice3A_1126, %slice3A_1127 in 0 : vector<64x96xf32>, vector<64x96xf32> -> vector<128x96xf32>
    %dot_general3A_1129 = arith.constant dense<0.000000e+00> : vector<1088x96xf32>
    %dot_general3A_1130 = tpu.matmul %concatenate3A_44, %concatenate3A_1128, %dot_general3A_1129 {dimension_numbers = #tpu.dot_dimension_numbers<[1], [0], [0], [1], [0, 0, 1, 1], [], []>, transpose_lhs_hint = false} : vector<1088x128xf32>, vector<128x96xf32>, vector<1088x96xf32> -> vector<1088x96xf32>
    %swap3A_1131 = arith.constant 0 : index
    %swap3A_1132 = arith.constant 0 : index
    %swap3A_1133 = vector.load %arg18[%swap3A_1131, %swap3A_1132] : memref<17408x96xf32, #tpu.memory_space<vmem>>, vector<1088x96xf32>
    tpu.vector_store %arg18[%swap3A_1131, %swap3A_1132], %dot_general3A_1130 {strides = array<i32>} : memref<17408x96xf32, #tpu.memory_space<vmem>>, vector<1088x96xf32>,
    %slice3A_1134 = vector.extract_strided_slice %add3A_1123 {offsets = [64, 0], sizes = [64, 96], strides = [1, 1]} : vector<1024x96xf32> to vector<64x96xf32>
    %slice3A_1135 = vector.extract_strided_slice %dot_general3A_1125 {offsets = [64, 0], sizes = [64, 96], strides = [1, 1]} : vector<1024x96xf32> to vector<64x96xf32>
    %concatenate3A_1136 = tpu.concatenate %slice3A_1134, %slice3A_1135 in 0 : vector<64x96xf32>, vector<64x96xf32> -> vector<128x96xf32>
    %dot_general3A_1137 = arith.constant dense<0.000000e+00> : vector<1088x96xf32>
    %dot_general3A_1138 = tpu.matmul %concatenate3A_44, %concatenate3A_1136, %dot_general3A_1137 {dimension_numbers = #tpu.dot_dimension_numbers<[1], [0], [0], [1], [0, 0, 1, 1], [], []>, transpose_lhs_hint = false} : vector<1088x128xf32>, vector<128x96xf32>, vector<1088x96xf32> -> vector<1088x96xf32>
    %swap3A_1139 = arith.constant 1088 : index
    %swap3A_1140 = arith.constant 0 : index
    %swap3A_1141 = vector.load %arg18[%swap3A_1139, %swap3A_1140] : memref<17408x96xf32, #tpu.memory_space<vmem>>, vector<1088x96xf32>
    tpu.vector_store %arg18[%swap3A_1139, %swap3A_1140], %dot_general3A_1138 {strides = array<i32>} : memref<17408x96xf32, #tpu.memory_space<vmem>>, vector<1088x96xf32>,
    %slice3A_1142 = vector.extract_strided_slice %add3A_1123 {offsets = [128, 0], sizes = [64, 96], strides = [1, 1]} : vector<1024x96xf32> to vector<64x96xf32>
    %slice3A_1143 = vector.extract_strided_slice %dot_general3A_1125 {offsets = [128, 0], sizes = [64, 96], strides = [1, 1]} : vector<1024x96xf32> to vector<64x96xf32>
    %concatenate3A_1144 = tpu.concatenate %slice3A_1142, %slice3A_1143 in 0 : vector<64x96xf32>, vector<64x96xf32> -> vector<128x96xf32>
    %dot_general3A_1145 = arith.constant dense<0.000000e+00> : vector<1088x96xf32>
    %dot_general3A_1146 = tpu.matmul %concatenate3A_44, %concatenate3A_1144, %dot_general3A_1145 {dimension_numbers = #tpu.dot_dimension_numbers<[1], [0], [0], [1], [0, 0, 1, 1], [], []>, transpose_lhs_hint = false} : vector<1088x128xf32>, vector<128x96xf32>, vector<1088x96xf32> -> vector<1088x96xf32>
    %swap3A_1147 = arith.constant 2176 : index
    %swap3A_1148 = arith.constant 0 : index
    %swap3A_1149 = vector.load %arg18[%swap3A_1147, %swap3A_1148] : memref<17408x96xf32, #tpu.memory_space<vmem>>, vector<1088x96xf32>
    tpu.vector_store %arg18[%swap3A_1147, %swap3A_1148], %dot_general3A_1146 {strides = array<i32>} : memref<17408x96xf32, #tpu.memory_space<vmem>>, vector<1088x96xf32>,
    %slice3A_1150 = vector.extract_strided_slice %add3A_1123 {offsets = [192, 0], sizes = [64, 96], strides = [1, 1]} : vector<1024x96xf32> to vector<64x96xf32>
    %slice3A_1151 = vector.extract_strided_slice %dot_general3A_1125 {offsets = [192, 0], sizes = [64, 96], strides = [1, 1]} : vector<1024x96xf32> to vector<64x96xf32>
    %concatenate3A_1152 = tpu.concatenate %slice3A_1150, %slice3A_1151 in 0 : vector<64x96xf32>, vector<64x96xf32> -> vector<128x96xf32>
    %dot_general3A_1153 = arith.constant dense<0.000000e+00> : vector<1088x96xf32>
    %dot_general3A_1154 = tpu.matmul %concatenate3A_44, %concatenate3A_1152, %dot_general3A_1153 {dimension_numbers = #tpu.dot_dimension_numbers<[1], [0], [0], [1], [0, 0, 1, 1], [], []>, transpose_lhs_hint = false} : vector<1088x128xf32>, vector<128x96xf32>, vector<1088x96xf32> -> vector<1088x96xf32>
    %swap3A_1155 = arith.constant 3264 : index
    %swap3A_1156 = arith.constant 0 : index
    %swap3A_1157 = vector.load %arg18[%swap3A_1155, %swap3A_1156] : memref<17408x96xf32, #tpu.memory_space<vmem>>, vector<1088x96xf32>
    tpu.vector_store %arg18[%swap3A_1155, %swap3A_1156], %dot_general3A_1154 {strides = array<i32>} : memref<17408x96xf32, #tpu.memory_space<vmem>>, vector<1088x96xf32>,
    %slice3A_1158 = vector.extract_strided_slice %add3A_1123 {offsets = [256, 0], sizes = [64, 96], strides = [1, 1]} : vector<1024x96xf32> to vector<64x96xf32>
    %slice3A_1159 = vector.extract_strided_slice %dot_general3A_1125 {offsets = [256, 0], sizes = [64, 96], strides = [1, 1]} : vector<1024x96xf32> to vector<64x96xf32>
    %concatenate3A_1160 = tpu.concatenate %slice3A_1158, %slice3A_1159 in 0 : vector<64x96xf32>, vector<64x96xf32> -> vector<128x96xf32>
    %dot_general3A_1161 = arith.constant dense<0.000000e+00> : vector<1088x96xf32>
    %dot_general3A_1162 = tpu.matmul %concatenate3A_44, %concatenate3A_1160, %dot_general3A_1161 {dimension_numbers = #tpu.dot_dimension_numbers<[1], [0], [0], [1], [0, 0, 1, 1], [], []>, transpose_lhs_hint = false} : vector<1088x128xf32>, vector<128x96xf32>, vector<1088x96xf32> -> vector<1088x96xf32>
    %swap3A_1163 = arith.constant 4352 : index
    %swap3A_1164 = arith.constant 0 : index
    %swap3A_1165 = vector.load %arg18[%swap3A_1163, %swap3A_1164] : memref<17408x96xf32, #tpu.memory_space<vmem>>, vector<1088x96xf32>
    tpu.vector_store %arg18[%swap3A_1163, %swap3A_1164], %dot_general3A_1162 {strides = array<i32>} : memref<17408x96xf32, #tpu.memory_space<vmem>>, vector<1088x96xf32>,
    %slice3A_1166 = vector.extract_strided_slice %add3A_1123 {offsets = [320, 0], sizes = [64, 96], strides = [1, 1]} : vector<1024x96xf32> to vector<64x96xf32>
    %slice3A_1167 = vector.extract_strided_slice %dot_general3A_1125 {offsets = [320, 0], sizes = [64, 96], strides = [1, 1]} : vector<1024x96xf32> to vector<64x96xf32>
    %concatenate3A_1168 = tpu.concatenate %slice3A_1166, %slice3A_1167 in 0 : vector<64x96xf32>, vector<64x96xf32> -> vector<128x96xf32>
    %dot_general3A_1169 = arith.constant dense<0.000000e+00> : vector<1088x96xf32>
    %dot_general3A_1170 = tpu.matmul %concatenate3A_44, %concatenate3A_1168, %dot_general3A_1169 {dimension_numbers = #tpu.dot_dimension_numbers<[1], [0], [0], [1], [0, 0, 1, 1], [], []>, transpose_lhs_hint = false} : vector<1088x128xf32>, vector<128x96xf32>, vector<1088x96xf32> -> vector<1088x96xf32>
    %swap3A_1171 = arith.constant 5440 : index
    %swap3A_1172 = arith.constant 0 : index
    %swap3A_1173 = vector.load %arg18[%swap3A_1171, %swap3A_1172] : memref<17408x96xf32, #tpu.memory_space<vmem>>, vector<1088x96xf32>
    tpu.vector_store %arg18[%swap3A_1171, %swap3A_1172], %dot_general3A_1170 {strides = array<i32>} : memref<17408x96xf32, #tpu.memory_space<vmem>>, vector<1088x96xf32>,
    %slice3A_1174 = vector.extract_strided_slice %add3A_1123 {offsets = [384, 0], sizes = [64, 96], strides = [1, 1]} : vector<1024x96xf32> to vector<64x96xf32>
    %slice3A_1175 = vector.extract_strided_slice %dot_general3A_1125 {offsets = [384, 0], sizes = [64, 96], strides = [1, 1]} : vector<1024x96xf32> to vector<64x96xf32>
    %concatenate3A_1176 = tpu.concatenate %slice3A_1174, %slice3A_1175 in 0 : vector<64x96xf32>, vector<64x96xf32> -> vector<128x96xf32>
    %dot_general3A_1177 = arith.constant dense<0.000000e+00> : vector<1088x96xf32>
    %dot_general3A_1178 = tpu.matmul %concatenate3A_44, %concatenate3A_1176, %dot_general3A_1177 {dimension_numbers = #tpu.dot_dimension_numbers<[1], [0], [0], [1], [0, 0, 1, 1], [], []>, transpose_lhs_hint = false} : vector<1088x128xf32>, vector<128x96xf32>, vector<1088x96xf32> -> vector<1088x96xf32>
    %swap3A_1179 = arith.constant 6528 : index
    %swap3A_1180 = arith.constant 0 : index
    %swap3A_1181 = vector.load %arg18[%swap3A_1179, %swap3A_1180] : memref<17408x96xf32, #tpu.memory_space<vmem>>, vector<1088x96xf32>
    tpu.vector_store %arg18[%swap3A_1179, %swap3A_1180], %dot_general3A_1178 {strides = array<i32>} : memref<17408x96xf32, #tpu.memory_space<vmem>>, vector<1088x96xf32>,
    %slice3A_1182 = vector.extract_strided_slice %add3A_1123 {offsets = [448, 0], sizes = [64, 96], strides = [1, 1]} : vector<1024x96xf32> to vector<64x96xf32>
    %slice3A_1183 = vector.extract_strided_slice %dot_general3A_1125 {offsets = [448, 0], sizes = [64, 96], strides = [1, 1]} : vector<1024x96xf32> to vector<64x96xf32>
    %concatenate3A_1184 = tpu.concatenate %slice3A_1182, %slice3A_1183 in 0 : vector<64x96xf32>, vector<64x96xf32> -> vector<128x96xf32>
    %dot_general3A_1185 = arith.constant dense<0.000000e+00> : vector<1088x96xf32>
    %dot_general3A_1186 = tpu.matmul %concatenate3A_44, %concatenate3A_1184, %dot_general3A_1185 {dimension_numbers = #tpu.dot_dimension_numbers<[1], [0], [0], [1], [0, 0, 1, 1], [], []>, transpose_lhs_hint = false} : vector<1088x128xf32>, vector<128x96xf32>, vector<1088x96xf32> -> vector<1088x96xf32>
    %swap3A_1187 = arith.constant 7616 : index
    %swap3A_1188 = arith.constant 0 : index
    %swap3A_1189 = vector.load %arg18[%swap3A_1187, %swap3A_1188] : memref<17408x96xf32, #tpu.memory_space<vmem>>, vector<1088x96xf32>
    tpu.vector_store %arg18[%swap3A_1187, %swap3A_1188], %dot_general3A_1186 {strides = array<i32>} : memref<17408x96xf32, #tpu.memory_space<vmem>>, vector<1088x96xf32>,
    %slice3A_1190 = vector.extract_strided_slice %add3A_1123 {offsets = [512, 0], sizes = [64, 96], strides = [1, 1]} : vector<1024x96xf32> to vector<64x96xf32>
    %slice3A_1191 = vector.extract_strided_slice %dot_general3A_1125 {offsets = [512, 0], sizes = [64, 96], strides = [1, 1]} : vector<1024x96xf32> to vector<64x96xf32>
    %concatenate3A_1192 = tpu.concatenate %slice3A_1190, %slice3A_1191 in 0 : vector<64x96xf32>, vector<64x96xf32> -> vector<128x96xf32>
    %dot_general3A_1193 = arith.constant dense<0.000000e+00> : vector<1088x96xf32>
    %dot_general3A_1194 = tpu.matmul %concatenate3A_44, %concatenate3A_1192, %dot_general3A_1193 {dimension_numbers = #tpu.dot_dimension_numbers<[1], [0], [0], [1], [0, 0, 1, 1], [], []>, transpose_lhs_hint = false} : vector<1088x128xf32>, vector<128x96xf32>, vector<1088x96xf32> -> vector<1088x96xf32>
    %swap3A_1195 = arith.constant 8704 : index
    %swap3A_1196 = arith.constant 0 : index
    %swap3A_1197 = vector.load %arg18[%swap3A_1195, %swap3A_1196] : memref<17408x96xf32, #tpu.memory_space<vmem>>, vector<1088x96xf32>
    tpu.vector_store %arg18[%swap3A_1195, %swap3A_1196], %dot_general3A_1194 {strides = array<i32>} : memref<17408x96xf32, #tpu.memory_space<vmem>>, vector<1088x96xf32>,
    %slice3A_1198 = vector.extract_strided_slice %add3A_1123 {offsets = [576, 0], sizes = [64, 96], strides = [1, 1]} : vector<1024x96xf32> to vector<64x96xf32>
    %slice3A_1199 = vector.extract_strided_slice %dot_general3A_1125 {offsets = [576, 0], sizes = [64, 96], strides = [1, 1]} : vector<1024x96xf32> to vector<64x96xf32>
    %concatenate3A_1200 = tpu.concatenate %slice3A_1198, %slice3A_1199 in 0 : vector<64x96xf32>, vector<64x96xf32> -> vector<128x96xf32>
    %dot_general3A_1201 = arith.constant dense<0.000000e+00> : vector<1088x96xf32>
    %dot_general3A_1202 = tpu.matmul %concatenate3A_44, %concatenate3A_1200, %dot_general3A_1201 {dimension_numbers = #tpu.dot_dimension_numbers<[1], [0], [0], [1], [0, 0, 1, 1], [], []>, transpose_lhs_hint = false} : vector<1088x128xf32>, vector<128x96xf32>, vector<1088x96xf32> -> vector<1088x96xf32>
    %swap3A_1203 = arith.constant 9792 : index
    %swap3A_1204 = arith.constant 0 : index
    %swap3A_1205 = vector.load %arg18[%swap3A_1203, %swap3A_1204] : memref<17408x96xf32, #tpu.memory_space<vmem>>, vector<1088x96xf32>
    tpu.vector_store %arg18[%swap3A_1203, %swap3A_1204], %dot_general3A_1202 {strides = array<i32>} : memref<17408x96xf32, #tpu.memory_space<vmem>>, vector<1088x96xf32>,
    %slice3A_1206 = vector.extract_strided_slice %add3A_1123 {offsets = [640, 0], sizes = [64, 96], strides = [1, 1]} : vector<1024x96xf32> to vector<64x96xf32>
    %slice3A_1207 = vector.extract_strided_slice %dot_general3A_1125 {offsets = [640, 0], sizes = [64, 96], strides = [1, 1]} : vector<1024x96xf32> to vector<64x96xf32>
    %concatenate3A_1208 = tpu.concatenate %slice3A_1206, %slice3A_1207 in 0 : vector<64x96xf32>, vector<64x96xf32> -> vector<128x96xf32>
    %dot_general3A_1209 = arith.constant dense<0.000000e+00> : vector<1088x96xf32>
    %dot_general3A_1210 = tpu.matmul %concatenate3A_44, %concatenate3A_1208, %dot_general3A_1209 {dimension_numbers = #tpu.dot_dimension_numbers<[1], [0], [0], [1], [0, 0, 1, 1], [], []>, transpose_lhs_hint = false} : vector<1088x128xf32>, vector<128x96xf32>, vector<1088x96xf32> -> vector<1088x96xf32>
    %swap3A_1211 = arith.constant 10880 : index
    %swap3A_1212 = arith.constant 0 : index
    %swap3A_1213 = vector.load %arg18[%swap3A_1211, %swap3A_1212] : memref<17408x96xf32, #tpu.memory_space<vmem>>, vector<1088x96xf32>
    tpu.vector_store %arg18[%swap3A_1211, %swap3A_1212], %dot_general3A_1210 {strides = array<i32>} : memref<17408x96xf32, #tpu.memory_space<vmem>>, vector<1088x96xf32>,
    %slice3A_1214 = vector.extract_strided_slice %add3A_1123 {offsets = [704, 0], sizes = [64, 96], strides = [1, 1]} : vector<1024x96xf32> to vector<64x96xf32>
    %slice3A_1215 = vector.extract_strided_slice %dot_general3A_1125 {offsets = [704, 0], sizes = [64, 96], strides = [1, 1]} : vector<1024x96xf32> to vector<64x96xf32>
    %concatenate3A_1216 = tpu.concatenate %slice3A_1214, %slice3A_1215 in 0 : vector<64x96xf32>, vector<64x96xf32> -> vector<128x96xf32>
    %dot_general3A_1217 = arith.constant dense<0.000000e+00> : vector<1088x96xf32>
    %dot_general3A_1218 = tpu.matmul %concatenate3A_44, %concatenate3A_1216, %dot_general3A_1217 {dimension_numbers = #tpu.dot_dimension_numbers<[1], [0], [0], [1], [0, 0, 1, 1], [], []>, transpose_lhs_hint = false} : vector<1088x128xf32>, vector<128x96xf32>, vector<1088x96xf32> -> vector<1088x96xf32>
    %swap3A_1219 = arith.constant 11968 : index
    %swap3A_1220 = arith.constant 0 : index
    %swap3A_1221 = vector.load %arg18[%swap3A_1219, %swap3A_1220] : memref<17408x96xf32, #tpu.memory_space<vmem>>, vector<1088x96xf32>
    tpu.vector_store %arg18[%swap3A_1219, %swap3A_1220], %dot_general3A_1218 {strides = array<i32>} : memref<17408x96xf32, #tpu.memory_space<vmem>>, vector<1088x96xf32>,
    %slice3A_1222 = vector.extract_strided_slice %add3A_1123 {offsets = [768, 0], sizes = [64, 96], strides = [1, 1]} : vector<1024x96xf32> to vector<64x96xf32>
    %slice3A_1223 = vector.extract_strided_slice %dot_general3A_1125 {offsets = [768, 0], sizes = [64, 96], strides = [1, 1]} : vector<1024x96xf32> to vector<64x96xf32>
    %concatenate3A_1224 = tpu.concatenate %slice3A_1222, %slice3A_1223 in 0 : vector<64x96xf32>, vector<64x96xf32> -> vector<128x96xf32>
    %dot_general3A_1225 = arith.constant dense<0.000000e+00> : vector<1088x96xf32>
    %dot_general3A_1226 = tpu.matmul %concatenate3A_44, %concatenate3A_1224, %dot_general3A_1225 {dimension_numbers = #tpu.dot_dimension_numbers<[1], [0], [0], [1], [0, 0, 1, 1], [], []>, transpose_lhs_hint = false} : vector<1088x128xf32>, vector<128x96xf32>, vector<1088x96xf32> -> vector<1088x96xf32>
    %swap3A_1227 = arith.constant 13056 : index
    %swap3A_1228 = arith.constant 0 : index
    %swap3A_1229 = vector.load %arg18[%swap3A_1227, %swap3A_1228] : memref<17408x96xf32, #tpu.memory_space<vmem>>, vector<1088x96xf32>
    tpu.vector_store %arg18[%swap3A_1227, %swap3A_1228], %dot_general3A_1226 {strides = array<i32>} : memref<17408x96xf32, #tpu.memory_space<vmem>>, vector<1088x96xf32>,
    %slice3A_1230 = vector.extract_strided_slice %add3A_1123 {offsets = [832, 0], sizes = [64, 96], strides = [1, 1]} : vector<1024x96xf32> to vector<64x96xf32>
    %slice3A_1231 = vector.extract_strided_slice %dot_general3A_1125 {offsets = [832, 0], sizes = [64, 96], strides = [1, 1]} : vector<1024x96xf32> to vector<64x96xf32>
    %concatenate3A_1232 = tpu.concatenate %slice3A_1230, %slice3A_1231 in 0 : vector<64x96xf32>, vector<64x96xf32> -> vector<128x96xf32>
    %dot_general3A_1233 = arith.constant dense<0.000000e+00> : vector<1088x96xf32>
    %dot_general3A_1234 = tpu.matmul %concatenate3A_44, %concatenate3A_1232, %dot_general3A_1233 {dimension_numbers = #tpu.dot_dimension_numbers<[1], [0], [0], [1], [0, 0, 1, 1], [], []>, transpose_lhs_hint = false} : vector<1088x128xf32>, vector<128x96xf32>, vector<1088x96xf32> -> vector<1088x96xf32>
    %swap3A_1235 = arith.constant 14144 : index
    %swap3A_1236 = arith.constant 0 : index
    %swap3A_1237 = vector.load %arg18[%swap3A_1235, %swap3A_1236] : memref<17408x96xf32, #tpu.memory_space<vmem>>, vector<1088x96xf32>
    tpu.vector_store %arg18[%swap3A_1235, %swap3A_1236], %dot_general3A_1234 {strides = array<i32>} : memref<17408x96xf32, #tpu.memory_space<vmem>>, vector<1088x96xf32>,
    %slice3A_1238 = vector.extract_strided_slice %add3A_1123 {offsets = [896, 0], sizes = [64, 96], strides = [1, 1]} : vector<1024x96xf32> to vector<64x96xf32>
    %slice3A_1239 = vector.extract_strided_slice %dot_general3A_1125 {offsets = [896, 0], sizes = [64, 96], strides = [1, 1]} : vector<1024x96xf32> to vector<64x96xf32>
    %concatenate3A_1240 = tpu.concatenate %slice3A_1238, %slice3A_1239 in 0 : vector<64x96xf32>, vector<64x96xf32> -> vector<128x96xf32>
    %dot_general3A_1241 = arith.constant dense<0.000000e+00> : vector<1088x96xf32>
    %dot_general3A_1242 = tpu.matmul %concatenate3A_44, %concatenate3A_1240, %dot_general3A_1241 {dimension_numbers = #tpu.dot_dimension_numbers<[1], [0], [0], [1], [0, 0, 1, 1], [], []>, transpose_lhs_hint = false} : vector<1088x128xf32>, vector<128x96xf32>, vector<1088x96xf32> -> vector<1088x96xf32>
    %swap3A_1243 = arith.constant 15232 : index
    %swap3A_1244 = arith.constant 0 : index
    %swap3A_1245 = vector.load %arg18[%swap3A_1243, %swap3A_1244] : memref<17408x96xf32, #tpu.memory_space<vmem>>, vector<1088x96xf32>
    tpu.vector_store %arg18[%swap3A_1243, %swap3A_1244], %dot_general3A_1242 {strides = array<i32>} : memref<17408x96xf32, #tpu.memory_space<vmem>>, vector<1088x96xf32>,
    %slice3A_1246 = vector.extract_strided_slice %add3A_1123 {offsets = [960, 0], sizes = [64, 96], strides = [1, 1]} : vector<1024x96xf32> to vector<64x96xf32>
    %slice3A_1247 = vector.extract_strided_slice %dot_general3A_1125 {offsets = [960, 0], sizes = [64, 96], strides = [1, 1]} : vector<1024x96xf32> to vector<64x96xf32>
    %concatenate3A_1248 = tpu.concatenate %slice3A_1246, %slice3A_1247 in 0 : vector<64x96xf32>, vector<64x96xf32> -> vector<128x96xf32>
    %dot_general3A_1249 = arith.constant dense<0.000000e+00> : vector<1088x96xf32>
    %dot_general3A_1250 = tpu.matmul %concatenate3A_44, %concatenate3A_1248, %dot_general3A_1249 {dimension_numbers = #tpu.dot_dimension_numbers<[1], [0], [0], [1], [0, 0, 1, 1], [], []>, transpose_lhs_hint = false} : vector<1088x128xf32>, vector<128x96xf32>, vector<1088x96xf32> -> vector<1088x96xf32>
    %swap3A_1251 = arith.constant 16320 : index
    %swap3A_1252 = arith.constant 0 : index
    %swap3A_1253 = vector.load %arg18[%swap3A_1251, %swap3A_1252] : memref<17408x96xf32, #tpu.memory_space<vmem>>, vector<1088x96xf32>
    tpu.vector_store %arg18[%swap3A_1251, %swap3A_1252], %dot_general3A_1250 {strides = array<i32>} : memref<17408x96xf32, #tpu.memory_space<vmem>>, vector<1088x96xf32>,
    %get3A_1254 = arith.constant 0 : index
    %get3A_1255 = arith.constant 0 : index
    %get3A_1256 = vector.load %arg18[%get3A_1254, %get3A_1255] : memref<17408x96xf32, #tpu.memory_space<vmem>>, vector<17408x96xf32>
    %max3A_1257 = arith.constant 0.000000e+00 : f32
    %max3A_1258 = vector.broadcast %max3A_1257 : f32 to vector<17408x96xf32>
    %max3A_1259 = arith.maximumf %get3A_1256, %max3A_1258 : vector<17408x96xf32>
    %dot_general3A_1260 = arith.constant dense<0.000000e+00> : vector<17408x96xf32>
    %dot_general3A_1261 = tpu.matmul %max3A_1259, %get3A_73, %dot_general3A_1260 {dimension_numbers = #tpu.dot_dimension_numbers<[1], [0], [0], [1], [0, 0, 1, 1], [], []>, transpose_lhs_hint = false} : vector<17408x96xf32>, vector<96x96xf32>, vector<17408x96xf32> -> vector<17408x96xf32>
    %add3A_1262 = vector.broadcast %get3A_130 : vector<1x96xf32> to vector<17408x96xf32>
    %add3A_1263 = arith.addf %dot_general3A_1261, %add3A_1262 : vector<17408x96xf32>
    %max3A_1264 = arith.constant 0.000000e+00 : f32
    %max3A_1265 = vector.broadcast %max3A_1264 : f32 to vector<17408x96xf32>
    %max3A_1266 = arith.maximumf %add3A_1263, %max3A_1265 : vector<17408x96xf32>
    %dot_general3A_1267 = arith.constant dense<0.000000e+00> : vector<17408x96xf32>
    %dot_general3A_1268 = tpu.matmul %max3A_1266, %get3A_78, %dot_general3A_1267 {dimension_numbers = #tpu.dot_dimension_numbers<[1], [0], [0], [1], [0, 0, 1, 1], [], []>, transpose_lhs_hint = false} : vector<17408x96xf32>, vector<96x96xf32>, vector<17408x96xf32> -> vector<17408x96xf32>
    %slice3A_1269 = vector.extract_strided_slice %dot_general3A_1268 {offsets = [0, 0], sizes = [1088, 96], strides = [1, 1]} : vector<17408x96xf32> to vector<1088x96xf32>
    %dot_general3A_1270 = arith.constant dense<0.000000e+00> : vector<64x96xf32>
    %dot_general3A_1271 = tpu.matmul %convert_element_type3A_52, %slice3A_1269, %dot_general3A_1270 {dimension_numbers = #tpu.dot_dimension_numbers<[1], [0], [0], [1], [0, 0, 1, 1], [], []>, transpose_lhs_hint = false} : vector<64x1088xf32>, vector<1088x96xf32>, vector<64x96xf32> -> vector<64x96xf32>
    %swap3A_1272 = arith.constant 0 : index
    %swap3A_1273 = arith.constant 0 : index
    %swap3A_1274 = vector.load %arg19[%swap3A_1272, %swap3A_1273] : memref<1024x96xf32, #tpu.memory_space<vmem>>, vector<64x96xf32>
    tpu.vector_store %arg19[%swap3A_1272, %swap3A_1273], %dot_general3A_1271 {strides = array<i32>} : memref<1024x96xf32, #tpu.memory_space<vmem>>, vector<64x96xf32>,
    %slice3A_1275 = vector.extract_strided_slice %dot_general3A_1268 {offsets = [1088, 0], sizes = [1088, 96], strides = [1, 1]} : vector<17408x96xf32> to vector<1088x96xf32>
    %dot_general3A_1276 = arith.constant dense<0.000000e+00> : vector<64x96xf32>
    %dot_general3A_1277 = tpu.matmul %convert_element_type3A_52, %slice3A_1275, %dot_general3A_1276 {dimension_numbers = #tpu.dot_dimension_numbers<[1], [0], [0], [1], [0, 0, 1, 1], [], []>, transpose_lhs_hint = false} : vector<64x1088xf32>, vector<1088x96xf32>, vector<64x96xf32> -> vector<64x96xf32>
    %swap3A_1278 = arith.constant 64 : index
    %swap3A_1279 = arith.constant 0 : index
    %swap3A_1280 = vector.load %arg19[%swap3A_1278, %swap3A_1279] : memref<1024x96xf32, #tpu.memory_space<vmem>>, vector<64x96xf32>
    tpu.vector_store %arg19[%swap3A_1278, %swap3A_1279], %dot_general3A_1277 {strides = array<i32>} : memref<1024x96xf32, #tpu.memory_space<vmem>>, vector<64x96xf32>,
    %slice3A_1281 = vector.extract_strided_slice %dot_general3A_1268 {offsets = [2176, 0], sizes = [1088, 96], strides = [1, 1]} : vector<17408x96xf32> to vector<1088x96xf32>
    %dot_general3A_1282 = arith.constant dense<0.000000e+00> : vector<64x96xf32>
    %dot_general3A_1283 = tpu.matmul %convert_element_type3A_52, %slice3A_1281, %dot_general3A_1282 {dimension_numbers = #tpu.dot_dimension_numbers<[1], [0], [0], [1], [0, 0, 1, 1], [], []>, transpose_lhs_hint = false} : vector<64x1088xf32>, vector<1088x96xf32>, vector<64x96xf32> -> vector<64x96xf32>
    %swap3A_1284 = arith.constant 128 : index
    %swap3A_1285 = arith.constant 0 : index
    %swap3A_1286 = vector.load %arg19[%swap3A_1284, %swap3A_1285] : memref<1024x96xf32, #tpu.memory_space<vmem>>, vector<64x96xf32>
    tpu.vector_store %arg19[%swap3A_1284, %swap3A_1285], %dot_general3A_1283 {strides = array<i32>} : memref<1024x96xf32, #tpu.memory_space<vmem>>, vector<64x96xf32>,
    %slice3A_1287 = vector.extract_strided_slice %dot_general3A_1268 {offsets = [3264, 0], sizes = [1088, 96], strides = [1, 1]} : vector<17408x96xf32> to vector<1088x96xf32>
    %dot_general3A_1288 = arith.constant dense<0.000000e+00> : vector<64x96xf32>
    %dot_general3A_1289 = tpu.matmul %convert_element_type3A_52, %slice3A_1287, %dot_general3A_1288 {dimension_numbers = #tpu.dot_dimension_numbers<[1], [0], [0], [1], [0, 0, 1, 1], [], []>, transpose_lhs_hint = false} : vector<64x1088xf32>, vector<1088x96xf32>, vector<64x96xf32> -> vector<64x96xf32>
    %swap3A_1290 = arith.constant 192 : index
    %swap3A_1291 = arith.constant 0 : index
    %swap3A_1292 = vector.load %arg19[%swap3A_1290, %swap3A_1291] : memref<1024x96xf32, #tpu.memory_space<vmem>>, vector<64x96xf32>
    tpu.vector_store %arg19[%swap3A_1290, %swap3A_1291], %dot_general3A_1289 {strides = array<i32>} : memref<1024x96xf32, #tpu.memory_space<vmem>>, vector<64x96xf32>,
    %slice3A_1293 = vector.extract_strided_slice %dot_general3A_1268 {offsets = [4352, 0], sizes = [1088, 96], strides = [1, 1]} : vector<17408x96xf32> to vector<1088x96xf32>
    %dot_general3A_1294 = arith.constant dense<0.000000e+00> : vector<64x96xf32>
    %dot_general3A_1295 = tpu.matmul %convert_element_type3A_52, %slice3A_1293, %dot_general3A_1294 {dimension_numbers = #tpu.dot_dimension_numbers<[1], [0], [0], [1], [0, 0, 1, 1], [], []>, transpose_lhs_hint = false} : vector<64x1088xf32>, vector<1088x96xf32>, vector<64x96xf32> -> vector<64x96xf32>
    %swap3A_1296 = arith.constant 256 : index
    %swap3A_1297 = arith.constant 0 : index
    %swap3A_1298 = vector.load %arg19[%swap3A_1296, %swap3A_1297] : memref<1024x96xf32, #tpu.memory_space<vmem>>, vector<64x96xf32>
    tpu.vector_store %arg19[%swap3A_1296, %swap3A_1297], %dot_general3A_1295 {strides = array<i32>} : memref<1024x96xf32, #tpu.memory_space<vmem>>, vector<64x96xf32>,
    %slice3A_1299 = vector.extract_strided_slice %dot_general3A_1268 {offsets = [5440, 0], sizes = [1088, 96], strides = [1, 1]} : vector<17408x96xf32> to vector<1088x96xf32>
    %dot_general3A_1300 = arith.constant dense<0.000000e+00> : vector<64x96xf32>
    %dot_general3A_1301 = tpu.matmul %convert_element_type3A_52, %slice3A_1299, %dot_general3A_1300 {dimension_numbers = #tpu.dot_dimension_numbers<[1], [0], [0], [1], [0, 0, 1, 1], [], []>, transpose_lhs_hint = false} : vector<64x1088xf32>, vector<1088x96xf32>, vector<64x96xf32> -> vector<64x96xf32>
    %swap3A_1302 = arith.constant 320 : index
    %swap3A_1303 = arith.constant 0 : index
    %swap3A_1304 = vector.load %arg19[%swap3A_1302, %swap3A_1303] : memref<1024x96xf32, #tpu.memory_space<vmem>>, vector<64x96xf32>
    tpu.vector_store %arg19[%swap3A_1302, %swap3A_1303], %dot_general3A_1301 {strides = array<i32>} : memref<1024x96xf32, #tpu.memory_space<vmem>>, vector<64x96xf32>,
    %slice3A_1305 = vector.extract_strided_slice %dot_general3A_1268 {offsets = [6528, 0], sizes = [1088, 96], strides = [1, 1]} : vector<17408x96xf32> to vector<1088x96xf32>
    %dot_general3A_1306 = arith.constant dense<0.000000e+00> : vector<64x96xf32>
    %dot_general3A_1307 = tpu.matmul %convert_element_type3A_52, %slice3A_1305, %dot_general3A_1306 {dimension_numbers = #tpu.dot_dimension_numbers<[1], [0], [0], [1], [0, 0, 1, 1], [], []>, transpose_lhs_hint = false} : vector<64x1088xf32>, vector<1088x96xf32>, vector<64x96xf32> -> vector<64x96xf32>
    %swap3A_1308 = arith.constant 384 : index
    %swap3A_1309 = arith.constant 0 : index
    %swap3A_1310 = vector.load %arg19[%swap3A_1308, %swap3A_1309] : memref<1024x96xf32, #tpu.memory_space<vmem>>, vector<64x96xf32>
    tpu.vector_store %arg19[%swap3A_1308, %swap3A_1309], %dot_general3A_1307 {strides = array<i32>} : memref<1024x96xf32, #tpu.memory_space<vmem>>, vector<64x96xf32>,
    %slice3A_1311 = vector.extract_strided_slice %dot_general3A_1268 {offsets = [7616, 0], sizes = [1088, 96], strides = [1, 1]} : vector<17408x96xf32> to vector<1088x96xf32>
    %dot_general3A_1312 = arith.constant dense<0.000000e+00> : vector<64x96xf32>
    %dot_general3A_1313 = tpu.matmul %convert_element_type3A_52, %slice3A_1311, %dot_general3A_1312 {dimension_numbers = #tpu.dot_dimension_numbers<[1], [0], [0], [1], [0, 0, 1, 1], [], []>, transpose_lhs_hint = false} : vector<64x1088xf32>, vector<1088x96xf32>, vector<64x96xf32> -> vector<64x96xf32>
    %swap3A_1314 = arith.constant 448 : index
    %swap3A_1315 = arith.constant 0 : index
    %swap3A_1316 = vector.load %arg19[%swap3A_1314, %swap3A_1315] : memref<1024x96xf32, #tpu.memory_space<vmem>>, vector<64x96xf32>
    tpu.vector_store %arg19[%swap3A_1314, %swap3A_1315], %dot_general3A_1313 {strides = array<i32>} : memref<1024x96xf32, #tpu.memory_space<vmem>>, vector<64x96xf32>,
    %slice3A_1317 = vector.extract_strided_slice %dot_general3A_1268 {offsets = [8704, 0], sizes = [1088, 96], strides = [1, 1]} : vector<17408x96xf32> to vector<1088x96xf32>
    %dot_general3A_1318 = arith.constant dense<0.000000e+00> : vector<64x96xf32>
    %dot_general3A_1319 = tpu.matmul %convert_element_type3A_52, %slice3A_1317, %dot_general3A_1318 {dimension_numbers = #tpu.dot_dimension_numbers<[1], [0], [0], [1], [0, 0, 1, 1], [], []>, transpose_lhs_hint = false} : vector<64x1088xf32>, vector<1088x96xf32>, vector<64x96xf32> -> vector<64x96xf32>
    %swap3A_1320 = arith.constant 512 : index
    %swap3A_1321 = arith.constant 0 : index
    %swap3A_1322 = vector.load %arg19[%swap3A_1320, %swap3A_1321] : memref<1024x96xf32, #tpu.memory_space<vmem>>, vector<64x96xf32>
    tpu.vector_store %arg19[%swap3A_1320, %swap3A_1321], %dot_general3A_1319 {strides = array<i32>} : memref<1024x96xf32, #tpu.memory_space<vmem>>, vector<64x96xf32>,
    %slice3A_1323 = vector.extract_strided_slice %dot_general3A_1268 {offsets = [9792, 0], sizes = [1088, 96], strides = [1, 1]} : vector<17408x96xf32> to vector<1088x96xf32>
    %dot_general3A_1324 = arith.constant dense<0.000000e+00> : vector<64x96xf32>
    %dot_general3A_1325 = tpu.matmul %convert_element_type3A_52, %slice3A_1323, %dot_general3A_1324 {dimension_numbers = #tpu.dot_dimension_numbers<[1], [0], [0], [1], [0, 0, 1, 1], [], []>, transpose_lhs_hint = false} : vector<64x1088xf32>, vector<1088x96xf32>, vector<64x96xf32> -> vector<64x96xf32>
    %swap3A_1326 = arith.constant 576 : index
    %swap3A_1327 = arith.constant 0 : index
    %swap3A_1328 = vector.load %arg19[%swap3A_1326, %swap3A_1327] : memref<1024x96xf32, #tpu.memory_space<vmem>>, vector<64x96xf32>
    tpu.vector_store %arg19[%swap3A_1326, %swap3A_1327], %dot_general3A_1325 {strides = array<i32>} : memref<1024x96xf32, #tpu.memory_space<vmem>>, vector<64x96xf32>,
    %slice3A_1329 = vector.extract_strided_slice %dot_general3A_1268 {offsets = [10880, 0], sizes = [1088, 96], strides = [1, 1]} : vector<17408x96xf32> to vector<1088x96xf32>
    %dot_general3A_1330 = arith.constant dense<0.000000e+00> : vector<64x96xf32>
    %dot_general3A_1331 = tpu.matmul %convert_element_type3A_52, %slice3A_1329, %dot_general3A_1330 {dimension_numbers = #tpu.dot_dimension_numbers<[1], [0], [0], [1], [0, 0, 1, 1], [], []>, transpose_lhs_hint = false} : vector<64x1088xf32>, vector<1088x96xf32>, vector<64x96xf32> -> vector<64x96xf32>
    %swap3A_1332 = arith.constant 640 : index
    %swap3A_1333 = arith.constant 0 : index
    %swap3A_1334 = vector.load %arg19[%swap3A_1332, %swap3A_1333] : memref<1024x96xf32, #tpu.memory_space<vmem>>, vector<64x96xf32>
    tpu.vector_store %arg19[%swap3A_1332, %swap3A_1333], %dot_general3A_1331 {strides = array<i32>} : memref<1024x96xf32, #tpu.memory_space<vmem>>, vector<64x96xf32>,
    %slice3A_1335 = vector.extract_strided_slice %dot_general3A_1268 {offsets = [11968, 0], sizes = [1088, 96], strides = [1, 1]} : vector<17408x96xf32> to vector<1088x96xf32>
    %dot_general3A_1336 = arith.constant dense<0.000000e+00> : vector<64x96xf32>
    %dot_general3A_1337 = tpu.matmul %convert_element_type3A_52, %slice3A_1335, %dot_general3A_1336 {dimension_numbers = #tpu.dot_dimension_numbers<[1], [0], [0], [1], [0, 0, 1, 1], [], []>, transpose_lhs_hint = false} : vector<64x1088xf32>, vector<1088x96xf32>, vector<64x96xf32> -> vector<64x96xf32>
    %swap3A_1338 = arith.constant 704 : index
    %swap3A_1339 = arith.constant 0 : index
    %swap3A_1340 = vector.load %arg19[%swap3A_1338, %swap3A_1339] : memref<1024x96xf32, #tpu.memory_space<vmem>>, vector<64x96xf32>
    tpu.vector_store %arg19[%swap3A_1338, %swap3A_1339], %dot_general3A_1337 {strides = array<i32>} : memref<1024x96xf32, #tpu.memory_space<vmem>>, vector<64x96xf32>,
    %slice3A_1341 = vector.extract_strided_slice %dot_general3A_1268 {offsets = [13056, 0], sizes = [1088, 96], strides = [1, 1]} : vector<17408x96xf32> to vector<1088x96xf32>
    %dot_general3A_1342 = arith.constant dense<0.000000e+00> : vector<64x96xf32>
    %dot_general3A_1343 = tpu.matmul %convert_element_type3A_52, %slice3A_1341, %dot_general3A_1342 {dimension_numbers = #tpu.dot_dimension_numbers<[1], [0], [0], [1], [0, 0, 1, 1], [], []>, transpose_lhs_hint = false} : vector<64x1088xf32>, vector<1088x96xf32>, vector<64x96xf32> -> vector<64x96xf32>
    %swap3A_1344 = arith.constant 768 : index
    %swap3A_1345 = arith.constant 0 : index
    %swap3A_1346 = vector.load %arg19[%swap3A_1344, %swap3A_1345] : memref<1024x96xf32, #tpu.memory_space<vmem>>, vector<64x96xf32>
    tpu.vector_store %arg19[%swap3A_1344, %swap3A_1345], %dot_general3A_1343 {strides = array<i32>} : memref<1024x96xf32, #tpu.memory_space<vmem>>, vector<64x96xf32>,
    %slice3A_1347 = vector.extract_strided_slice %dot_general3A_1268 {offsets = [14144, 0], sizes = [1088, 96], strides = [1, 1]} : vector<17408x96xf32> to vector<1088x96xf32>
    %dot_general3A_1348 = arith.constant dense<0.000000e+00> : vector<64x96xf32>
    %dot_general3A_1349 = tpu.matmul %convert_element_type3A_52, %slice3A_1347, %dot_general3A_1348 {dimension_numbers = #tpu.dot_dimension_numbers<[1], [0], [0], [1], [0, 0, 1, 1], [], []>, transpose_lhs_hint = false} : vector<64x1088xf32>, vector<1088x96xf32>, vector<64x96xf32> -> vector<64x96xf32>
    %swap3A_1350 = arith.constant 832 : index
    %swap3A_1351 = arith.constant 0 : index
    %swap3A_1352 = vector.load %arg19[%swap3A_1350, %swap3A_1351] : memref<1024x96xf32, #tpu.memory_space<vmem>>, vector<64x96xf32>
    tpu.vector_store %arg19[%swap3A_1350, %swap3A_1351], %dot_general3A_1349 {strides = array<i32>} : memref<1024x96xf32, #tpu.memory_space<vmem>>, vector<64x96xf32>,
    %slice3A_1353 = vector.extract_strided_slice %dot_general3A_1268 {offsets = [15232, 0], sizes = [1088, 96], strides = [1, 1]} : vector<17408x96xf32> to vector<1088x96xf32>
    %dot_general3A_1354 = arith.constant dense<0.000000e+00> : vector<64x96xf32>
    %dot_general3A_1355 = tpu.matmul %convert_element_type3A_52, %slice3A_1353, %dot_general3A_1354 {dimension_numbers = #tpu.dot_dimension_numbers<[1], [0], [0], [1], [0, 0, 1, 1], [], []>, transpose_lhs_hint = false} : vector<64x1088xf32>, vector<1088x96xf32>, vector<64x96xf32> -> vector<64x96xf32>
    %swap3A_1356 = arith.constant 896 : index
    %swap3A_1357 = arith.constant 0 : index
    %swap3A_1358 = vector.load %arg19[%swap3A_1356, %swap3A_1357] : memref<1024x96xf32, #tpu.memory_space<vmem>>, vector<64x96xf32>
    tpu.vector_store %arg19[%swap3A_1356, %swap3A_1357], %dot_general3A_1355 {strides = array<i32>} : memref<1024x96xf32, #tpu.memory_space<vmem>>, vector<64x96xf32>,
    %slice3A_1359 = vector.extract_strided_slice %dot_general3A_1268 {offsets = [16320, 0], sizes = [1088, 96], strides = [1, 1]} : vector<17408x96xf32> to vector<1088x96xf32>
    %dot_general3A_1360 = arith.constant dense<0.000000e+00> : vector<64x96xf32>
    %dot_general3A_1361 = tpu.matmul %convert_element_type3A_52, %slice3A_1359, %dot_general3A_1360 {dimension_numbers = #tpu.dot_dimension_numbers<[1], [0], [0], [1], [0, 0, 1, 1], [], []>, transpose_lhs_hint = false} : vector<64x1088xf32>, vector<1088x96xf32>, vector<64x96xf32> -> vector<64x96xf32>
    %swap3A_1362 = arith.constant 960 : index
    %swap3A_1363 = arith.constant 0 : index
    %swap3A_1364 = vector.load %arg19[%swap3A_1362, %swap3A_1363] : memref<1024x96xf32, #tpu.memory_space<vmem>>, vector<64x96xf32>
    tpu.vector_store %arg19[%swap3A_1362, %swap3A_1363], %dot_general3A_1361 {strides = array<i32>} : memref<1024x96xf32, #tpu.memory_space<vmem>>, vector<64x96xf32>,
    %get3A_1365 = arith.constant 0 : index
    %get3A_1366 = arith.constant 0 : index
    %get3A_1367 = vector.load %arg19[%get3A_1365, %get3A_1366] : memref<1024x96xf32, #tpu.memory_space<vmem>>, vector<1024x96xf32>
    %dot_general3A_1368 = arith.constant dense<0.000000e+00> : vector<1024x96xf32>
    %dot_general3A_1369 = tpu.matmul %get3A_1367, %get3A_103, %dot_general3A_1368 {dimension_numbers = #tpu.dot_dimension_numbers<[1], [0], [0], [1], [0, 0, 1, 1], [], []>, transpose_lhs_hint = false} : vector<1024x96xf32>, vector<96x96xf32>, vector<1024x96xf32> -> vector<1024x96xf32>
    %add3A_1370 = arith.addf %dot_general3A_1369, %add3A_169 : vector<1024x96xf32>
    %max3A_1371 = arith.constant 0.000000e+00 : f32
    %max3A_1372 = vector.broadcast %max3A_1371 : f32 to vector<1024x96xf32>
    %max3A_1373 = arith.maximumf %add3A_1370, %max3A_1372 : vector<1024x96xf32>
    %dot_general3A_1374 = arith.constant dense<0.000000e+00> : vector<1024x96xf32>
    %dot_general3A_1375 = tpu.matmul %max3A_1373, %get3A_83, %dot_general3A_1374 {dimension_numbers = #tpu.dot_dimension_numbers<[1], [0], [0], [1], [0, 0, 1, 1], [], []>, transpose_lhs_hint = false} : vector<1024x96xf32>, vector<96x96xf32>, vector<1024x96xf32> -> vector<1024x96xf32>
    %add3A_1376 = vector.broadcast %get3A_133 : vector<1x96xf32> to vector<1024x96xf32>
    %add3A_1377 = arith.addf %dot_general3A_1375, %add3A_1376 : vector<1024x96xf32>
    %max3A_1378 = arith.constant 0.000000e+00 : f32
    %max3A_1379 = vector.broadcast %max3A_1378 : f32 to vector<1024x96xf32>
    %max3A_1380 = arith.maximumf %add3A_1377, %max3A_1379 : vector<1024x96xf32>
    %dot_general3A_1381 = arith.constant dense<0.000000e+00> : vector<1024x96xf32>
    %dot_general3A_1382 = tpu.matmul %max3A_1380, %get3A_88, %dot_general3A_1381 {dimension_numbers = #tpu.dot_dimension_numbers<[1], [0], [0], [1], [0, 0, 1, 1], [], []>, transpose_lhs_hint = false} : vector<1024x96xf32>, vector<96x96xf32>, vector<1024x96xf32> -> vector<1024x96xf32>
    %add3A_1383 = vector.broadcast %get3A_136 : vector<1x96xf32> to vector<1024x96xf32>
    %add3A_1384 = arith.addf %dot_general3A_1382, %add3A_1383 : vector<1024x96xf32>
    %dot_general3A_1385 = arith.constant dense<0.000000e+00> : vector<1024x384xf32>
    %dot_general3A_1386 = tpu.matmul %add3A_1384, %get3A_113, %dot_general3A_1385 {dimension_numbers = #tpu.dot_dimension_numbers<[1], [0], [0], [1], [0, 0, 1, 1], [], []>, transpose_lhs_hint = false} : vector<1024x96xf32>, vector<96x384xf32>, vector<1024x384xf32> -> vector<1024x384xf32>
    %add3A_1387 = vector.broadcast %get3A_139 : vector<1x384xf32> to vector<1024x384xf32>
    %add3A_1388 = arith.addf %dot_general3A_1386, %add3A_1387 : vector<1024x384xf32>
    %dot_general3A_1389 = arith.constant dense<0.000000e+00> : vector<1024x384xf32>
    %dot_general3A_1390 = tpu.matmul %mul3A_1095, %get3A_118, %dot_general3A_1389 {dimension_numbers = #tpu.dot_dimension_numbers<[1], [0], [0], [1], [0, 0, 1, 1], [], []>, transpose_lhs_hint = false} : vector<1024x96xf32>, vector<96x384xf32>, vector<1024x384xf32> -> vector<1024x384xf32>
    %add3A_1391 = arith.addf %add3A_1388, %dot_general3A_1390 : vector<1024x384xf32>
    %slice3A_1392 = vector.extract_strided_slice %add3A_1391 {offsets = [0, 0], sizes = [1024, 96], strides = [1, 1]} : vector<1024x384xf32> to vector<1024x96xf32>
    %slice3A_1393 = vector.extract_strided_slice %add3A_1391 {offsets = [0, 96], sizes = [1024, 96], strides = [1, 1]} : vector<1024x384xf32> to vector<1024x96xf32>
    %slice3A_1394 = vector.extract_strided_slice %add3A_1391 {offsets = [0, 192], sizes = [1024, 96], strides = [1, 1]} : vector<1024x384xf32> to vector<1024x96xf32>
    %logistic3A_1395 = arith.negf %slice3A_1392 : vector<1024x96xf32>
    %logistic3A_1396 = math.exp %logistic3A_1395 : vector<1024x96xf32>
    %logistic3A_1397 = arith.constant 1.000000e+00 : f32
    %logistic3A_1398 = vector.broadcast %logistic3A_1397 : f32 to vector<1024x96xf32>
    %logistic3A_1399 = arith.addf %logistic3A_1398, %logistic3A_1396 : vector<1024x96xf32>
    %logistic3A_1400 = arith.divf %logistic3A_1398, %logistic3A_1399 : vector<1024x96xf32>
    %tanh3A_1401 = math.tanh %slice3A_1394 : vector<1024x96xf32>
    %mul3A_1402 = arith.mulf %logistic3A_1400, %tanh3A_1401 : vector<1024x96xf32>
    %logistic3A_1403 = arith.negf %slice3A_1393 : vector<1024x96xf32>
    %logistic3A_1404 = math.exp %logistic3A_1403 : vector<1024x96xf32>
    %logistic3A_1405 = arith.constant 1.000000e+00 : f32
    %logistic3A_1406 = vector.broadcast %logistic3A_1405 : f32 to vector<1024x96xf32>
    %logistic3A_1407 = arith.addf %logistic3A_1406, %logistic3A_1404 : vector<1024x96xf32>
    %logistic3A_1408 = arith.divf %logistic3A_1406, %logistic3A_1407 : vector<1024x96xf32>
    %mul3A_1409 = arith.mulf %logistic3A_1408, %add3A_1087 : vector<1024x96xf32>
    %add3A_1410 = arith.addf %mul3A_1402, %mul3A_1409 : vector<1024x96xf32>
    %dot_general3A_1411 = arith.constant dense<0.000000e+00> : vector<1024x16xf32>
    %dot_general3A_1412 = tpu.matmul %add3A_1410, %get3A_142, %dot_general3A_1411 {dimension_numbers = #tpu.dot_dimension_numbers<[1], [0], [0], [1], [0, 0, 1, 1], [], []>, transpose_lhs_hint = false} : vector<1024x96xf32>, vector<96x16xf32>, vector<1024x16xf32> -> vector<1024x16xf32>
    %add3A_1413 = vector.broadcast %get3A_145 : vector<1x16xf32> to vector<1024x16xf32>
    %add3A_1414 = arith.addf %dot_general3A_1412, %add3A_1413 : vector<1024x16xf32>
    %reduce_max3A_1415 = arith.constant dense<0xFF800000> : vector<1024xf32>
    %reduce_max3A_1416 = vector.multi_reduction <maximumf>, %add3A_1414, %reduce_max3A_1415 [1] : vector<1024x16xf32> to vector<1024xf32>
    %broadcast_in_dim3A_1417 = vector.shape_cast %reduce_max3A_1416 : vector<1024xf32> to vector<1024x1xf32>
    %sub3A_1418 = vector.broadcast %broadcast_in_dim3A_1417 : vector<1024x1xf32> to vector<1024x16xf32>
    %sub3A_1419 = arith.subf %add3A_1414, %sub3A_1418 : vector<1024x16xf32>
    %exp3A_1420 = math.exp %sub3A_1419 : vector<1024x16xf32>
    %reduce_sum3A_1421 = arith.constant dense<0.000000e+00> : vector<1024xf32>
    %reduce_sum3A_1422 = vector.multi_reduction <add>, %exp3A_1420, %reduce_sum3A_1421 [1] : vector<1024x16xf32> to vector<1024xf32>
    %broadcast_in_dim3A_1423 = vector.shape_cast %reduce_sum3A_1422 : vector<1024xf32> to vector<1024x1xf32>
    %log3A_1424 = math.log %broadcast_in_dim3A_1423 : vector<1024x1xf32>
    %add3A_1425 = arith.addf %log3A_1424, %broadcast_in_dim3A_1417 : vector<1024x1xf32>
    %sub3A_1426 = vector.broadcast %add3A_1425 : vector<1024x1xf32> to vector<1024x16xf32>
    %sub3A_1427 = arith.subf %add3A_1414, %sub3A_1426 : vector<1024x16xf32>
    %mul3A_1428 = arith.mulf %sub3A_1427, %convert_element_type3A_11 : vector<1024x16xf32>
    %reduce_sum3A_1429 = vector.shape_cast %mul3A_1428 : vector<1024x16xf32> to vector<1x1024x16xf32>
    %reduce_sum3A_1430 = arith.constant dense<0.000000e+00> : vector<1xf32>
    %reduce_sum3A_1431 = vector.multi_reduction <add>, %reduce_sum3A_1429, %reduce_sum3A_1430 [1, 2] : vector<1x1024x16xf32> to vector<1xf32>
    %reduce_sum3A_1432 = vector.shape_cast %reduce_sum3A_1431 : vector<1xf32> to vector<1x1x1xf32>
    %reduce_sum3A_1433 = vector.extract %reduce_sum3A_1432[0, 0, 0] : f32 from vector<1x1x1xf32>
    %add3A_1434 = arith.addf %add3A_1119, %reduce_sum3A_1433 : f32
    %reshape3A = vector.shape_cast %add3A_1414 : vector<1024x16xf32> to vector<16x64x16xf32>
    %swap3A_1435 = arith.constant 0 : index
    %swap3A_1436 = arith.constant 0 : index
    %swap3A_1437 = arith.constant 0 : index
    %swap3A_1438 = vector.load %arg16[%swap3A_1435, %swap3A_1436, %swap3A_1437] : memref<16x64x16xf32, #tpu.memory_space<vmem>>, vector<16x64x16xf32>
    tpu.vector_store %arg16[%swap3A_1435, %swap3A_1436, %swap3A_1437], %reshape3A {strides = array<i32>} : memref<16x64x16xf32, #tpu.memory_space<vmem>>, vector<16x64x16xf32>,
    %broadcast_in_dim3A_1439 = vector.broadcast %add3A_1434 : f32 to vector<1x1x128xf32>
    %swap3A_1440 = arith.constant 0 : index
    %swap3A_1441 = arith.constant 0 : index
    %swap3A_1442 = arith.constant 0 : index
    %swap3A_1443 = vector.load %arg17[%swap3A_1440, %swap3A_1441, %swap3A_1442] : memref<1x1x128xf32, #tpu.memory_space<vmem>>, vector<1x1x128xf32>
    tpu.vector_store %arg17[%swap3A_1440, %swap3A_1441, %swap3A_1442], %broadcast_in_dim3A_1439 {strides = array<i32>} : memref<1x1x128xf32, #tpu.memory_space<vmem>>, vector<1x1x128xf32>,
    return
  }
  func.func @transform_0(%arg0: i32) -> (i32, i32) {
    %c0_i32 = arith.constant 0 : i32
    %c0_i32_0 = arith.constant 0 : i32
    return %arg0, %c0_i32 : i32, i32
  }
  func.func @transform_1(%arg0: i32) -> (i32, i32) {
    %c0_i32 = arith.constant 0 : i32
    %c0_i32_0 = arith.constant 0 : i32
    return %arg0, %c0_i32 : i32, i32
  }
  func.func @transform_2(%arg0: i32) -> (i32, i32) {
    %c0_i32 = arith.constant 0 : i32
    %c0_i32_0 = arith.constant 0 : i32
    %c0_i32_1 = arith.constant 0 : i32
    return %c0_i32, %c0_i32_0 : i32, i32
  }
  func.func @transform_3(%arg0: i32) -> (i32, i32) {
    %c0_i32 = arith.constant 0 : i32
    %c0_i32_0 = arith.constant 0 : i32
    %c0_i32_1 = arith.constant 0 : i32
    return %c0_i32, %c0_i32_0 : i32, i32
  }
  func.func @transform_4(%arg0: i32) -> (i32, i32) {
    %c0_i32 = arith.constant 0 : i32
    %c0_i32_0 = arith.constant 0 : i32
    %c0_i32_1 = arith.constant 0 : i32
    return %c0_i32, %c0_i32_0 : i32, i32
  }
  func.func @transform_5(%arg0: i32) -> (i32, i32) {
    %c0_i32 = arith.constant 0 : i32
    %c0_i32_0 = arith.constant 0 : i32
    %c0_i32_1 = arith.constant 0 : i32
    return %c0_i32, %c0_i32_0 : i32, i32
  }
  func.func @transform_6(%arg0: i32) -> (i32, i32) {
    %c0_i32 = arith.constant 0 : i32
    %c0_i32_0 = arith.constant 0 : i32
    %c0_i32_1 = arith.constant 0 : i32
    return %c0_i32, %c0_i32_0 : i32, i32
  }
  func.func @transform_7(%arg0: i32) -> (i32, i32, i32) {
    %c0_i32 = arith.constant 0 : i32
    %c0_i32_0 = arith.constant 0 : i32
    %c0_i32_1 = arith.constant 0 : i32
    %c0_i32_2 = arith.constant 0 : i32
    return %c0_i32, %c0_i32_0, %c0_i32_1 : i32, i32, i32
  }
  func.func @transform_8(%arg0: i32) -> (i32, i32, i32) {
    %c0_i32 = arith.constant 0 : i32
    %c0_i32_0 = arith.constant 0 : i32
    %c0_i32_1 = arith.constant 0 : i32
    %c0_i32_2 = arith.constant 0 : i32
    return %c0_i32, %c0_i32_0, %c0_i32_1 : i32, i32, i32
  }
  func.func @transform_9(%arg0: i32) -> (i32, i32, i32) {
    %c0_i32 = arith.constant 0 : i32
    %c0_i32_0 = arith.constant 0 : i32
    %c0_i32_1 = arith.constant 0 : i32
    %c0_i32_2 = arith.constant 0 : i32
    return %c0_i32, %c0_i32_0, %c0_i32_1 : i32, i32, i32
  }
  func.func @transform_10(%arg0: i32) -> (i32, i32) {
    %c0_i32 = arith.constant 0 : i32
    %c0_i32_0 = arith.constant 0 : i32
    %c0_i32_1 = arith.constant 0 : i32
    return %c0_i32, %c0_i32_0 : i32, i32
  }
  func.func @transform_11(%arg0: i32) -> (i32, i32) {
    %c0_i32 = arith.constant 0 : i32
    %c0_i32_0 = arith.constant 0 : i32
    %c0_i32_1 = arith.constant 0 : i32
    return %c0_i32, %c0_i32_0 : i32, i32
  }
  func.func @transform_12(%arg0: i32) -> (i32, i32) {
    %c0_i32 = arith.constant 0 : i32
    %c0_i32_0 = arith.constant 0 : i32
    %c0_i32_1 = arith.constant 0 : i32
    return %c0_i32, %c0_i32_0 : i32, i32
  }
  func.func @transform_13(%arg0: i32) -> (i32, i32) {
    %c0_i32 = arith.constant 0 : i32
    %c0_i32_0 = arith.constant 0 : i32
    %c0_i32_1 = arith.constant 0 : i32
    return %c0_i32, %c0_i32_0 : i32, i32
  }
  func.func @transform_14(%arg0: i32) -> (i32, i32) {
    %c0_i32 = arith.constant 0 : i32
    %c0_i32_0 = arith.constant 0 : i32
    %c0_i32_1 = arith.constant 0 : i32
    return %c0_i32, %c0_i32_0 : i32, i32
  }
  func.func @transform_15(%arg0: i32) -> (i32, i32, i32) {
    %c0_i32 = arith.constant 0 : i32
    %c0_i32_0 = arith.constant 0 : i32
    %c0_i32_1 = arith.constant 0 : i32
    return %arg0, %c0_i32, %c0_i32_0 : i32, i32, i32
  }
  func.func @transform_16(%arg0: i32) -> (i32, i32, i32) {
    %c0_i32 = arith.constant 0 : i32
    %c0_i32_0 = arith.constant 0 : i32
    %c0_i32_1 = arith.constant 0 : i32
    return %arg0, %c0_i32, %c0_i32_0 : i32, i32, i32
  }
}

</mosaic_0001>

<sc_bundles>
// kernel: scatter_offload_async_start
scs
__scs_entry_jumppad:
0x0: {  	(pc) =	sbr.rel $0x88, $3  }
0x1: {  	(tag) =	ssettag $0x0;
	lr =	simm.s32 $0x1  }
0x2: {  	[smem:$0x3F85] =	sst lr;
	_ =	strace $0xD0000000  }
0x3: {  	_ = 	snop  }
0x4: {  	_ = 	snop  }
0x5: {  	_ = 	snop  }
0x6: {  	_ = 	snop  }
0x7: {  	_ = 	snop  }
__scs_overlays_trampoline_lowered:
0x8: {  	[smem:$0x3F94] =	sst s0  }
0x9: {  	[smem:$0x3F95] =	sst s1  }
0xa: {  	[smem:$0x3F96] =	sst s2  }
0xb: {  	[smem:$0x3F97] =	sst s3  }
0xc: {  	[smem:$0x3F98] =	sst s4  }
0xd: {  	[smem:$0x3F99] =	sst s5  }
0xe: {  	[smem:$0x3F9A] =	sst s6  }
0xf: {  	[smem:$0x3F9B] =	sst s7  }
0x10: {  	[smem:$0x3F9C] =	sst s8  }
0x11: {  	[smem:$0x3F9D] =	sst s9;
	s0 =	simm.s32 @!p0 $0x0  }
0x12: {  	s1 =	sld [smem:$0x3F83];
	s0 =	simm.s32 @p0 $0x1  }
0x13: {  	[smem:$0x3F9E] =	sst s0;
	s0 =	simm.s32 @!p1 $0x0  }
0x14: {  	s2 =	sld [smem:$0x3F82];
	s0 =	simm.s32 @p1 $0x1  }
0x15: {  	[smem:$0x3F9F] =	sst s0;
	s0 =	simm.s32 @!p2 $0x0  }
0x16: {  	s3 =	sld [smem:$0x3FDB];
	s0 =	simm.s32 @p2 $0x1  }
0x17: {  	s4 =	simm.s32 $0x1BF5;
	[smem:$0x3FA1] =	sst s0  }
0x18: {  	s0 =	sld [smem:$0x3F84];
	_ =	swait.ge [sflag:s4], $0x0  }
0x19: {  	s7 =	sld [smem:$0x3F85]  }
0x1a: {  	s8 =	sadd.s32 $0xFFFFE003, lr  }
0x1b: {  	s9 =	sadd.s32 $0xFFFFFEF7, lr;
	s5 =	simm.s32 $0xFFFFFFFF;
	p2 =	slt.u32 s8, $0xFFFFF086  }
0x1c: {  	p1 =	slt.u32 s9, $0xF7A;
	s5 =	simm.s32 @!p2 $0x0  }
0x1d: {  	s5 =	simm.s32 @p1 $0x1;
	p0 =	seq.s32 s7, s2  }
0x1e: {  	s7 =	smul.u32 @!p0 $0xF7A, s2;
	p2 =	seq.s32 @!p0 s5, $0x0  }
0x1f: {  	s9 =	smul.u32 $0xF7A, s1;
	s8 =	simm.s32 @!p0 $0x1BF5;
	p2 =	por !p2, p0  }
0x20: {  	[sflag:s8] =	ssyncset.s32 @!p0 $0xFFFFF086;
	s6 =	sadd.s32 @!p0 s3, s7;
	s7 =	simm.s32 @!p0 $0x108  }
0x21: {  	s3 =	sadd.s32 s3, s9;
	s6 =	sadd.s32 @!p0 $0x88, s6;
	s7 =	simm.s32 @p2 $0x1082  }
0x22: {  	[simem:s7], [sflag:s8] =	dma.local @!p0 [hbm:s6], $0xF7A  }
0x23: {  	s9 =	sor.u32 $0xD0000000, s2;
	s6 =	simm.s32 $0x108;
	_ =	swait.ge @!p0 [sflag:s8], $0x0  }
0x24: {  	s3 =	sadd.s32 $0x88, s3;
	s6 =	simm.s32 @!p1 $0x1082;
	[sflag:s4] =	ssyncset.s32 $0xFFFFF086  }
0x25: {  	[simem:s6], [sflag:s4] =	dma.local [hbm:s3], $0xF7A  }
0x26: {  	[smem:$0x3F85] =	sst s1;
	(tag) =	ssettag s2;
	_ =	strace s9  }
0x27: {  	s1 =	sld [smem:$0x3F95]  }
0x28: {  	s2 =	sld [smem:$0x3F96]  }
0x29: {  	s4 =	sld [smem:$0x3F98]  }
0x2a: {  	p0 =	seq.s32 s5, $0x0;
	s5 =	sld [smem:$0x3F99]  }
0x2b: {  	s6 =	sld [smem:$0x3F9A]  }
0x2c: {  	s7 =	sld [smem:$0x3F9B]  }
0x2d: {  	s3 =	simm.s32 $0x108;
	s8 =	sld [smem:$0x3F9C]  }
0x2e: {  	s3 =	simm.s32 @!p0 $0x1082;
	s9 =	sld [smem:$0x3F9D]  }
0x2f: {  	lr =	sadd.s32 s0, s3;
	s0 =	sld [smem:$0x3F94]  }
0x30: {  	s3 =	sld [smem:$0x3F97]  }
0x31: {  	[smem:$0x3FA0] =	sst s10  }
0x32: {  	s10 =	sld [smem:$0x3F9E];
	_ =	sdelay $0x3  }
0x33: {  	p0 =	seq.s32 s10, $0x1;
	s10 =	sld [smem:$0x3FA0];
	_ =	sdelay $0x3  }
0x34: {  	[smem:$0x3FA0] =	sst s10  }
0x35: {  	s10 =	sld [smem:$0x3F9F];
	_ =	sdelay $0x3  }
0x36: {  	p1 =	seq.s32 s10, $0x1;
	s10 =	sld [smem:$0x3FA0];
	_ =	sdelay $0x3  }
0x37: {  	[smem:$0x3FA0] =	sst s10  }
0x38: {  	s10 =	sld [smem:$0x3FA1]  }
0x39: {  	_ = 	snop;
	(pc) =	sbr.ind lr, $3  }
0x3a: {  	_ = 	snop  }
0x3b: {  	_ = 	snop  }
0x3c: {  	p2 =	seq.s32 s10, $0x1;
	s10 =	sld [smem:$0x3FA0]  }
0x3d: {  	_ =	shalt  }
0x3e: {  	_ =	shalt  }
0x3f: {  	_ =	shalt  }
0x40: {  	_ =	shalt  }
0x41: {  	_ =	shalt  }
0x42: {  	_ =	shalt  }
0x43: {  	_ =	shalt  }
0x44: {  	_ =	shalt  }
0x45: {  	_ =	shalt  }
0x46: {  	_ =	shalt  }
0x47: {  	_ =	shalt  }
0x48: {  	_ =	shalt  }
0x49: {  	_ =	shalt  }
0x4a: {  	_ =	shalt  }
0x4b: {  	_ =	shalt  }
0x4c: {  	_ =	shalt  }
0x4d: {  	_ =	shalt  }
0x4e: {  	_ =	shalt  }
0x4f: {  	_ =	shalt  }
0x50: {  	_ =	shalt  }
0x51: {  	_ =	shalt  }
0x52: {  	_ =	shalt  }
0x53: {  	_ =	shalt  }
0x54: {  	_ =	shalt  }
0x55: {  	_ =	shalt  }
0x56: {  	_ =	shalt  }
0x57: {  	_ =	shalt  }
0x58: {  	_ =	shalt  }
0x59: {  	_ =	shalt  }
0x5a: {  	_ =	shalt  }
0x5b: {  	_ =	shalt  }
0x5c: {  	_ =	shalt  }
0x5d: {  	_ =	shalt  }
0x5e: {  	_ =	shalt  }
0x5f: {  	_ =	shalt  }
0x60: {  	_ =	shalt  }
0x61: {  	_ =	shalt  }
0x62: {  	_ =	shalt  }
0x63: {  	_ =	shalt  }
0x64: {  	_ =	shalt  }
0x65: {  	_ =	shalt  }
0x66: {  	_ =	shalt  }
0x67: {  	_ =	shalt  }
0x68: {  	_ =	shalt  }
0x69: {  	_ =	shalt  }
0x6a: {  	_ =	shalt  }
0x6b: {  	_ =	shalt  }
0x6c: {  	_ =	shalt  }
0x6d: {  	_ =	shalt  }
0x6e: {  	_ =	shalt  }
0x6f: {  	_ =	shalt  }
0x70: {  	_ =	shalt  }
0x71: {  	_ =	shalt  }
0x72: {  	_ =	shalt  }
0x73: {  	_ =	shalt  }
0x74: {  	_ =	shalt  }
0x75: {  	_ =	shalt  }
0x76: {  	_ =	shalt  }
0x77: {  	_ =	shalt  }
0x78: {  	_ =	shalt  }
0x79: {  	_ =	shalt  }
0x7a: {  	_ =	shalt  }
0x7b: {  	_ =	shalt  }
0x7c: {  	_ =	shalt  }
0x7d: {  	_ =	shalt  }
0x7e: {  	_ =	shalt  }
0x7f: {  	_ =	shalt  }
0x80: {  	_ =	shalt  }
0x81: {  	_ =	shalt  }
0x82: {  	_ =	shalt  }
0x83: {  	_ =	shalt  }
0x84: {  	_ =	shalt  }
0x85: {  	_ =	shalt  }
0x86: {  	_ =	shalt  }
0x87: {  	_ =	shalt  }
.Lfunc_end0:
.L_simem_size_0:
called_computation_lowered:
.L_overlay_start_0:
0x88: {  	s0 =	sld [smem:$0x3FD9]  }
0x89: {  	s1 =	sld [smem:$0x3FFE];
	_ =	sdelay $0x3  }
0x8a: {  	s0 =	sadd.s32 s1, s0  }
0x8b: {  	[smem:$0x3FAC] =	sst s0  }
0x8c: {  	_ = 	snop  }
0x8d: {  	s0 =	sld [smem:$0x3FD0];
	_ =	sdelay $0x2  }
0x8e: {  	s13 =	simm.s32 $0xA;
	s2 =	simm.s32 $0x10  }
0x8f: {  	[smem:s2], [sflag:s13] =	dma.local [hbm:s0], $0x1  }
0x90: {  	_ =	swait.eq [sflag:s13], $0x1  }
0x91: {  	[sflag:s13] =	ssyncset.done $0x0  }
0x92: {  	s14 =	sld [smem:$0x10];
	[sflag:s13] =	ssyncadd.s32 $0xFFFFFFFF  }
0x93: {  	s15 =	sld [smem:$0x11];
	(tm) =	ssettm $0x1  }
0x94: {  	s16 =	sld [smem:$0x3FFB];
	_ =	sdelay $0x3  }
0x95: {  	_ =	strace s16  }
0x96: {  	s2 =	sld [smem:$0x3FFC];
	_ =	sdelay $0x3  }
0x97: {  	_ =	strace s2  }
0x98: {  	s2 =	sld [smem:$0x3FFD];
	_ =	sdelay $0x3  }
0x99: {  	_ =	strace s2  }
0x9a: {  	_ =	strace $0x8FFFFFFF  }
0x9b: {  	s17 =	sld [smem:$0x3FDB];
	_ =	sdelay $0x1  }
0x9c: {  	s3 =	simm.s32 $_scs_section_size  }
0x9d: {  	s4 =	simm.s32 $_size__tile_overlayer_lowered;
	s5 =	simm.s32 $_tile_overlayer_lowered  }
0x9e: {  	s20 =	simm.s32 $0x1BFF;
	s19 =	sshll.u32 s5, $0x1;
	s2 =	sadd.s32 s3, s17  }
0x9f: {  	s6 =	simm.s32 $0x0;
	s18 =	sshll.u32 s4, $0x1;
	s4 =	sadd.s32 s19, s2  }
0xa0: {  	[timem:s6], [sflag:s20] =	dma.local [hbm:s4], s18  }
0xa1: {  	_ =	swait.ge [sflag:s20], s18  }
0xa2: {  	s3 =	ssub.s32 $0x0, s18;
	[sflag:s20] =	ssyncset.done $0x0  }
0xa3: {  	[sflag:s20] =	ssyncadd.s32 s3;
	_ =	sdelay $0x1  }
0xa4: {  	s21 =	simm.s32 $0x1B8B  }
0xa5: {  	_ =	swait.ge [sflag:s21], $0x1  }
0xa6: {  	[sflag:s21] =	ssyncset.done $0x0  }
0xa7: {  	s23 =	simm.s32 $0x1B8E;
	s22 =	sld [smem:$0x3FFE];
	[sflag:s21] =	ssyncadd.s32 $0xFFFFFFFF  }
0xa8: {  	s24 =	simm.s32 $execute0_lowered;
	[smem:$0x3FD2] =	sst s23  }
0xa9: {  	s4 =	sshll.u32 s24, $0x1;
	_ =	strace $0x80000046;
	[dreg:$0x1] =	wrdreg $0xFFFFFFFF  }
0xaa: {  	s25 =	simm.s32 $_size_execute0_lowered;
	s2 =	sadd.s32 s2, s4;
	[dreg:$0x0] =	wrdreg $0x0  }
0xab: {  	s4 =	sshll.u32 s25, $0x1;
	[dreg:$0x2] =	wrdreg s2  }
0xac: {  	[dreg:$0x3] =	wrdreg s4  }
0xad: {  	[dreg:$0x4] =	wrdreg $0xC0  }
0xae: {  	_ =	task [dreg:s6], $0x5FFFF  }
0xaf: {  	[dreg:$0x1] =	wrdreg $0xFFFFFFFF  }
0xb0: {  	[dreg:$0x0] =	wrdreg $0x60  }
0xb1: {  	[dreg:$0x2] =	wrdreg s15  }
0xb2: {  	[dreg:$0x3] =	wrdreg s14  }
0xb3: {  	[dreg:$0x4] =	wrdreg s22  }
0xb4: {  	[dreg:$0x5] =	wrdreg $0x9  }
0xb5: {  	_ =	task.clear_ibuf [dreg:s6], $0x6FFFF;
	_ =	strace $0x90000046  }
0xb6: {  	s26 =	simm.s32 $0x9;
	_ =	strace $0x80000048  }
0xb7: {  	_ =	swait.ge [sflag:s26], $0x1  }
0xb8: {  	[sflag:s26] =	ssyncadd.s32 $0xFFFFFFFF  }
0xb9: {  	_ =	strace $0x90000048  }
0xba: {  	_ =	sfence  }
0xbb: {  	s28 =	sld [smem:$0x0];
	_ =	sdelay $0x1  }
0xbc: {  	s29 =	srdreg.scid  }
0xbd: {  	s30 =	sshll.u32 s29, $0xD;
	s31 =	sshrl.u32 s29, $0x2  }
0xbe: {  	s1 =	sand.u32 $0x1, s29;
	s2 =	sand.u32 $0x4000, s30;
	s0 =	sadd.s32 s31, s28  }
0xbf: {  	s1 =	sor.u32 s2, s1;
	s0 =	sshll.u32 s0, $0x11  }
0xc0: {  	s0 =	sor.u32 s0, s1  }
0xc1: {  	s0 =	sadd.s32 $0x8F2B, s0  }
0xc2: {  	[sflag:s0] =	ssyncadd.remote.s32 $0x1  }
0xc3: {  	_ =	sfence.sel $0xFFFF  }
0xc4: {  	[dreg:$0x0] =	wrdreg $0xFFFFFFFF;
	(pc) =	sbr.abs _section_cstart, $3  }
0xc5: {  	[dreg:$0x1] =	wrdreg $0xFFFFFFFF  }
0xc6: {  	_ =	task.clear_ibuf [dreg:s6], $0x2FFFF;
	_ =	strace $0x9FFFFFFF  }
0xc7: {  	(tm) =	ssettm $0x7FFFFFFF  }
tec
execute0_lowered:
.L_overlay_start_1:
0x0: {  	(tag) =	ssettag $0x1  }
0x1: {  	s1 =	rddreg [dreg:$0x0]  }
0x2: {  	s2 =	rddreg [dreg:$0x1];
	_ =	strace $0x80000047;
	s0 =	simm.s32 $0x1  }
0x3: {  	v1 =	vimm.s32 $0xFFFFFFFF;
	[sflag:s0] =	ssyncpa.u1 $0x0  }
0x4: {  	[tilespmem:$0x10] =	vst v1  }
0x5: {  	v0 =	vimm.f32 $0.0e+00;
	s12 =	stileid.u32;
	[tilespmem:$0x20] =	vst v1  }
0x6: {  	s5 =	simm.s32 $0x80;
	s30 =	simm.s32 $0x2;
	s6 =	simm.s32 $0x7;
	[tilespmem:$0x30] =	vst v0  }
0x7: {  	s7 =	simm.s32 $0x8;
	s31 =	simm.s32 $0x9;
	s16 =	simm.s32 $0x100;
	[tilespmem:$0x40] =	vst v0  }
0x8: {  	s17 =	simm.s32 $0xFFFFFFFE;
	s18 =	simm.s32 $0xFFFFFFC0;
	p0 =	sne.s32 s12, $0x0;
	[tilespmem:$0x50] =	vst v0  }
0x9: {  	s19 =	simm.s32 $0xFFFFFFFF;
	s20 =	simm.s32 $0x0;
	[tilespmem:$0x60] =	vst v1;
	s0 =	simm.s32 @!p0 $0x0  }
0xa: {  	s21 =	simm.s32 $0xF;
	p1 =	seq.s32 s12, $0x0;
	[tilespmem:$0x70] =	vst v1;
	s0 =	sadd.s32 s0, s12  }
0xb: {  	s23 =	simm.s32 $0x0;
	[tilespmem:$0x80] =	vst v1;
	s5 =	simm.s32 @!p1 $0x40;
	s4 =	sshll.u32 s0, $0x6  }
0xc: {  	s26 =	simm.s32 $0x0;
	s10 =	sshll.u32 s12, $0x1;
	v1 =	vimm.s32 $0x0;
	[tilespmem:$0xB0] =	vst v0;
	s0 =	sadd.s32 s5, s4  }
0xd: {  	s24 =	simm.s32 $0x0;
	s11 =	sor.u32 $0x81, s10;
	[tilespmem:$0x90] =	vst v1;
	s5 =	smin.u32 s0, $0x440  }
.Ltmp0:
0xe: {  	[tilespmem:$0xA0] =	vst v1;
	[sflag:s30] =	ssyncpa.u1 $0x0;
	s8 =	ssub.s32 s5, s4;
	(pc) =	sbr.rel .LBB2_1-.Ltmp0, $4  }
0xf: {  	s13 =	sor.u32 $0x80, s10;
	[sflag:s6] =	ssyncpa.u1 $0x0;
	p1 =	sgt.s32 s8, $0x0  }
0x10: {  	s12 =	sshllo.u32 s12, $0x1;
	[sflag:s7] =	ssyncpa.u1 $0x0;
	s8 =	simm.s32 @!p1 $0x0  }
0x11: {  	vm0 =	vmmov $0xffff;
	v2 =	vlaneseq.u32;
	s25 =	smov.u32 s4;
	[sflag:s31] =	ssyncpa.u1 $0x0;
	s8 =	sshrl.u32 s8, $0x6  }
0x12: {  	vm1 =	vmxor vm1, vm1;
	vm2 =	vmmov $0x1;
	vm3 =	vcmask $0x3F3C;
	s9 =	sadd.s32 $0x2, s8;
	s14 =	sadd.s32 $0x3, s8;
	s15 =	sadd.s32 $0x1, s8  }
.LBB2_5:
0x13: {  	p1 =	slt.u32 s24, $0x3  }
0x14: {  	s0 =	simm.s32 @!p1 $0x2  }
0x15: {  	_ =	swait.ge @!p1 [sflag:s0], $0x40  }
0x16: {  	[sflag:s0] =	ssyncset.done @!p1 $0x0  }
0x17: {  	[sflag:s0] =	ssyncadd.s32 @!p1 $0xFFFFFFC0;
	s0 =	simm.s32 @!p1 $0x9  }
0x18: {  	_ =	swait.ge @!p1 [sflag:s0], $0x10  }
0x19: {  	s24 =	sadd.s32 $0x1, s24;
	[sflag:s0] =	ssyncset.done @!p1 $0x0  }
0x1a: {  	[sflag:s0] =	ssyncadd.s32 @!p1 $0xFFFFFFF0;
	p1 =	sne.s32 s14, s24  }
.Ltmp1:
0x1b: {  	_ = 	snop;
	(pc) =	sbr.rel @!p1 .LBB2_6-.Ltmp1, $4  }
0x1c: {  	s3 =	sadd.s32 $0x40, s25;
	s22 =	smov.u32 s4  }
0x1d: {  	s16 =	sadd.s32 $0x40, s16;
	s17 =	sadd.s32 $0x1, s17;
	p2 =	slt.s32 s3, s5  }
0x1e: {  	s26 =	smov.u32 s25;
	s18 =	sadd.s32 $0x40, s18;
	s22 =	smov.u32 @p2 s3  }
0x1f: {  	s19 =	sadd.s32 $0x1, s19;
	s23 =	sadd.s32 $0x10, s23;
	s25 =	smov.u32 s22  }
.LBB2_1:
0x20: {  	s0 =	smulhi.u32 $0xAAAAAAAB, s24;
	_ =	sdelay $0x1  }
0x21: {  	s0 =	sshrl.u32 s0, $0x1  }
0x22: {  	s0 =	smul.u32 $0xFFFFFD00, s0  }
0x23: {  	p1 =	sge.u32 s24, s8  }
0x24: {  	s31 =	sadd.s32 $0xFFFFFFFF, s24;
	s28 =	sshrl.u32 @!p1 s25, $0x3;
	s0 =	sshra.s32 @!p1 s0, $0x2  }
0x25: {  	s29 =	sand.u32 @!p1 $0x7, s25;
	s28 =	sadd.s32 @!p1 s2, s28;
	s0 =	sadd.s32 @!p1 s0, s16  }
0x26: {  	[tilespmem:s0], [sflag:$0x7] =	stream.linear.gather @!p1 [hbm4b:s28+s29], $0x40, $0x38;
	[tilespmem:$0x360] =	vst v63  }
0x27: {  	p1 =	sge.u32 s31, s8  }
.Ltmp2:
0x28: {  	_ = 	snop;
	(pc) =	sbr.rel @p1 .LBB2_3-.Ltmp2, $1  }
0x29: {  	_ =	sdelay $0x3  }
0x2a: {  	s0 =	smulhi.u32 $0xAAAAAAAB, s19;
	_ =	sdelay $0x1  }
0x2b: {  	s0 =	sshrl.u32 s0, $0x1  }
0x2c: {  	s0 =	smul.u32 $0xFFFFFD00, s0;
	_ =	sdelay $0x1  }
0x2d: {  	_ =	swait.ge [sflag:s6], $0x40;
	s0 =	sshra.s32 s0, $0x2  }
0x2e: {  	[sflag:s6] =	ssyncset.done $0x0;
	s0 =	sadd.s32 s0, s16  }
0x2f: {  	[sflag:s6] =	ssyncadd.s32 $0xFFFFFFC0;
	(ifvalue) =	ssetifvalue $0xFFFFFFFF;
	v3 =	vld.msk [tilespmem:s0+$0xFFFFFFC0 ss:$0x1], $0xffff;
	_ =	sdelay $0x2  }
0x30: {  	p1 =	sne.s32 s24, $0x1  }
0x31: {  	v4 =	vimm.s32 @!p1 $0x0  }
0x32: {  	v4 =	vperm.xlane @!p1 v3, v4  }
0x33: {  	vm4 =	vlt.u32 v3, $0x80  }
0x34: {  	s28 =	sand.u32 $0x10, s23;
	v3 =	vnsel vm4, $0xFFFFFFFE, v3;
	vm4 =	vlt.u32 @!p1 v4, $0x80  }
0x35: {  	[tilespmem:s28+$0x60] =	vst v3;
	v3 =	vnsel @!p1 vm4, $0xFFFFFFFE, v4  }
0x36: {  	[tilespmem:$0x80] =	vst @!p1 v3  }
0x37: {  	v3 =	vld.msk [tilespmem:s0+$0xFFFFFFF0 ss:$0x1], $0xffff;
	_ =	sdelay $0x4  }
0x38: {  	(xrf1) =	vunique.msk.u32 $0xffff, v3;
	_ =	sdelay $0xd  }
0x39: {  	v59, _, _ =	vpop (xrf1)  }
0x3a: {  	vm4 =	vlt.u32 v3, $0x80;
	vm5 =	veq.s32 v59, v2  }
0x3b: {  	vm5 =	vmand vm4, vm5  }
0x3c: {  	v60 =	vnsel vm5, $0xFFFFFFFF, v3;
	_ =	sdelay $0x2  }
0x3d: {  	s28 =	sand.u32 $0x40, s18  }
0x3e: {  	s29 =	sadd.s32 $0x1F0, s28;
	(ifvalue) =	ssetifvalue $0xFFFFFFFF  }
0x3f: {  	v4 =	vnsel vm4, $0xFFFFFFFE, v60;
	[tilespmem:s29], [sflag:$0x8] =	stream.indirect_vreg.gather [hbm4b:s1+s20], $0x1, v60, vm0, $0x4038;
	[tilespmem:$0x360] =	vst v63  }
0x40: {  	[tilespmem:s0+$0xFFFFFFF0] =	vst v4  }
0x41: {  	v4 =	vld.msk [tilespmem:s0+$0xFFFFFFE0 ss:$0x1], $0xffff;
	_ =	sdelay $0x4  }
0x42: {  	(xrf1) =	vunique.msk.u32 $0xffff, v4;
	_ =	sdelay $0xc  }
0x43: {  	v3 =	vperm.xlane v3, v1  }
0x44: {  	v5, _, _ =	vpop (xrf1)  }
0x45: {  	vm5 =	vne.s32 v4, v3;
	vm4 =	veq.s32 v5, v2  }
0x46: {  	vm6 =	vlt.u32 v4, $0x80;
	vm4 =	vmand vm5, vm4  }
0x47: {  	vm4 =	vmand vm6, vm4  }
0x48: {  	v3 =	vnsel vm4, $0xFFFFFFFF, v4;
	_ =	sdelay $0x3  }
0x49: {  	s30 =	sadd.s32 $0x1E0, s28;
	(ifvalue) =	ssetifvalue $0xFFFFFFFF  }
0x4a: {  	[tilespmem:s30], [sflag:$0x8] =	stream.indirect_vreg.gather [hbm4b:s1+s20], $0x1, v3, vm0, $0x4038;
	v3 =	vnsel vm6, $0xFFFFFFFE, v3;
	[tilespmem:$0x360] =	vst v63  }
0x4b: {  	[tilespmem:s0+$0xFFFFFFE0] =	vst v3  }
0x4c: {  	v3 =	vld.msk [tilespmem:s0+$0xFFFFFFD0 ss:$0x1], $0xffff;
	_ =	sdelay $0x4  }
0x4d: {  	(xrf1) =	vunique.msk.u32 $0xffff, v3;
	_ =	sdelay $0xc  }
0x4e: {  	v4 =	vperm.xlane v4, v1  }
0x4f: {  	v61, _, _ =	vpop (xrf1)  }
0x50: {  	vm5 =	vne.s32 v3, v4;
	vm4 =	veq.s32 v61, v2  }
0x51: {  	vm14 =	vlt.u32 v3, $0x80;
	vm4 =	vmand vm5, vm4  }
0x52: {  	vm4 =	vmand vm14, vm4  }
0x53: {  	v62 =	vnsel vm4, $0xFFFFFFFF, v3;
	_ =	sdelay $0x3  }
0x54: {  	s31 =	sadd.s32 $0x1D0, s28;
	(ifvalue) =	ssetifvalue $0xFFFFFFFF  }
0x55: {  	v4 =	vnsel vm14, $0xFFFFFFFE, v62;
	[tilespmem:s31], [sflag:$0x8] =	stream.indirect_vreg.gather [hbm4b:s1+s20], $0x1, v62, vm0, $0x4038;
	[tilespmem:$0x360] =	vst v63  }
0x56: {  	s3 =	sadd.s32 $0xFFFFFFC0, s0;
	[tilespmem:s0+$0xFFFFFFD0] =	vst v4  }
0x57: {  	v4 =	vld.msk [tilespmem:s3+$0x0 ss:$0x1], $0xffff;
	_ =	sdelay $0x4  }
0x58: {  	(xrf1) =	vunique.msk.u32 $0xffff, v4;
	_ =	sdelay $0xc  }
0x59: {  	v3 =	vperm.xlane v3, v1  }
0x5a: {  	v63, _, _ =	vpop (xrf1)  }
0x5b: {  	vm5 =	vne.s32 v4, v3;
	vm4 =	veq.s32 v63, v2  }
0x5c: {  	vm15 =	vlt.u32 v4, $0x80;
	vm4 =	vmand vm5, vm4  }
0x5d: {  	vm4 =	vmand vm15, vm4  }
0x5e: {  	v3 =	vnsel vm4, $0xFFFFFFFF, v4;
	_ =	sdelay $0x2  }
0x5f: {  	s26 =	sshrl.u32 s26, $0x3  }
0x60: {  	s22 =	sadd.s32 $0x1C0, s28;
	(ifvalue) =	ssetifvalue $0xFFFFFFFF;
	s30 =	rddreg [dreg:$0x2]  }
0x61: {  	[tilespmem:s22], [sflag:$0x8] =	stream.indirect_vreg.gather [hbm4b:s1+s20], $0x1, v3, vm0, $0x4038;
	v3 =	vnsel vm15, $0xFFFFFFFE, v3;
	[tilespmem:$0x360] =	vst v63  }
0x62: {  	s31 =	sadd.s32 $0x240, s28;
	[tilespmem:s0+$0xFFFFFFC0] =	vst v3;
	s0 =	sadd.s32 s30, s26  }
0x63: {  	[tilespmem:s31], [sflag:$0x8] =	stream.linear.gather [hbm:s0], $0x40, $0x38;
	[tilespmem:$0x360] =	vst v63  }
.LBB2_3:
0x64: {  	p1 =	slt.u32 s24, $0x2  }
0x65: {  	p2 =	sge.u32 @!p1 s24, s9  }
0x66: {  	p1 =	por p1, p2  }
.Ltmp3:
0x67: {  	_ = 	snop;
	(pc) =	sbr.rel @p1 .LBB2_5-.Ltmp3, $1  }
0x68: {  	_ =	sdelay $0x3  }
0x69: {  	s0 =	smulhi.u32 $0xAAAAAAAB, s17;
	_ =	sdelay $0x1  }
0x6a: {  	s0 =	sshrl.u32 s0, $0x1  }
0x6b: {  	s0 =	smul.u32 $0x300, s0;
	_ =	sdelay $0x1  }
0x6c: {  	p1 =	sne.s32 s15, s24;
	s0 =	ssub.s32 $0xFFFFFE00, s0  }
0x6d: {  	_ =	swait.ge [sflag:s7], $0x80;
	s26 =	sshra.s32 @!p1 s0, $0x2  }
0x6e: {  	[sflag:s7] =	ssyncset.done $0x0;
	s26 =	sadd.s32 @!p1 s26, s16  }
0x6f: {  	[sflag:s7] =	ssyncadd.s32 $0xFFFFFF80;
	s26 =	sadd.s32 @!p1 $0x3F, s26  }
0x70: {  	[spmem:s11] =	stream.linear.scatter @!p1 [tilespmem:s26], [sflag:$0x1], $0x1, $0x38;
	[tilespmem:$0x360] =	vst v63  }
0x71: {  	s26 =	simm.s32 @!p1 $0x1  }
0x72: {  	_ =	swait.ge @!p1 [sflag:s26], $0x1  }
0x73: {  	[sflag:s26] =	ssyncset.done @!p1 $0x0  }
0x74: {  	s28 =	sand.u32 $0x10, s23;
	[sflag:s26] =	ssyncadd.s32 @!p1 $0xFFFFFFFF  }
0x75: {  	s3 =	sxor.u32 $0x10, s28;
	v3 =	vld [tilespmem:s28+$0x10]  }
0x76: {  	v4 =	vld [tilespmem:s3+$0x60]  }
0x77: {  	v5 =	vld [tilespmem:$0x80];
	_ =	sdelay $0x2  }
0x78: {  	(v2sf) =	vpush v3, $0x0  }
0x79: {  	(v2sf) =	vpush v4, $0x0  }
0x7a: {  	(v2sf) =	vpush v5, $0x0;
	_ =	sdelay $0xc  }
0x7b: {  	s29 =	spop (v2sf)  }
0x7c: {  	s31 =	spop (v2sf)  }
0x7d: {  	s30 =	spop (v2sf)  }
0x7e: {  	p2 =	seq.s32 s29, s31;
	p3 =	seq.s32 s30, s29  }
0x7f: {  	p3 =	por p2, p3  }
0x80: {  	v3 =	vpsel p3, $0xFFFFFFFF, v3  }
0x81: {  	s31 =	sxor.u32 $0xFFFFFFFF, s18;
	[tilespmem:s28+$0x10] =	vst.msk $0x1, v3  }
0x82: {  	s31 =	sand.u32 $0x40, s31;
	v3 =	vld [tilespmem:$0x30]  }
0x83: {  	v49 =	vld [tilespmem:s31+$0x240]  }
0x84: {  	v6 =	vld [tilespmem:s28+$0x40];
	_ =	sdelay $0x3  }
0x85: {  	vm4 =	vmmov vm1;
	v4 =	vadd.f32 v49, v3  }
0x86: {  	vm5 =	vmmov vm2;
	vm4 =	vmmov @p2 vm2;
	s29 =	sshrl.u32 s31, $0x2;
	v3 =	vadd.f32 v6, v3  }
0x87: {  	vm5 =	vmmov @p3 vm1;
	s29 =	sor.u32 $0x340, s29;
	[tilespmem:s31+$0x240] =	vst.msk vm4, v4  }
0x88: {  	[tilespmem:s29+$0x0] =	vst.msk vm5, v3  }
0x89: {  	v3 =	vld [tilespmem:s31+$0x1F0];
	_ =	sdelay $0x4  }
0x8a: {  	v3 =	vshift.insert v3, v0, s21  }
0x8b: {  	s22 =	sor.u32 $0x40, s3  }
0x8c: {  	s0 =	sshra.s32 s0, $0x2;
	[tilespmem:s22+$0x0] =	vst.msk $0x1, v3  }
0x8d: {  	s0 =	sadd.s32 s0, s16;
	[tilespmem:s31+$0x1FF] =	vst.msk $0x1, v0  }
0x8e: {  	v3 =	vld [tilespmem:s0+$0x30];
	_ =	sdelay $0x4  }
0x8f: {  	v3 =	vshift.insert v3, v1, s21;
	_ =	sdelay $0x1  }
0x90: {  	[tilespmem:s3+$0x10] =	vst.msk $0x1, v3  }
0x91: {  	v4 =	vld [tilespmem:s31+$0x240]  }
0x92: {  	v50 =	vld [tilespmem:s0+$0x0];
	_ =	sdelay $0x3  }
0x93: {  	v4 =	vadd.f32 $0.0e+00, v4  }
0x94: {  	vm5 =	vne.s32 v50, $0xFFFFFFFF  }
0x95: {  	(xrf2) =	vadd.seg.scan.f32 vm5, v4;
	_ =	sdelay $0x3  }
0x96: {  	v51 =	vperm.xlane v3, v1  }
0x97: {  	v7 =	vld [tilespmem:s31+$0x1C0]  }
0x98: {  	vm4 =	veq.s32 v50, v5;
	vm6 =	veq.s32 v50, v51  }
0x99: {  	vm7 =	vgt.u32 v50, $0xFFFFFFFD;
	vm6 =	vmor vm6, vm4  }
0x9a: {  	vm6 =	vmor vm6, vm7  }
0x9b: {  	v6 =	vsel vm6, $0xFFFFFFFF, v50  }
0x9c: {  	v7 =	vsel vm4, $0x0, v7;
	v8, _, _ =	vpop (xrf2)  }
0x9d: {  	v7 =	vadd.f32 v8, v7  }
0x9e: {  	v9 =	vld [tilespmem:$0xA0]  }
0x9f: {  	s22 =	sadd.s32 $0x2C0, s31;
	v10 =	vld [tilespmem:$0x90];
	[tilespmem:s31+$0x2C0] =	vst v7;
	(ifvalue) =	ssetifvalue $0xFFFFFFFF  }
0xa0: {  	[hbm4b:s1+s20] =	stream.indirect_vreg.scatter [tilespmem:s22], [sflag:$0x2], $0x1, v6, vm0, $0x4038;
	[tilespmem:$0x360] =	vst v63  }
0xa1: {  	v6 =	vld [tilespmem:s31+$0x250]  }
0xa2: {  	vm5 =	vmand vm5, vm3;
	v52 =	vld [tilespmem:s0+$0x10]  }
0xa3: {  	v11 =	vsel vm5, $0x0, v8  }
0xa4: {  	v11 =	vshift.insert v11, v0, s21;
	_ =	sdelay $0x1  }
0xa5: {  	v6 =	vadd.f32 v6, v11  }
0xa6: {  	vm12 =	vne.s32 v52, $0xFFFFFFFF  }
0xa7: {  	(xrf2) =	vadd.seg.scan.f32 vm12, v6;
	_ =	sdelay $0x4  }
0xa8: {  	v53 =	vld [tilespmem:s31+$0x1D0]  }
0xa9: {  	vm5 =	veq.s32 v52, v5;
	vm13 =	veq.s32 v52, v51  }
0xaa: {  	vm8 =	vgt.u32 v52, $0xFFFFFFFD;
	vm7 =	vmor vm13, vm5  }
0xab: {  	vm7 =	vmor vm7, vm8  }
0xac: {  	v7 =	vsel vm7, $0xFFFFFFFF, v52  }
0xad: {  	v6 =	vsel vm5, $0x0, v53;
	v54, _, _ =	vpop (xrf2)  }
0xae: {  	v6 =	vadd.f32 v54, v6;
	_ =	sdelay $0x1  }
0xaf: {  	s22 =	sadd.s32 $0x2D0, s31;
	[tilespmem:s31+$0x2D0] =	vst v6;
	(ifvalue) =	ssetifvalue $0xFFFFFFFF  }
0xb0: {  	[hbm4b:s1+s20] =	stream.indirect_vreg.scatter [tilespmem:s22], [sflag:$0x2], $0x1, v7, vm0, $0x4038;
	[tilespmem:$0x360] =	vst v63  }
0xb1: {  	v55 =	vld [tilespmem:s31+$0x260]  }
0xb2: {  	vm6 =	vmand vm12, vm3;
	v7 =	vld [tilespmem:s0+$0x20]  }
0xb3: {  	v12 =	vsel vm6, $0x0, v54  }
0xb4: {  	v12 =	vshift.insert v12, v0, s21;
	_ =	sdelay $0x1  }
0xb5: {  	v6 =	vadd.f32 v55, v12  }
0xb6: {  	vm14 =	vne.s32 v7, $0xFFFFFFFF  }
0xb7: {  	(xrf2) =	vadd.seg.scan.f32 vm14, v6;
	_ =	sdelay $0x4  }
0xb8: {  	v56 =	vld [tilespmem:s31+$0x1E0]  }
0xb9: {  	vm6 =	veq.s32 v7, v5;
	vm15 =	veq.s32 v7, v51  }
0xba: {  	vm9 =	vgt.u32 v7, $0xFFFFFFFD;
	vm8 =	vmor vm15, vm6  }
0xbb: {  	vm8 =	vmor vm8, vm9  }
0xbc: {  	v7 =	vsel vm8, $0xFFFFFFFF, v7  }
0xbd: {  	v6 =	vsel vm6, $0x0, v56;
	v57, _, _ =	vpop (xrf2)  }
0xbe: {  	v6 =	vadd.f32 v57, v6;
	_ =	sdelay $0x1  }
0xbf: {  	s22 =	sadd.s32 $0x2E0, s31;
	[tilespmem:s31+$0x2E0] =	vst v6;
	(ifvalue) =	ssetifvalue $0xFFFFFFFF  }
0xc0: {  	[hbm4b:s1+s20] =	stream.indirect_vreg.scatter [tilespmem:s22], [sflag:$0x2], $0x1, v7, vm0, $0x4038;
	[tilespmem:$0x360] =	vst v63  }
0xc1: {  	v58 =	vld [tilespmem:s31+$0x270]  }
0xc2: {  	vm7 =	vmand vm14, vm3;
	v7 =	vld [tilespmem:s0+$0x30]  }
0xc3: {  	v13 =	vsel vm7, $0x0, v57  }
0xc4: {  	v13 =	vshift.insert v13, v0, s21;
	_ =	sdelay $0x1  }
0xc5: {  	v6 =	vadd.f32 v58, v13  }
0xc6: {  	vm11 =	vne.s32 v7, $0xFFFFFFFF  }
0xc7: {  	(xrf2) =	vadd.seg.scan.f32 vm11, v6;
	_ =	sdelay $0x4  }
0xc8: {  	v59 =	vld [tilespmem:s31+$0x1F0]  }
0xc9: {  	vm12 =	veq.s32 v7, v5;
	vm13 =	veq.s32 v7, v51  }
0xca: {  	vm14 =	vgt.u32 v7, $0xFFFFFFFD;
	vm8 =	vmor vm13, vm12  }
0xcb: {  	vm8 =	vmor vm8, vm14  }
0xcc: {  	v60 =	vsel vm8, $0xFFFFFFFF, v7  }
0xcd: {  	v6 =	vsel vm12, $0x0, v59;
	v61, _, _ =	vpop (xrf2)  }
0xce: {  	v6 =	vadd.f32 v61, v6;
	_ =	sdelay $0x1  }
0xcf: {  	s3 =	sadd.s32 $0x2F0, s31;
	[tilespmem:s31+$0x2F0] =	vst v6;
	(ifvalue) =	ssetifvalue $0xFFFFFFFF  }
0xd0: {  	[hbm4b:s1+s20] =	stream.indirect_vreg.scatter [tilespmem:s3], [sflag:$0x2], $0x1, v60, vm0, $0x4038;
	[tilespmem:$0x360] =	vst v63  }
0xd1: {  	v4 =	vld [tilespmem:s31+$0x2F0];
	_ =	sdelay $0x2  }
0xd2: {  	vm15 =	veq.s32 v9, $0x1  }
0xd3: {  	v62 =	vsel vm4, v8, v10;
	vm4 =	vmor vm15, vm4  }
0xd4: {  	vm4 =	vmor vm4, vm5;
	v6 =	vsel vm5, v54, v62;
	v4 =	vshift.insert v4, v0, s21  }
0xd5: {  	vm4 =	vmor vm4, vm6;
	s22 =	simm.s32 $0x30;
	v6 =	vsel vm6, v57, v6  }
0xd6: {  	vm4 =	vmor vm4, vm12;
	v5 =	vsel vm12, v61, v6;
	[tilespmem:s22+$0x0] =	vst.msk $0x1, v4  }
0xd7: {  	v63 =	vsel vm4, $0x1, v1;
	[tilespmem:$0x90] =	vst v5  }
0xd8: {  	s0 =	sadd.s32 @!p1 $0x2FF, s31;
	[tilespmem:$0xA0] =	vst v63  }
0xd9: {  	[spmem:s12] =	stream.linear.scatter @!p1 [tilespmem:s0], [sflag:$0x1], $0x1, $0x38;
	[tilespmem:$0x360] =	vst v63  }
0xda: {  	v4 =	vmctz.xlane @!p1 vm4;
	_ =	swait.ge @!p1 [sflag:s26], $0x1  }
0xdb: {  	(v2sf) =	vpush @!p1 v3, $0x0  }
0xdc: {  	(v2sf) =	vpush @!p1 v4, $0x0;
	_ =	sdelay $0xd  }
0xdd: {  	s0 =	spop @!p1 (v2sf)  }
0xde: {  	s3 =	spop @!p1 (v2sf)  }
0xdf: {  	p2 =	sne.s32 @!p1 s30, s0;
	p3 =	slt.s32 @!p1 s3, $0xF  }
0xe0: {  	[sflag:s26] =	ssyncset.done @!p1 $0x0;
	p2 =	por p2, p1;
	p3 =	por !p3, p1  }
0xe1: {  	[sflag:s26] =	ssyncadd.s32 @!p1 $0xFFFFFFFF;
	v3 =	vimm.s32 @!p2 $0xFFFFFFFF;
	s3 =	simm.s32 @p3 $0xF  }
0xe2: {  	[tilespmem:$0x80] =	vst @!p2 v3;
	s0 =	sadd.s32 @!p1 $0x90, s3  }
0xe3: {  	[spmem:s10] =	stream.linear.scatter @!p1 [tilespmem:s0], [sflag:$0x1], $0x1, $0x38;
	[tilespmem:$0x360] =	vst v63  }
0xe4: {  	_ =	swait.ge @!p1 [sflag:s26], $0x1  }
0xe5: {  	[sflag:s26] =	ssyncset.done @!p1 $0x0  }
0xe6: {  	s0 =	simm.s32 @!p1 $0x80;
	[sflag:s26] =	ssyncadd.s32 @!p1 $0xFFFFFFFF  }
0xe7: {  	[spmem:s13] =	stream.linear.scatter @!p1 [tilespmem:s0], [sflag:$0x1], $0x1, $0x38;
	[tilespmem:$0x360] =	vst v63  }
0xe8: {  	_ =	swait.ge @!p1 [sflag:s26], $0x1  }
0xe9: {  	[sflag:s26] =	ssyncset.done @!p1 $0x0  }
0xea: {  	[sflag:s26] =	ssyncadd.s32 @!p1 $0xFFFFFFFF;
	(ifvalue) =	ssetifvalue $0xFFFFFFFF;
	v3 =	vld [tilespmem:s28+$0x10];
	_ =	sdelay $0x3  }
.Ltmp4:
0xeb: {  	_ = 	snop;
	(pc) =	sbr.rel .LBB2_5-.Ltmp4, $3  }
0xec: {  	_ =	sdelay $0x1  }
0xed: {  	(ifvalue) =	ssetifvalue $0xFFFFFFFF  }
0xee: {  	[hbm4b:s1+s20] =	stream.indirect_vreg.scatter [tilespmem:s29], [sflag:$0x9], $0x1, v3, vm0, $0x4038;
	[tilespmem:$0x360] =	vst v63  }
.LBB2_6:
0xef: {  	_ =	sfence.sel $0x180000  }
0xf0: {  	s0 =	simm.s32 $0x7;
	[bflag:$0x0] =	sbarrier.arrive $0xFFFF  }
0xf1: {  	s26 =	simm.s32 $0x8;
	[sflag:s0] =	ssyncpa.u1 $0x1  }
0xf2: {  	s28 =	simm.s32 $0x9;
	[sflag:s26] =	ssyncpa.u1 $0x1  }
0xf3: {  	[sflag:s28] =	ssyncpa.u1 $0x1  }
0xf4: {  	_ =	sfence.stream.spmem  }
0xf5: {  	s29 =	simm.s32 $0x3;
	[bflag:$0x0] =	sbarrier.arrive $0xFFFF  }
0xf6: {  	s30 =	simm.s32 $0x4;
	[sflag:s29] =	ssyncpa.u1 $0x1  }
0xf7: {  	s31 =	simm.s32 $0x3C;
	[sflag:s30] =	ssyncpa.u1 $0x1  }
0xf8: {  	[sflag:s31] =	ssyncpa.u1 $0x1  }
0xf9: {  	s0 =	simm.s32 @p0 $0x1;
	_ =	sfence @p0  }
0xfa: {  	[sflag:s0] =	ssyncpa.u1 @p0 $0x1;
	s0 =	simm.s32 @p0 $0x2  }
0xfb: {  	[sflag:s0] =	ssyncpa.u1 @p0 $0x1  }
0xfc: {  	_ =	strace @p0 $0x90000047  }
0xfd: {  	[bflag:$0x2] =	sbarrier.arrive @p0 $0xFFFF  }
0xfe: {  	_ =	shalt @p0  }
.LBB2_7:
0xff: {  	_ =	sfence.stream.spmem;
	s0 =	simm.s32 $0x5  }
0x100: {  	s2 =	simm.s32 $0x80;
	s3 =	simm.s32 $0xC0;
	[sflag:s0] =	ssyncpa.u1 $0x0  }
0x101: {  	[tilespmem:s3], [sflag:$0x5] =	stream.linear.gather [spmem:s2], $0x20, $0x38;
	[tilespmem:$0x360] =	vst v63  }
0x102: {  	s2 =	simm.s32 $0x0;
	s3 =	simm.s32 $0xE0  }
0x103: {  	[tilespmem:s3], [sflag:$0x5] =	stream.linear.gather [spmem:s2], $0x20, $0x38;
	[tilespmem:$0x360] =	vst v63  }
.Ltmp5:
0x104: {  	_ = 	snop;
	(pc) =	sbr.rel .LBB2_8-.Ltmp5, $4  }
0x105: {  	_ =	swait.ge [sflag:s0], $0x40  }
0x106: {  	[sflag:s0] =	ssyncset.done $0x0  }
0x107: {  	s31 =	simm.s32 $0x6;
	[sflag:s0] =	ssyncadd.s32 $0xFFFFFFC0  }
0x108: {  	s4 =	simm.s32 $0x0;
	[sflag:s31] =	ssyncpa.u1 $0x0  }
.LBB2_13:
0x109: {  	p0 =	sgt.u32 s5, $0x7F  }
0x10a: {  	s0 =	sshrl.u32 @!p0 s5, $0x3  }
0x10b: {  	s5 =	sand.u32 @!p0 $0x7, s5;
	s6 =	simm.s32 @!p0 $0xB0;
	s0 =	sadd.s32 @!p0 s1, s0  }
0x10c: {  	[tilespmem:s6], [sflag:$0x6] =	stream.linear.gather @!p0 [hbm4b:s0+s5], $0x1, $0x38;
	[tilespmem:$0x360] =	vst v63  }
0x10d: {  	s0 =	simm.s32 @!p0 $0x6  }
0x10e: {  	_ =	swait.ge @!p0 [sflag:s0], $0x1  }
0x10f: {  	[sflag:s0] =	ssyncset.done @!p0 $0x0  }
0x110: {  	[sflag:s0] =	ssyncadd.s32 @!p0 $0xFFFFFFFF  }
0x111: {  	v2 =	vmov @!p0 s4;
	v1 =	vld.msk @!p0 [tilespmem:$0xB0], $0x1;
	_ =	sdelay $0x3  }
0x112: {  	s0 =	simm.s32 @!p0 $0xE0  }
0x113: {  	[tilespmem:v2+s0+$0x0], v1 =	vst.idx.ret.add.f32.msk @!p0 $0x1, v1  }
0x114: {  	[tilespmem:s2+$0xC0] =	vst.msk $0x1, v0  }
0x115: {  	v0 =	vld.msk [tilespmem:s4+$0xE0], $0x1;
	_ =	sdelay $0x4  }
0x116: {  	[tilespmem:s2+$0xE0] =	vst.msk $0x1, v0;
	s2 =	sadd.s32 $0x1, s2  }
.LBB2_15:
0x117: {  	s4 =	sadd.s32 $0x1, s4  }
0x118: {  	p0 =	sne.s32 s4, $0x20  }
.Ltmp6:
0x119: {  	_ = 	snop;
	(pc) =	sbr.rel @!p0 .LBB2_16-.Ltmp6, $1  }
0x11a: {  	_ =	sdelay $0x3  }
.LBB2_8:
0x11b: {  	v0 =	vld.msk [tilespmem:s4+$0xC0], $0x1;
	_ =	sdelay $0x4  }
0x11c: {  	(v2sf) =	vpush v0, $0x0;
	_ =	sdelay $0xe  }
0x11d: {  	s5 =	spop (v2sf)  }
0x11e: {  	p0 =	seq.s32 s5, $0xFFFFFFFF  }
.Ltmp7:
0x11f: {  	_ = 	snop;
	(pc) =	sbr.rel @p0 .LBB2_15-.Ltmp7, $1  }
0x120: {  	_ =	sdelay $0x3  }
0x121: {  	p0 =	slt.s32 s2, $0x1  }
.Ltmp8:
0x122: {  	_ = 	snop;
	(pc) =	sbr.rel @p0 .LBB2_13-.Ltmp8, $1  }
0x123: {  	_ =	sdelay $0x3  }
0x124: {  	s0 =	simm.s32 $0xC0;
	p0 =	por $0x0, $0x0  }
0x125: {  	v1 =	vld.msk @!p0 [tilespmem:s0+$0x0], $0x1;
	_ =	sdelay $0x4  }
0x126: {  	(v2sf) =	vpush @!p0 v1, $0x0;
	_ =	sdelay $0xd  }
0x127: {  	p2 =	sne.s32 s2, $0x1  }
.Ltmp9:
0x128: {  	s6 =	spop @!p0 (v2sf);
	(pc) =	sbr.rel @!p2 .LBB2_12-.Ltmp9, $4  }
0x129: {  	p1 =	seq.s32 @!p0 s5, s6  }
0x12a: {  	s6 =	simm.s32 $0x0;
	p1 =	por !p1, p0  }
0x12b: {  	s8 =	simm.s32 $0xFFFFFFFF;
	s6 =	simm.s32 @p1 $0xFFFFFFFF  }
0x12c: {  	s7 =	simm.s32 $0x1;
	s6 =	smov.u32 @p0 s8  }
.LBB2_11:
0x12d: {  	s8 =	smov.u32 s6;
	p0 =	sne.s32 s6, $0xFFFFFFFF  }
0x12e: {  	s0 =	sadd.s32 $0x1, s0;
	s6 =	smov.u32 s7;
	s7 =	sadd.s32 $0x1, s7  }
0x12f: {  	p1 =	sne.s32 s2, s7;
	v1 =	vld.msk @!p0 [tilespmem:s0+$0x0], $0x1;
	_ =	sdelay $0x4  }
0x130: {  	(v2sf) =	vpush @!p0 v1, $0x0;
	_ =	sdelay $0xe  }
.Ltmp10:
0x131: {  	s9 =	spop @!p0 (v2sf);
	(pc) =	sbr.rel @p1 .LBB2_11-.Ltmp10, $4  }
0x132: {  	p2 =	seq.s32 @!p0 s5, s9  }
0x133: {  	p2 =	por !p2, p0  }
0x134: {  	s6 =	simm.s32 @p2 $0xFFFFFFFF  }
0x135: {  	s6 =	smov.u32 @p0 s8  }
.LBB2_12:
0x136: {  	p0 =	sne.s32 s6, $0xFFFFFFFF  }
.Ltmp11:
0x137: {  	_ = 	snop;
	(pc) =	sbr.rel @!p0 .LBB2_13-.Ltmp11, $1  }
0x138: {  	_ =	sdelay $0x3  }
0x139: {  	v0 =	vld.msk [tilespmem:s4+$0xE0], $0x1;
	v1 =	vmov s6  }
.Ltmp12:
0x13a: {  	_ = 	snop;
	(pc) =	sbr.rel .LBB2_15-.Ltmp12, $2  }
0x13b: {  	_ =	sdelay $0x2  }
0x13c: {  	[tilespmem:v1+s3+$0x0], v0 =	vst.idx.ret.add.f32.msk $0x1, v0  }
.LBB2_16:
0x13d: {  	p0 =	slt.s32 s2, $0x1  }
.Ltmp13:
0x13e: {  	_ = 	snop;
	(pc) =	sbr.rel @p0 .LBB2_20-.Ltmp13, $3  }
0x13f: {  	_ =	sdelay $0x1  }
0x140: {  	s0 =	simm.s32 $0x6  }
0x141: {  	[sflag:s0] =	ssyncpa.u1 $0x1;
	s0 =	simm.s32 $0x0  }
0x142: {  	s3 =	simm.s32 $0xC0  }
0x143: {  	v0 =	vld.msk [tilespmem:s3+$0x0], $0x1;
	_ =	sdelay $0x4  }
0x144: {  	(v2sf) =	vpush v0, $0x0;
	_ =	sdelay $0xe  }
0x145: {  	s2 =	sadd.s32 $0xFFFFFFFF, s2;
	s4 =	spop (v2sf)  }
0x146: {  	p1 =	sne.s32 s2, $0x0;
	p0 =	sgt.u32 s4, $0x7F  }
.Ltmp14:
0x147: {  	s5 =	sshrl.u32 @!p0 s4, $0x3;
	(pc) =	sbr.rel @!p1 .LBB2_19-.Ltmp14, $4  }
0x148: {  	s3 =	simm.s32 $0xE0;
	s4 =	sand.u32 @!p0 $0x7, s4;
	s5 =	sadd.s32 @!p0 s1, s5  }
0x149: {  	[hbm4b:s5+s4] =	stream.linear.scatter @!p0 [tilespmem:s3], [sflag:$0x5], $0x1, $0x38;
	[tilespmem:$0x360] =	vst v63  }
0x14a: {  	s5 =	simm.s32 $0x0  }
0x14b: {  	s4 =	simm.s32 $0xC1;
	s5 =	simm.s32 @!p0 $0x4  }
.LBB2_18:
0x14c: {  	v0 =	vld.msk [tilespmem:s4+$0x0], $0x1;
	s2 =	sadd.s32 $0xFFFFFFFF, s2;
	s0 =	sadd.s32 s0, s5  }
0x14d: {  	p0 =	sne.s32 s2, $0x0;
	_ =	sdelay $0x3  }
0x14e: {  	(v2sf) =	vpush v0, $0x0;
	_ =	sdelay $0xe  }
.Ltmp15:
0x14f: {  	s6 =	spop (v2sf);
	(pc) =	sbr.rel @p0 .LBB2_18-.Ltmp15, $4  }
0x150: {  	s5 =	simm.s32 $0x0;
	p1 =	sgt.u32 s6, $0x7F  }
0x151: {  	s3 =	sadd.s32 $0x1, s3;
	s5 =	simm.s32 @!p1 $0x4;
	s7 =	sshrl.u32 @!p1 s6, $0x3  }
0x152: {  	s4 =	sadd.s32 $0x1, s4;
	s6 =	sand.u32 @!p1 $0x7, s6;
	s7 =	sadd.s32 @!p1 s1, s7  }
0x153: {  	[hbm4b:s7+s6] =	stream.linear.scatter @!p1 [tilespmem:s3], [sflag:$0x5], $0x1, $0x38;
	[tilespmem:$0x360] =	vst v63  }
.LBB2_19:
0x154: {  	s0 =	sadd.s32 s0, s5  }
0x155: {  	s0 =	sshrl.u32 s0, $0x2  }
.LBB2_20:
0x156: {  	s1 =	simm.s32 $0x5  }
0x157: {  	_ =	swait.ge [sflag:s1], s0  }
0x158: {  	s28 =	ssub.s32 $0x0, s0;
	[sflag:s1] =	ssyncset.done $0x0  }
0x159: {  	[sflag:s1] =	ssyncadd.s32 s28  }
0x15a: {  	[sflag:s1] =	ssyncpa.u1 $0x1  }
0x15b: {  	s29 =	simm.s32 $0x1;
	_ =	sfence  }
0x15c: {  	s30 =	simm.s32 $0x2;
	[sflag:s29] =	ssyncpa.u1 $0x1  }
0x15d: {  	[sflag:s30] =	ssyncpa.u1 $0x1  }
0x15e: {  	_ =	strace $0x90000047  }
0x15f: {  	[bflag:$0x2] =	sbarrier.arrive $0xFFFF  }
0x160: {  	s31 =	rddreg [dreg:$0x3]  }
0x161: {  	s0 =	sadd.s32 $0x100000, s31  }
0x162: {  	[sflag:s0] =	ssyncadd.tile.s32 $0x1;
	_ =	shalt  }
.Lfunc_end2:
_tile_overlayer_lowered:
.L_overlay_start_2:
0x163: {  	(tag) =	ssettag $0x2  }
0x164: {  	s0 =	rddreg [dreg:$0x0];
	s2 =	stileid.u32  }
0x165: {  	s1 =	rddreg [dreg:$0x1];
	p0 =	sne.s32 s2, $0x0  }
0x166: {  	s3 =	rddreg [dreg:$0x2];
	[bflag:$0x3] =	sbarrier.arrive $0xFFFF;
	s2 =	simm.s32 @!p0 $0x1C01  }
0x167: {  	[timem:s3], [sflag:s2] =	dma.local @!p0 [hbm:s0], s1  }
0x168: {  	s0 =	simm.s32 @!p0 $0x1  }
0x169: {  	_ =	swait.ge @!p0 [sflag:s0], s1  }
0x16a: {  	s1 =	ssub.s32 @!p0 $0x0, s1;
	[sflag:s0] =	ssyncset.done @!p0 $0x0  }
0x16b: {  	[sflag:s0] =	ssyncadd.s32 @!p0 s1  }
0x16c: {  	[bflag:$0x3] =	sbarrier.arrive $0xFFFF  }
0x16d: {  	_ =	shalt  }

</sc_bundles>
